<compile_context>
chip_gen: v7x
topology: tpu7x:2x2x1
jax: 0.10.2.dev20260603
libtpu: 0.0.44.dev20260713+nightly
codegen_flags: <defaults>
</compile_context>

<pallas_src>
import functools

import jax
import jax.numpy as jnp
from jax import lax
from jax.experimental import pallas as pl
from jax.experimental.pallas import tpu as pltpu
from jax.experimental.pallas import tpu_sc as plsc

NUM_MESH = 10242
FEAT = 128
HFEAT = FEAT // 2
CNTW = 16
N_PAD = 10368
NC = 2
NS = 16
EDGES = 320000
CHUNK = 80
NBUF = 2
E_PAD = 320000
E_PER_T = E_PAD // NS
N_CHUNKS = E_PER_T // CHUNK
N_OUTER = N_CHUNKS // NBUF
ROWS_PER_TILE = N_PAD // NS
STG = 72


def _sc_body(table_hbm, src_hbm, dst_hbm,
             psum_hbm, cnt_hbm,
             src_v, dst_v, idx_v, rows_v, ones_v, stg_v, cstg_v,
             acc_sh, cnt_sh, sem_in, sem_g):
    c = lax.axis_index("c")
    s = lax.axis_index("s")
    row0 = s * ROWS_PER_TILE
    core0 = c == 0
    core1 = c == 1

    zeros16 = jnp.zeros((16,), jnp.float32)
    ones16 = jnp.ones((16,), jnp.float32)

    def fill_stg(i, carry):
        for j in range(HFEAT // 16):
            stg_v[i, pl.ds(j * 16, 16)] = zeros16
        return carry
    lax.fori_loop(0, STG, fill_stg, 0)

    def fill_cstg(i, carry):
        cstg_v[i, pl.ds(0, 16)] = zeros16
        return carry
    lax.fori_loop(0, STG, fill_cstg, 0)

    def fill_ones(i, carry):
        ones_v[i, pl.ds(0, 16)] = ones16
        return carry
    lax.fori_loop(0, CHUNK, fill_ones, 0)

    for q in range(ROWS_PER_TILE // STG):
        pltpu.sync_copy(stg_v, acc_sh.at[pl.ds(row0 + q * STG, STG)])
        pltpu.sync_copy(cstg_v, cnt_sh.at[pl.ds(row0 + q * STG, STG)])

    plsc.subcore_barrier()

    base_t = s * E_PER_T

    def issue_loads(k, b):
        base = pl.multiple_of(base_t + k * CHUNK, 8)
        pltpu.async_copy(src_hbm.at[pl.ds(base, CHUNK)], src_v.at[b], sem_in[b])
        pltpu.async_copy(dst_hbm.at[pl.ds(base, CHUNK)], dst_v.at[b], sem_in[b])

    def wait_loads(b):
        pltpu.make_async_copy(src_hbm.at[pl.ds(0, CHUNK)], src_v.at[b],
                              sem_in[b]).wait()
        pltpu.make_async_copy(dst_hbm.at[pl.ds(0, CHUNK)], dst_v.at[b],
                              sem_in[b]).wait()

    def transform_and_gather(b):
        for j in range(CHUNK // 16):
            sl = pl.ds(j * 16, 16)
            idx_v[b, sl] = src_v[b, sl] * 2 + c
        pltpu.async_copy(table_hbm.at[idx_v.at[b]], rows_v.at[b], sem_g[b])

    def wait_gather(b):
        pltpu.make_async_copy(table_hbm.at[idx_v.at[b]], rows_v.at[b],
                              sem_g[b]).wait()

    issue_loads(0, 0)
    issue_loads(1, 1)
    wait_loads(0)
    transform_and_gather(0)

    def outer_body(k0, carry):
        for b in range(NBUF):
            k = k0 * NBUF + b
            nb = (b + 1) % NBUF
            if b < NBUF - 1:
                wait_loads(nb)
                transform_and_gather(nb)
            else:
                @pl.when(k0 < N_OUTER - 1)
                def _():
                    wait_loads(nb)
                    transform_and_gather(nb)

            wait_gather(b)
            pltpu.sync_copy(rows_v.at[b], acc_sh.at[dst_v.at[b]], add=True)

            @pl.when(core0 if b == 0 else core1)
            def _():
                pltpu.sync_copy(ones_v, cnt_sh.at[dst_v.at[b]], add=True)

            @pl.when(k0 < N_OUTER - 1)
            def _():
                issue_loads(k + NBUF, b)
        return carry

    lax.fori_loop(0, N_OUTER, outer_body, 0)

    plsc.subcore_barrier()

    out0 = c * N_PAD + row0
    for q in range(ROWS_PER_TILE // STG):
        pltpu.sync_copy(acc_sh.at[pl.ds(row0 + q * STG, STG)], stg_v)
        pltpu.sync_copy(stg_v, psum_hbm.at[pl.ds(out0 + q * STG, STG)])
        pltpu.sync_copy(cnt_sh.at[pl.ds(row0 + q * STG, STG)], cstg_v)
        pltpu.sync_copy(cstg_v, cnt_hbm.at[pl.ds(out0 + q * STG, STG)])


def _make_sc_call():
    mesh = plsc.VectorSubcoreMesh(core_axis_name="c", subcore_axis_name="s")
    return functools.partial(
        pl.kernel,
        mesh=mesh,
        compiler_params=pltpu.CompilerParams(use_tc_tiling_on_sc=False),
        out_type=(
            jax.ShapeDtypeStruct((NC * N_PAD, HFEAT), jnp.float32),
            jax.ShapeDtypeStruct((NC * N_PAD, CNTW), jnp.float32),
        ),
        scratch_types=[
            pltpu.VMEM((NBUF, CHUNK), jnp.int32),
            pltpu.VMEM((NBUF, CHUNK), jnp.int32),
            pltpu.VMEM((NBUF, CHUNK), jnp.int32),
            pltpu.VMEM((NBUF, CHUNK, HFEAT), jnp.float32),
            pltpu.VMEM((CHUNK, CNTW), jnp.float32),
            pltpu.VMEM((STG, HFEAT), jnp.float32),
            pltpu.VMEM((STG, CNTW), jnp.float32),
            pltpu.VMEM_SHARED((N_PAD, HFEAT), jnp.float32),
            pltpu.VMEM_SHARED((N_PAD, CNTW), jnp.float32),
            [pltpu.SemaphoreType.DMA] * NBUF,
            [pltpu.SemaphoreType.DMA] * NBUF,
        ],
    )(_sc_body)


def _combine_body(psum_ref, cnt_ref, out_ref):
    total = jnp.concatenate((psum_ref[0], psum_ref[1]), axis=1)
    counts = cnt_ref[0, :, 0] + cnt_ref[1, :, 0]
    out_ref[...] = total / jnp.maximum(counts, 1.0)[:, None]


def _combine(psum, cnt):
    grid = N_PAD // 128
    return pl.pallas_call(
        _combine_body,
        grid=(grid,),
        in_specs=[
            pl.BlockSpec((NC, 128, HFEAT), lambda i: (0, i, 0)),
            pl.BlockSpec((NC, 128, CNTW), lambda i: (0, i, 0)),
        ],
        out_specs=pl.BlockSpec((128, FEAT), lambda i: (i, 0)),
        out_shape=jax.ShapeDtypeStruct((N_PAD, FEAT), jnp.float32),
    )(psum, cnt)


def kernel(grid_node_features, edge_index):
    feats = grid_node_features[0]
    table2 = feats.reshape(-1, HFEAT)
    eidx = edge_index[0].astype(jnp.int32)
    src = eidx[:, 0]
    dst = eidx[:, 1]
    psum, cnt = _make_sc_call()(table2, src, dst)
    out = _combine(psum.reshape(NC, N_PAD, HFEAT),
                   cnt.reshape(NC, N_PAD, CNTW))
    return out[:NUM_MESH][None]

# --- scband reference (transcript-rebuilt; emitter-appended) ---
"""Pipeline reference for scband-aggregation-encoder-12704513262329 (READ-ONLY COPY).

The authoritative reference and input builder live on the scoring server;
editing this copy changes nothing except your own understanding.
"""

import jax, jax.numpy as jnp
import numpy as np

NUM_MESH_NODES = 10242
MESH_EMBEDDING_SIZE = 128


def setup_inputs(seed: int = 0) -> dict:
    key = jax.random.key(seed)
    k1, k2 = jax.random.split(key)
    grid_node_features = jax.random.normal(k1, (1, 100000, 128), dtype=jnp.float32)
    edge_index = jax.random.randint(k2, (1, 320000, 2), 0, NUM_MESH_NODES, dtype=jnp.int64)
    return {"grid_node_features": grid_node_features, "edge_index": edge_index}


def reference(grid_node_features, edge_index):
    """Aggregate (mean) grid node features into mesh nodes along grid->mesh edges.

    grid_node_features: [batch, num_grid_nodes, num_features]
    edge_index: [batch, num_edges, 2] where [:, :, 0] = grid (src) idx, [:, :, 1] = mesh (dst) idx
    returns: [batch, num_mesh_nodes, mesh_embedding_size]
    """

    def per_batch(feats, eidx):
        src = eidx[:, 0]
        dst = eidx[:, 1]
        gathered = jnp.take(feats, src, axis=0)  # [num_edges, num_features]
        summed = jax.ops.segment_sum(gathered, dst, num_segments=NUM_MESH_NODES)
        counts = jax.ops.segment_sum(
            jnp.ones((eidx.shape[0],), dtype=feats.dtype), dst, num_segments=NUM_MESH_NODES
        )
        denom = jnp.maximum(counts, 1.0)[:, None]
        return summed / denom

    return jax.vmap(per_batch)(grid_node_features, edge_index)

if __name__ == "__main__":
    import jax
    _d = setup_inputs()
    print(jax.jit(kernel)(*tuple(_d.values())))

</pallas_src>

<mosaic_0001>
#map = affine_map<(d0, d1) -> (0, 0)>
#map1 = affine_map<(d0, d1) -> (0)>
module attributes {stable_mosaic.version = 14 : i64} {
  func.func @_sc_body(%arg0: i32, %arg1: i32, %arg2: memref<200000x64xf32, #tpu.memory_space<hbm>>, %arg3: memref<320000xi32, #tpu.memory_space<hbm>>, %arg4: memref<320000xi32, #tpu.memory_space<hbm>>, %arg5: memref<20736x64xf32, #tpu.memory_space<hbm>>, %arg6: memref<20736x16xf32, #tpu.memory_space<hbm>>, %arg7: memref<2x80xi32, #tpu.memory_space<vmem>>, %arg8: memref<2x80xi32, #tpu.memory_space<vmem>>, %arg9: memref<2x80xi32, #tpu.memory_space<vmem>>, %arg10: memref<2x80x64xf32, #tpu.memory_space<vmem>>, %arg11: memref<80x16xf32, #tpu.memory_space<vmem>>, %arg12: memref<72x64xf32, #tpu.memory_space<vmem>>, %arg13: memref<72x16xf32, #tpu.memory_space<vmem>>, %arg14: memref<10368x64xf32, #tpu.memory_space<vmem_shared>>, %arg15: memref<10368x16xf32, #tpu.memory_space<vmem_shared>>, %arg16: memref<!tpu.dma_semaphore, #tpu.memory_space<semaphore_mem>>, %arg17: memref<!tpu.dma_semaphore, #tpu.memory_space<semaphore_mem>>, %arg18: memref<!tpu.dma_semaphore, #tpu.memory_space<semaphore_mem>>, %arg19: memref<!tpu.dma_semaphore, #tpu.memory_space<semaphore_mem>>) attributes {dimension_semantics = [#tpu.dimension_semantics<core_parallel>, #tpu.dimension_semantics<subcore_parallel>], iteration_bounds = array<i64: 2, 16>, scalar_prefetch = 0 : i64, scratch_operands = 13 : i64, tpu.core_type = #tpu.core_type<sc_vector_subcore>, window_params = [{transform_indices = #map}, {transform_indices = #map1}, {transform_indices = #map1}, {transform_indices = #map}, {transform_indices = #map}]} {
    %mul3A = arith.constant 648 : i32
    %mul3A_0 = arith.muli %arg1, %mul3A : i32
    %eq3A = arith.constant 0 : i32
    %eq3A_1 = arith.cmpi eq, %arg0, %eq3A : i32
    %eq3A_2 = arith.constant 1 : i32
    %eq3A_3 = arith.cmpi eq, %arg0, %eq3A_2 : i32
    %broadcast_in_dim3A = arith.constant 0.000000e+00 : f32
    %broadcast_in_dim3A_4 = vector.broadcast %broadcast_in_dim3A : f32 to vector<16xf32>
    %broadcast_in_dim3A_5 = arith.constant 1.000000e+00 : f32
    %broadcast_in_dim3A_6 = vector.broadcast %broadcast_in_dim3A_5 : f32 to vector<16xf32>
    %scan3A = arith.constant 0 : i32
    %scan3A_7 = arith.constant 0 : i32
    %scan3A_8 = arith.constant 72 : i32
    %scan3A_9 = arith.addi %scan3A_7, %scan3A_8 : i32
    %scan3A_10 = arith.constant 1 : i32
    scf.for %scan3A_294 = %scan3A_7 to %scan3A_9 step %scan3A_10  : i32 {
      %swap3A_295 = arith.index_cast %scan3A_294 : i32 to index
      %swap3A_296 = arith.constant 0 : index
      %swap3A_297 = tpu.vector_load %arg12[%swap3A_295, %swap3A_296] {strides = array<i32>} : memref<72x64xf32, #tpu.memory_space<vmem>>, vector<1x16xf32>,
      %swap3A_298 = vector.shape_cast %swap3A_297 : vector<1x16xf32> to vector<16xf32>
      %swap3A_299 = vector.shape_cast %broadcast_in_dim3A_4 : vector<16xf32> to vector<1x16xf32>
      tpu.vector_store %arg12[%swap3A_295, %swap3A_296], %swap3A_299 {strides = array<i32>} : memref<72x64xf32, #tpu.memory_space<vmem>>, vector<1x16xf32>,
      %swap3A_300 = arith.index_cast %scan3A_294 : i32 to index
      %swap3A_301 = arith.constant 16 : index
      %swap3A_302 = tpu.vector_load %arg12[%swap3A_300, %swap3A_301] {strides = array<i32>} : memref<72x64xf32, #tpu.memory_space<vmem>>, vector<1x16xf32>,
      %swap3A_303 = vector.shape_cast %swap3A_302 : vector<1x16xf32> to vector<16xf32>
      %swap3A_304 = vector.shape_cast %broadcast_in_dim3A_4 : vector<16xf32> to vector<1x16xf32>
      tpu.vector_store %arg12[%swap3A_300, %swap3A_301], %swap3A_304 {strides = array<i32>} : memref<72x64xf32, #tpu.memory_space<vmem>>, vector<1x16xf32>,
      %swap3A_305 = arith.index_cast %scan3A_294 : i32 to index
      %swap3A_306 = arith.constant 32 : index
      %swap3A_307 = tpu.vector_load %arg12[%swap3A_305, %swap3A_306] {strides = array<i32>} : memref<72x64xf32, #tpu.memory_space<vmem>>, vector<1x16xf32>,
      %swap3A_308 = vector.shape_cast %swap3A_307 : vector<1x16xf32> to vector<16xf32>
      %swap3A_309 = vector.shape_cast %broadcast_in_dim3A_4 : vector<16xf32> to vector<1x16xf32>
      tpu.vector_store %arg12[%swap3A_305, %swap3A_306], %swap3A_309 {strides = array<i32>} : memref<72x64xf32, #tpu.memory_space<vmem>>, vector<1x16xf32>,
      %swap3A_310 = arith.index_cast %scan3A_294 : i32 to index
      %swap3A_311 = arith.constant 48 : index
      %swap3A_312 = tpu.vector_load %arg12[%swap3A_310, %swap3A_311] {strides = array<i32>} : memref<72x64xf32, #tpu.memory_space<vmem>>, vector<1x16xf32>,
      %swap3A_313 = vector.shape_cast %swap3A_312 : vector<1x16xf32> to vector<16xf32>
      %swap3A_314 = vector.shape_cast %broadcast_in_dim3A_4 : vector<16xf32> to vector<1x16xf32>
      tpu.vector_store %arg12[%swap3A_310, %swap3A_311], %swap3A_314 {strides = array<i32>} : memref<72x64xf32, #tpu.memory_space<vmem>>, vector<1x16xf32>,
    }
    %scan3A_11 = arith.constant 72 : i32
    %scan3A_12 = arith.constant 0 : i32
    %scan3A_13 = arith.constant 0 : i32
    %scan3A_14 = arith.constant 72 : i32
    %scan3A_15 = arith.addi %scan3A_13, %scan3A_14 : i32
    %scan3A_16 = arith.constant 1 : i32
    scf.for %scan3A_294 = %scan3A_13 to %scan3A_15 step %scan3A_16  : i32 {
      %swap3A_295 = arith.index_cast %scan3A_294 : i32 to index
      %swap3A_296 = arith.constant 0 : index
      %swap3A_297 = tpu.vector_load %arg13[%swap3A_295, %swap3A_296] {strides = array<i32>} : memref<72x16xf32, #tpu.memory_space<vmem>>, vector<1x16xf32>,
      %swap3A_298 = vector.shape_cast %swap3A_297 : vector<1x16xf32> to vector<16xf32>
      %swap3A_299 = vector.shape_cast %broadcast_in_dim3A_4 : vector<16xf32> to vector<1x16xf32>
      tpu.vector_store %arg13[%swap3A_295, %swap3A_296], %swap3A_299 {strides = array<i32>} : memref<72x16xf32, #tpu.memory_space<vmem>>, vector<1x16xf32>,
    }
    %scan3A_17 = arith.constant 72 : i32
    %scan3A_18 = arith.constant 0 : i32
    %scan3A_19 = arith.constant 0 : i32
    %scan3A_20 = arith.constant 80 : i32
    %scan3A_21 = arith.addi %scan3A_19, %scan3A_20 : i32
    %scan3A_22 = arith.constant 1 : i32
    scf.for %scan3A_294 = %scan3A_19 to %scan3A_21 step %scan3A_22  : i32 {
      %swap3A_295 = arith.index_cast %scan3A_294 : i32 to index
      %swap3A_296 = arith.constant 0 : index
      %swap3A_297 = tpu.vector_load %arg11[%swap3A_295, %swap3A_296] {strides = array<i32>} : memref<80x16xf32, #tpu.memory_space<vmem>>, vector<1x16xf32>,
      %swap3A_298 = vector.shape_cast %swap3A_297 : vector<1x16xf32> to vector<16xf32>
      %swap3A_299 = vector.shape_cast %broadcast_in_dim3A_6 : vector<16xf32> to vector<1x16xf32>
      tpu.vector_store %arg11[%swap3A_295, %swap3A_296], %swap3A_299 {strides = array<i32>} : memref<80x16xf32, #tpu.memory_space<vmem>>, vector<1x16xf32>,
    }
    %scan3A_23 = arith.constant 80 : i32
    %add3A = arith.constant 0 : i32
    %add3A_24 = arith.addi %mul3A_0, %add3A : i32
    "tpu.region"() ({
      %run_scoped3A = tpu.sem_alloc : memref<!tpu.dma_semaphore, #tpu.memory_space<semaphore_mem>>
      %dma_start3A_294 = arith.constant 0 : i32
      %dma_start3A_295 = tpu.memref_slice %arg14[%add3A_24, %dma_start3A_294] : memref<10368x64xf32, #tpu.memory_space<vmem_shared>> -> memref<72x64xf32, #tpu.memory_space<vmem_shared>>
      %dma_start3A_296 = arith.constant 0 : i32
      %dma_start3A_297 = tpu.memref_slice %arg14[%add3A_24, %dma_start3A_296] : memref<10368x64xf32, #tpu.memory_space<vmem_shared>> -> memref<72x64xf32, #tpu.memory_space<vmem_shared>>
      tpu.enqueue_dma source(%arg12 : memref<72x64xf32, #tpu.memory_space<vmem>>) target(%dma_start3A_297 : memref<72x64xf32, #tpu.memory_space<vmem_shared>>) target_semaphore(%run_scoped3A : memref<!tpu.dma_semaphore, #tpu.memory_space<semaphore_mem>>)
      %dma_wait3A_298 = arith.constant 0 : i32
      %dma_wait3A_299 = tpu.memref_slice %arg14[%add3A_24, %dma_wait3A_298] : memref<10368x64xf32, #tpu.memory_space<vmem_shared>> -> memref<72x64xf32, #tpu.memory_space<vmem_shared>>
      %dma_wait3A_300 = arith.constant 0 : i32
      %dma_wait3A_301 = tpu.memref_slice %arg14[%add3A_24, %dma_wait3A_300] : memref<10368x64xf32, #tpu.memory_space<vmem_shared>> -> memref<72x64xf32, #tpu.memory_space<vmem_shared>>
      tpu.wait_dma2 semaphore(%run_scoped3A : memref<!tpu.dma_semaphore, #tpu.memory_space<semaphore_mem>>) src(%arg12 : memref<72x64xf32, #tpu.memory_space<vmem>>) dst(%dma_wait3A_301 : memref<72x64xf32, #tpu.memory_space<vmem_shared>>)
      tpu.yield
    }) : () -> ()
    %add3A_25 = arith.constant 0 : i32
    %add3A_26 = arith.addi %mul3A_0, %add3A_25 : i32
    "tpu.region"() ({
      %run_scoped3A = tpu.sem_alloc : memref<!tpu.dma_semaphore, #tpu.memory_space<semaphore_mem>>
      %dma_start3A_294 = arith.constant 0 : i32
      %dma_start3A_295 = tpu.memref_slice %arg15[%add3A_26, %dma_start3A_294] : memref<10368x16xf32, #tpu.memory_space<vmem_shared>> -> memref<72x16xf32, #tpu.memory_space<vmem_shared>>
      %dma_start3A_296 = arith.constant 0 : i32
      %dma_start3A_297 = tpu.memref_slice %arg15[%add3A_26, %dma_start3A_296] : memref<10368x16xf32, #tpu.memory_space<vmem_shared>> -> memref<72x16xf32, #tpu.memory_space<vmem_shared>>
      tpu.enqueue_dma source(%arg13 : memref<72x16xf32, #tpu.memory_space<vmem>>) target(%dma_start3A_297 : memref<72x16xf32, #tpu.memory_space<vmem_shared>>) target_semaphore(%run_scoped3A : memref<!tpu.dma_semaphore, #tpu.memory_space<semaphore_mem>>)
      %dma_wait3A_298 = arith.constant 0 : i32
      %dma_wait3A_299 = tpu.memref_slice %arg15[%add3A_26, %dma_wait3A_298] : memref<10368x16xf32, #tpu.memory_space<vmem_shared>> -> memref<72x16xf32, #tpu.memory_space<vmem_shared>>
      %dma_wait3A_300 = arith.constant 0 : i32
      %dma_wait3A_301 = tpu.memref_slice %arg15[%add3A_26, %dma_wait3A_300] : memref<10368x16xf32, #tpu.memory_space<vmem_shared>> -> memref<72x16xf32, #tpu.memory_space<vmem_shared>>
      tpu.wait_dma2 semaphore(%run_scoped3A : memref<!tpu.dma_semaphore, #tpu.memory_space<semaphore_mem>>) src(%arg13 : memref<72x16xf32, #tpu.memory_space<vmem>>) dst(%dma_wait3A_301 : memref<72x16xf32, #tpu.memory_space<vmem_shared>>)
      tpu.yield
    }) : () -> ()
    %add3A_27 = arith.constant 72 : i32
    %add3A_28 = arith.addi %mul3A_0, %add3A_27 : i32
    "tpu.region"() ({
      %run_scoped3A = tpu.sem_alloc : memref<!tpu.dma_semaphore, #tpu.memory_space<semaphore_mem>>
      %dma_start3A_294 = arith.constant 0 : i32
      %dma_start3A_295 = tpu.memref_slice %arg14[%add3A_28, %dma_start3A_294] : memref<10368x64xf32, #tpu.memory_space<vmem_shared>> -> memref<72x64xf32, #tpu.memory_space<vmem_shared>>
      %dma_start3A_296 = arith.constant 0 : i32
      %dma_start3A_297 = tpu.memref_slice %arg14[%add3A_28, %dma_start3A_296] : memref<10368x64xf32, #tpu.memory_space<vmem_shared>> -> memref<72x64xf32, #tpu.memory_space<vmem_shared>>
      tpu.enqueue_dma source(%arg12 : memref<72x64xf32, #tpu.memory_space<vmem>>) target(%dma_start3A_297 : memref<72x64xf32, #tpu.memory_space<vmem_shared>>) target_semaphore(%run_scoped3A : memref<!tpu.dma_semaphore, #tpu.memory_space<semaphore_mem>>)
      %dma_wait3A_298 = arith.constant 0 : i32
      %dma_wait3A_299 = tpu.memref_slice %arg14[%add3A_28, %dma_wait3A_298] : memref<10368x64xf32, #tpu.memory_space<vmem_shared>> -> memref<72x64xf32, #tpu.memory_space<vmem_shared>>
      %dma_wait3A_300 = arith.constant 0 : i32
      %dma_wait3A_301 = tpu.memref_slice %arg14[%add3A_28, %dma_wait3A_300] : memref<10368x64xf32, #tpu.memory_space<vmem_shared>> -> memref<72x64xf32, #tpu.memory_space<vmem_shared>>
      tpu.wait_dma2 semaphore(%run_scoped3A : memref<!tpu.dma_semaphore, #tpu.memory_space<semaphore_mem>>) src(%arg12 : memref<72x64xf32, #tpu.memory_space<vmem>>) dst(%dma_wait3A_301 : memref<72x64xf32, #tpu.memory_space<vmem_shared>>)
      tpu.yield
    }) : () -> ()
    %add3A_29 = arith.constant 72 : i32
    %add3A_30 = arith.addi %mul3A_0, %add3A_29 : i32
    "tpu.region"() ({
      %run_scoped3A = tpu.sem_alloc : memref<!tpu.dma_semaphore, #tpu.memory_space<semaphore_mem>>
      %dma_start3A_294 = arith.constant 0 : i32
      %dma_start3A_295 = tpu.memref_slice %arg15[%add3A_30, %dma_start3A_294] : memref<10368x16xf32, #tpu.memory_space<vmem_shared>> -> memref<72x16xf32, #tpu.memory_space<vmem_shared>>
      %dma_start3A_296 = arith.constant 0 : i32
      %dma_start3A_297 = tpu.memref_slice %arg15[%add3A_30, %dma_start3A_296] : memref<10368x16xf32, #tpu.memory_space<vmem_shared>> -> memref<72x16xf32, #tpu.memory_space<vmem_shared>>
      tpu.enqueue_dma source(%arg13 : memref<72x16xf32, #tpu.memory_space<vmem>>) target(%dma_start3A_297 : memref<72x16xf32, #tpu.memory_space<vmem_shared>>) target_semaphore(%run_scoped3A : memref<!tpu.dma_semaphore, #tpu.memory_space<semaphore_mem>>)
      %dma_wait3A_298 = arith.constant 0 : i32
      %dma_wait3A_299 = tpu.memref_slice %arg15[%add3A_30, %dma_wait3A_298] : memref<10368x16xf32, #tpu.memory_space<vmem_shared>> -> memref<72x16xf32, #tpu.memory_space<vmem_shared>>
      %dma_wait3A_300 = arith.constant 0 : i32
      %dma_wait3A_301 = tpu.memref_slice %arg15[%add3A_30, %dma_wait3A_300] : memref<10368x16xf32, #tpu.memory_space<vmem_shared>> -> memref<72x16xf32, #tpu.memory_space<vmem_shared>>
      tpu.wait_dma2 semaphore(%run_scoped3A : memref<!tpu.dma_semaphore, #tpu.memory_space<semaphore_mem>>) src(%arg13 : memref<72x16xf32, #tpu.memory_space<vmem>>) dst(%dma_wait3A_301 : memref<72x16xf32, #tpu.memory_space<vmem_shared>>)
      tpu.yield
    }) : () -> ()
    %add3A_31 = arith.constant 144 : i32
    %add3A_32 = arith.addi %mul3A_0, %add3A_31 : i32
    "tpu.region"() ({
      %run_scoped3A = tpu.sem_alloc : memref<!tpu.dma_semaphore, #tpu.memory_space<semaphore_mem>>
      %dma_start3A_294 = arith.constant 0 : i32
      %dma_start3A_295 = tpu.memref_slice %arg14[%add3A_32, %dma_start3A_294] : memref<10368x64xf32, #tpu.memory_space<vmem_shared>> -> memref<72x64xf32, #tpu.memory_space<vmem_shared>>
      %dma_start3A_296 = arith.constant 0 : i32
      %dma_start3A_297 = tpu.memref_slice %arg14[%add3A_32, %dma_start3A_296] : memref<10368x64xf32, #tpu.memory_space<vmem_shared>> -> memref<72x64xf32, #tpu.memory_space<vmem_shared>>
      tpu.enqueue_dma source(%arg12 : memref<72x64xf32, #tpu.memory_space<vmem>>) target(%dma_start3A_297 : memref<72x64xf32, #tpu.memory_space<vmem_shared>>) target_semaphore(%run_scoped3A : memref<!tpu.dma_semaphore, #tpu.memory_space<semaphore_mem>>)
      %dma_wait3A_298 = arith.constant 0 : i32
      %dma_wait3A_299 = tpu.memref_slice %arg14[%add3A_32, %dma_wait3A_298] : memref<10368x64xf32, #tpu.memory_space<vmem_shared>> -> memref<72x64xf32, #tpu.memory_space<vmem_shared>>
      %dma_wait3A_300 = arith.constant 0 : i32
      %dma_wait3A_301 = tpu.memref_slice %arg14[%add3A_32, %dma_wait3A_300] : memref<10368x64xf32, #tpu.memory_space<vmem_shared>> -> memref<72x64xf32, #tpu.memory_space<vmem_shared>>
      tpu.wait_dma2 semaphore(%run_scoped3A : memref<!tpu.dma_semaphore, #tpu.memory_space<semaphore_mem>>) src(%arg12 : memref<72x64xf32, #tpu.memory_space<vmem>>) dst(%dma_wait3A_301 : memref<72x64xf32, #tpu.memory_space<vmem_shared>>)
      tpu.yield
    }) : () -> ()
    %add3A_33 = arith.constant 144 : i32
    %add3A_34 = arith.addi %mul3A_0, %add3A_33 : i32
    "tpu.region"() ({
      %run_scoped3A = tpu.sem_alloc : memref<!tpu.dma_semaphore, #tpu.memory_space<semaphore_mem>>
      %dma_start3A_294 = arith.constant 0 : i32
      %dma_start3A_295 = tpu.memref_slice %arg15[%add3A_34, %dma_start3A_294] : memref<10368x16xf32, #tpu.memory_space<vmem_shared>> -> memref<72x16xf32, #tpu.memory_space<vmem_shared>>
      %dma_start3A_296 = arith.constant 0 : i32
      %dma_start3A_297 = tpu.memref_slice %arg15[%add3A_34, %dma_start3A_296] : memref<10368x16xf32, #tpu.memory_space<vmem_shared>> -> memref<72x16xf32, #tpu.memory_space<vmem_shared>>
      tpu.enqueue_dma source(%arg13 : memref<72x16xf32, #tpu.memory_space<vmem>>) target(%dma_start3A_297 : memref<72x16xf32, #tpu.memory_space<vmem_shared>>) target_semaphore(%run_scoped3A : memref<!tpu.dma_semaphore, #tpu.memory_space<semaphore_mem>>)
      %dma_wait3A_298 = arith.constant 0 : i32
      %dma_wait3A_299 = tpu.memref_slice %arg15[%add3A_34, %dma_wait3A_298] : memref<10368x16xf32, #tpu.memory_space<vmem_shared>> -> memref<72x16xf32, #tpu.memory_space<vmem_shared>>
      %dma_wait3A_300 = arith.constant 0 : i32
      %dma_wait3A_301 = tpu.memref_slice %arg15[%add3A_34, %dma_wait3A_300] : memref<10368x16xf32, #tpu.memory_space<vmem_shared>> -> memref<72x16xf32, #tpu.memory_space<vmem_shared>>
      tpu.wait_dma2 semaphore(%run_scoped3A : memref<!tpu.dma_semaphore, #tpu.memory_space<semaphore_mem>>) src(%arg13 : memref<72x16xf32, #tpu.memory_space<vmem>>) dst(%dma_wait3A_301 : memref<72x16xf32, #tpu.memory_space<vmem_shared>>)
      tpu.yield
    }) : () -> ()
    %add3A_35 = arith.constant 216 : i32
    %add3A_36 = arith.addi %mul3A_0, %add3A_35 : i32
    "tpu.region"() ({
      %run_scoped3A = tpu.sem_alloc : memref<!tpu.dma_semaphore, #tpu.memory_space<semaphore_mem>>
      %dma_start3A_294 = arith.constant 0 : i32
      %dma_start3A_295 = tpu.memref_slice %arg14[%add3A_36, %dma_start3A_294] : memref<10368x64xf32, #tpu.memory_space<vmem_shared>> -> memref<72x64xf32, #tpu.memory_space<vmem_shared>>
      %dma_start3A_296 = arith.constant 0 : i32
      %dma_start3A_297 = tpu.memref_slice %arg14[%add3A_36, %dma_start3A_296] : memref<10368x64xf32, #tpu.memory_space<vmem_shared>> -> memref<72x64xf32, #tpu.memory_space<vmem_shared>>
      tpu.enqueue_dma source(%arg12 : memref<72x64xf32, #tpu.memory_space<vmem>>) target(%dma_start3A_297 : memref<72x64xf32, #tpu.memory_space<vmem_shared>>) target_semaphore(%run_scoped3A : memref<!tpu.dma_semaphore, #tpu.memory_space<semaphore_mem>>)
      %dma_wait3A_298 = arith.constant 0 : i32
      %dma_wait3A_299 = tpu.memref_slice %arg14[%add3A_36, %dma_wait3A_298] : memref<10368x64xf32, #tpu.memory_space<vmem_shared>> -> memref<72x64xf32, #tpu.memory_space<vmem_shared>>
      %dma_wait3A_300 = arith.constant 0 : i32
      %dma_wait3A_301 = tpu.memref_slice %arg14[%add3A_36, %dma_wait3A_300] : memref<10368x64xf32, #tpu.memory_space<vmem_shared>> -> memref<72x64xf32, #tpu.memory_space<vmem_shared>>
      tpu.wait_dma2 semaphore(%run_scoped3A : memref<!tpu.dma_semaphore, #tpu.memory_space<semaphore_mem>>) src(%arg12 : memref<72x64xf32, #tpu.memory_space<vmem>>) dst(%dma_wait3A_301 : memref<72x64xf32, #tpu.memory_space<vmem_shared>>)
      tpu.yield
    }) : () -> ()
    %add3A_37 = arith.constant 216 : i32
    %add3A_38 = arith.addi %mul3A_0, %add3A_37 : i32
    "tpu.region"() ({
      %run_scoped3A = tpu.sem_alloc : memref<!tpu.dma_semaphore, #tpu.memory_space<semaphore_mem>>
      %dma_start3A_294 = arith.constant 0 : i32
      %dma_start3A_295 = tpu.memref_slice %arg15[%add3A_38, %dma_start3A_294] : memref<10368x16xf32, #tpu.memory_space<vmem_shared>> -> memref<72x16xf32, #tpu.memory_space<vmem_shared>>
      %dma_start3A_296 = arith.constant 0 : i32
      %dma_start3A_297 = tpu.memref_slice %arg15[%add3A_38, %dma_start3A_296] : memref<10368x16xf32, #tpu.memory_space<vmem_shared>> -> memref<72x16xf32, #tpu.memory_space<vmem_shared>>
      tpu.enqueue_dma source(%arg13 : memref<72x16xf32, #tpu.memory_space<vmem>>) target(%dma_start3A_297 : memref<72x16xf32, #tpu.memory_space<vmem_shared>>) target_semaphore(%run_scoped3A : memref<!tpu.dma_semaphore, #tpu.memory_space<semaphore_mem>>)
      %dma_wait3A_298 = arith.constant 0 : i32
      %dma_wait3A_299 = tpu.memref_slice %arg15[%add3A_38, %dma_wait3A_298] : memref<10368x16xf32, #tpu.memory_space<vmem_shared>> -> memref<72x16xf32, #tpu.memory_space<vmem_shared>>
      %dma_wait3A_300 = arith.constant 0 : i32
      %dma_wait3A_301 = tpu.memref_slice %arg15[%add3A_38, %dma_wait3A_300] : memref<10368x16xf32, #tpu.memory_space<vmem_shared>> -> memref<72x16xf32, #tpu.memory_space<vmem_shared>>
      tpu.wait_dma2 semaphore(%run_scoped3A : memref<!tpu.dma_semaphore, #tpu.memory_space<semaphore_mem>>) src(%arg13 : memref<72x16xf32, #tpu.memory_space<vmem>>) dst(%dma_wait3A_301 : memref<72x16xf32, #tpu.memory_space<vmem_shared>>)
      tpu.yield
    }) : () -> ()
    %add3A_39 = arith.constant 288 : i32
    %add3A_40 = arith.addi %mul3A_0, %add3A_39 : i32
    "tpu.region"() ({
      %run_scoped3A = tpu.sem_alloc : memref<!tpu.dma_semaphore, #tpu.memory_space<semaphore_mem>>
      %dma_start3A_294 = arith.constant 0 : i32
      %dma_start3A_295 = tpu.memref_slice %arg14[%add3A_40, %dma_start3A_294] : memref<10368x64xf32, #tpu.memory_space<vmem_shared>> -> memref<72x64xf32, #tpu.memory_space<vmem_shared>>
      %dma_start3A_296 = arith.constant 0 : i32
      %dma_start3A_297 = tpu.memref_slice %arg14[%add3A_40, %dma_start3A_296] : memref<10368x64xf32, #tpu.memory_space<vmem_shared>> -> memref<72x64xf32, #tpu.memory_space<vmem_shared>>
      tpu.enqueue_dma source(%arg12 : memref<72x64xf32, #tpu.memory_space<vmem>>) target(%dma_start3A_297 : memref<72x64xf32, #tpu.memory_space<vmem_shared>>) target_semaphore(%run_scoped3A : memref<!tpu.dma_semaphore, #tpu.memory_space<semaphore_mem>>)
      %dma_wait3A_298 = arith.constant 0 : i32
      %dma_wait3A_299 = tpu.memref_slice %arg14[%add3A_40, %dma_wait3A_298] : memref<10368x64xf32, #tpu.memory_space<vmem_shared>> -> memref<72x64xf32, #tpu.memory_space<vmem_shared>>
      %dma_wait3A_300 = arith.constant 0 : i32
      %dma_wait3A_301 = tpu.memref_slice %arg14[%add3A_40, %dma_wait3A_300] : memref<10368x64xf32, #tpu.memory_space<vmem_shared>> -> memref<72x64xf32, #tpu.memory_space<vmem_shared>>
      tpu.wait_dma2 semaphore(%run_scoped3A : memref<!tpu.dma_semaphore, #tpu.memory_space<semaphore_mem>>) src(%arg12 : memref<72x64xf32, #tpu.memory_space<vmem>>) dst(%dma_wait3A_301 : memref<72x64xf32, #tpu.memory_space<vmem_shared>>)
      tpu.yield
    }) : () -> ()
    %add3A_41 = arith.constant 288 : i32
    %add3A_42 = arith.addi %mul3A_0, %add3A_41 : i32
    "tpu.region"() ({
      %run_scoped3A = tpu.sem_alloc : memref<!tpu.dma_semaphore, #tpu.memory_space<semaphore_mem>>
      %dma_start3A_294 = arith.constant 0 : i32
      %dma_start3A_295 = tpu.memref_slice %arg15[%add3A_42, %dma_start3A_294] : memref<10368x16xf32, #tpu.memory_space<vmem_shared>> -> memref<72x16xf32, #tpu.memory_space<vmem_shared>>
      %dma_start3A_296 = arith.constant 0 : i32
      %dma_start3A_297 = tpu.memref_slice %arg15[%add3A_42, %dma_start3A_296] : memref<10368x16xf32, #tpu.memory_space<vmem_shared>> -> memref<72x16xf32, #tpu.memory_space<vmem_shared>>
      tpu.enqueue_dma source(%arg13 : memref<72x16xf32, #tpu.memory_space<vmem>>) target(%dma_start3A_297 : memref<72x16xf32, #tpu.memory_space<vmem_shared>>) target_semaphore(%run_scoped3A : memref<!tpu.dma_semaphore, #tpu.memory_space<semaphore_mem>>)
      %dma_wait3A_298 = arith.constant 0 : i32
      %dma_wait3A_299 = tpu.memref_slice %arg15[%add3A_42, %dma_wait3A_298] : memref<10368x16xf32, #tpu.memory_space<vmem_shared>> -> memref<72x16xf32, #tpu.memory_space<vmem_shared>>
      %dma_wait3A_300 = arith.constant 0 : i32
      %dma_wait3A_301 = tpu.memref_slice %arg15[%add3A_42, %dma_wait3A_300] : memref<10368x16xf32, #tpu.memory_space<vmem_shared>> -> memref<72x16xf32, #tpu.memory_space<vmem_shared>>
      tpu.wait_dma2 semaphore(%run_scoped3A : memref<!tpu.dma_semaphore, #tpu.memory_space<semaphore_mem>>) src(%arg13 : memref<72x16xf32, #tpu.memory_space<vmem>>) dst(%dma_wait3A_301 : memref<72x16xf32, #tpu.memory_space<vmem_shared>>)
      tpu.yield
    }) : () -> ()
    %add3A_43 = arith.constant 360 : i32
    %add3A_44 = arith.addi %mul3A_0, %add3A_43 : i32
    "tpu.region"() ({
      %run_scoped3A = tpu.sem_alloc : memref<!tpu.dma_semaphore, #tpu.memory_space<semaphore_mem>>
      %dma_start3A_294 = arith.constant 0 : i32
      %dma_start3A_295 = tpu.memref_slice %arg14[%add3A_44, %dma_start3A_294] : memref<10368x64xf32, #tpu.memory_space<vmem_shared>> -> memref<72x64xf32, #tpu.memory_space<vmem_shared>>
      %dma_start3A_296 = arith.constant 0 : i32
      %dma_start3A_297 = tpu.memref_slice %arg14[%add3A_44, %dma_start3A_296] : memref<10368x64xf32, #tpu.memory_space<vmem_shared>> -> memref<72x64xf32, #tpu.memory_space<vmem_shared>>
      tpu.enqueue_dma source(%arg12 : memref<72x64xf32, #tpu.memory_space<vmem>>) target(%dma_start3A_297 : memref<72x64xf32, #tpu.memory_space<vmem_shared>>) target_semaphore(%run_scoped3A : memref<!tpu.dma_semaphore, #tpu.memory_space<semaphore_mem>>)
      %dma_wait3A_298 = arith.constant 0 : i32
      %dma_wait3A_299 = tpu.memref_slice %arg14[%add3A_44, %dma_wait3A_298] : memref<10368x64xf32, #tpu.memory_space<vmem_shared>> -> memref<72x64xf32, #tpu.memory_space<vmem_shared>>
      %dma_wait3A_300 = arith.constant 0 : i32
      %dma_wait3A_301 = tpu.memref_slice %arg14[%add3A_44, %dma_wait3A_300] : memref<10368x64xf32, #tpu.memory_space<vmem_shared>> -> memref<72x64xf32, #tpu.memory_space<vmem_shared>>
      tpu.wait_dma2 semaphore(%run_scoped3A : memref<!tpu.dma_semaphore, #tpu.memory_space<semaphore_mem>>) src(%arg12 : memref<72x64xf32, #tpu.memory_space<vmem>>) dst(%dma_wait3A_301 : memref<72x64xf32, #tpu.memory_space<vmem_shared>>)
      tpu.yield
    }) : () -> ()
    %add3A_45 = arith.constant 360 : i32
    %add3A_46 = arith.addi %mul3A_0, %add3A_45 : i32
    "tpu.region"() ({
      %run_scoped3A = tpu.sem_alloc : memref<!tpu.dma_semaphore, #tpu.memory_space<semaphore_mem>>
      %dma_start3A_294 = arith.constant 0 : i32
      %dma_start3A_295 = tpu.memref_slice %arg15[%add3A_46, %dma_start3A_294] : memref<10368x16xf32, #tpu.memory_space<vmem_shared>> -> memref<72x16xf32, #tpu.memory_space<vmem_shared>>
      %dma_start3A_296 = arith.constant 0 : i32
      %dma_start3A_297 = tpu.memref_slice %arg15[%add3A_46, %dma_start3A_296] : memref<10368x16xf32, #tpu.memory_space<vmem_shared>> -> memref<72x16xf32, #tpu.memory_space<vmem_shared>>
      tpu.enqueue_dma source(%arg13 : memref<72x16xf32, #tpu.memory_space<vmem>>) target(%dma_start3A_297 : memref<72x16xf32, #tpu.memory_space<vmem_shared>>) target_semaphore(%run_scoped3A : memref<!tpu.dma_semaphore, #tpu.memory_space<semaphore_mem>>)
      %dma_wait3A_298 = arith.constant 0 : i32
      %dma_wait3A_299 = tpu.memref_slice %arg15[%add3A_46, %dma_wait3A_298] : memref<10368x16xf32, #tpu.memory_space<vmem_shared>> -> memref<72x16xf32, #tpu.memory_space<vmem_shared>>
      %dma_wait3A_300 = arith.constant 0 : i32
      %dma_wait3A_301 = tpu.memref_slice %arg15[%add3A_46, %dma_wait3A_300] : memref<10368x16xf32, #tpu.memory_space<vmem_shared>> -> memref<72x16xf32, #tpu.memory_space<vmem_shared>>
      tpu.wait_dma2 semaphore(%run_scoped3A : memref<!tpu.dma_semaphore, #tpu.memory_space<semaphore_mem>>) src(%arg13 : memref<72x16xf32, #tpu.memory_space<vmem>>) dst(%dma_wait3A_301 : memref<72x16xf32, #tpu.memory_space<vmem_shared>>)
      tpu.yield
    }) : () -> ()
    %add3A_47 = arith.constant 432 : i32
    %add3A_48 = arith.addi %mul3A_0, %add3A_47 : i32
    "tpu.region"() ({
      %run_scoped3A = tpu.sem_alloc : memref<!tpu.dma_semaphore, #tpu.memory_space<semaphore_mem>>
      %dma_start3A_294 = arith.constant 0 : i32
      %dma_start3A_295 = tpu.memref_slice %arg14[%add3A_48, %dma_start3A_294] : memref<10368x64xf32, #tpu.memory_space<vmem_shared>> -> memref<72x64xf32, #tpu.memory_space<vmem_shared>>
      %dma_start3A_296 = arith.constant 0 : i32
      %dma_start3A_297 = tpu.memref_slice %arg14[%add3A_48, %dma_start3A_296] : memref<10368x64xf32, #tpu.memory_space<vmem_shared>> -> memref<72x64xf32, #tpu.memory_space<vmem_shared>>
      tpu.enqueue_dma source(%arg12 : memref<72x64xf32, #tpu.memory_space<vmem>>) target(%dma_start3A_297 : memref<72x64xf32, #tpu.memory_space<vmem_shared>>) target_semaphore(%run_scoped3A : memref<!tpu.dma_semaphore, #tpu.memory_space<semaphore_mem>>)
      %dma_wait3A_298 = arith.constant 0 : i32
      %dma_wait3A_299 = tpu.memref_slice %arg14[%add3A_48, %dma_wait3A_298] : memref<10368x64xf32, #tpu.memory_space<vmem_shared>> -> memref<72x64xf32, #tpu.memory_space<vmem_shared>>
      %dma_wait3A_300 = arith.constant 0 : i32
      %dma_wait3A_301 = tpu.memref_slice %arg14[%add3A_48, %dma_wait3A_300] : memref<10368x64xf32, #tpu.memory_space<vmem_shared>> -> memref<72x64xf32, #tpu.memory_space<vmem_shared>>
      tpu.wait_dma2 semaphore(%run_scoped3A : memref<!tpu.dma_semaphore, #tpu.memory_space<semaphore_mem>>) src(%arg12 : memref<72x64xf32, #tpu.memory_space<vmem>>) dst(%dma_wait3A_301 : memref<72x64xf32, #tpu.memory_space<vmem_shared>>)
      tpu.yield
    }) : () -> ()
    %add3A_49 = arith.constant 432 : i32
    %add3A_50 = arith.addi %mul3A_0, %add3A_49 : i32
    "tpu.region"() ({
      %run_scoped3A = tpu.sem_alloc : memref<!tpu.dma_semaphore, #tpu.memory_space<semaphore_mem>>
      %dma_start3A_294 = arith.constant 0 : i32
      %dma_start3A_295 = tpu.memref_slice %arg15[%add3A_50, %dma_start3A_294] : memref<10368x16xf32, #tpu.memory_space<vmem_shared>> -> memref<72x16xf32, #tpu.memory_space<vmem_shared>>
      %dma_start3A_296 = arith.constant 0 : i32
      %dma_start3A_297 = tpu.memref_slice %arg15[%add3A_50, %dma_start3A_296] : memref<10368x16xf32, #tpu.memory_space<vmem_shared>> -> memref<72x16xf32, #tpu.memory_space<vmem_shared>>
      tpu.enqueue_dma source(%arg13 : memref<72x16xf32, #tpu.memory_space<vmem>>) target(%dma_start3A_297 : memref<72x16xf32, #tpu.memory_space<vmem_shared>>) target_semaphore(%run_scoped3A : memref<!tpu.dma_semaphore, #tpu.memory_space<semaphore_mem>>)
      %dma_wait3A_298 = arith.constant 0 : i32
      %dma_wait3A_299 = tpu.memref_slice %arg15[%add3A_50, %dma_wait3A_298] : memref<10368x16xf32, #tpu.memory_space<vmem_shared>> -> memref<72x16xf32, #tpu.memory_space<vmem_shared>>
      %dma_wait3A_300 = arith.constant 0 : i32
      %dma_wait3A_301 = tpu.memref_slice %arg15[%add3A_50, %dma_wait3A_300] : memref<10368x16xf32, #tpu.memory_space<vmem_shared>> -> memref<72x16xf32, #tpu.memory_space<vmem_shared>>
      tpu.wait_dma2 semaphore(%run_scoped3A : memref<!tpu.dma_semaphore, #tpu.memory_space<semaphore_mem>>) src(%arg13 : memref<72x16xf32, #tpu.memory_space<vmem>>) dst(%dma_wait3A_301 : memref<72x16xf32, #tpu.memory_space<vmem_shared>>)
      tpu.yield
    }) : () -> ()
    %add3A_51 = arith.constant 504 : i32
    %add3A_52 = arith.addi %mul3A_0, %add3A_51 : i32
    "tpu.region"() ({
      %run_scoped3A = tpu.sem_alloc : memref<!tpu.dma_semaphore, #tpu.memory_space<semaphore_mem>>
      %dma_start3A_294 = arith.constant 0 : i32
      %dma_start3A_295 = tpu.memref_slice %arg14[%add3A_52, %dma_start3A_294] : memref<10368x64xf32, #tpu.memory_space<vmem_shared>> -> memref<72x64xf32, #tpu.memory_space<vmem_shared>>
      %dma_start3A_296 = arith.constant 0 : i32
      %dma_start3A_297 = tpu.memref_slice %arg14[%add3A_52, %dma_start3A_296] : memref<10368x64xf32, #tpu.memory_space<vmem_shared>> -> memref<72x64xf32, #tpu.memory_space<vmem_shared>>
      tpu.enqueue_dma source(%arg12 : memref<72x64xf32, #tpu.memory_space<vmem>>) target(%dma_start3A_297 : memref<72x64xf32, #tpu.memory_space<vmem_shared>>) target_semaphore(%run_scoped3A : memref<!tpu.dma_semaphore, #tpu.memory_space<semaphore_mem>>)
      %dma_wait3A_298 = arith.constant 0 : i32
      %dma_wait3A_299 = tpu.memref_slice %arg14[%add3A_52, %dma_wait3A_298] : memref<10368x64xf32, #tpu.memory_space<vmem_shared>> -> memref<72x64xf32, #tpu.memory_space<vmem_shared>>
      %dma_wait3A_300 = arith.constant 0 : i32
      %dma_wait3A_301 = tpu.memref_slice %arg14[%add3A_52, %dma_wait3A_300] : memref<10368x64xf32, #tpu.memory_space<vmem_shared>> -> memref<72x64xf32, #tpu.memory_space<vmem_shared>>
      tpu.wait_dma2 semaphore(%run_scoped3A : memref<!tpu.dma_semaphore, #tpu.memory_space<semaphore_mem>>) src(%arg12 : memref<72x64xf32, #tpu.memory_space<vmem>>) dst(%dma_wait3A_301 : memref<72x64xf32, #tpu.memory_space<vmem_shared>>)
      tpu.yield
    }) : () -> ()
    %add3A_53 = arith.constant 504 : i32
    %add3A_54 = arith.addi %mul3A_0, %add3A_53 : i32
    "tpu.region"() ({
      %run_scoped3A = tpu.sem_alloc : memref<!tpu.dma_semaphore, #tpu.memory_space<semaphore_mem>>
      %dma_start3A_294 = arith.constant 0 : i32
      %dma_start3A_295 = tpu.memref_slice %arg15[%add3A_54, %dma_start3A_294] : memref<10368x16xf32, #tpu.memory_space<vmem_shared>> -> memref<72x16xf32, #tpu.memory_space<vmem_shared>>
      %dma_start3A_296 = arith.constant 0 : i32
      %dma_start3A_297 = tpu.memref_slice %arg15[%add3A_54, %dma_start3A_296] : memref<10368x16xf32, #tpu.memory_space<vmem_shared>> -> memref<72x16xf32, #tpu.memory_space<vmem_shared>>
      tpu.enqueue_dma source(%arg13 : memref<72x16xf32, #tpu.memory_space<vmem>>) target(%dma_start3A_297 : memref<72x16xf32, #tpu.memory_space<vmem_shared>>) target_semaphore(%run_scoped3A : memref<!tpu.dma_semaphore, #tpu.memory_space<semaphore_mem>>)
      %dma_wait3A_298 = arith.constant 0 : i32
      %dma_wait3A_299 = tpu.memref_slice %arg15[%add3A_54, %dma_wait3A_298] : memref<10368x16xf32, #tpu.memory_space<vmem_shared>> -> memref<72x16xf32, #tpu.memory_space<vmem_shared>>
      %dma_wait3A_300 = arith.constant 0 : i32
      %dma_wait3A_301 = tpu.memref_slice %arg15[%add3A_54, %dma_wait3A_300] : memref<10368x16xf32, #tpu.memory_space<vmem_shared>> -> memref<72x16xf32, #tpu.memory_space<vmem_shared>>
      tpu.wait_dma2 semaphore(%run_scoped3A : memref<!tpu.dma_semaphore, #tpu.memory_space<semaphore_mem>>) src(%arg13 : memref<72x16xf32, #tpu.memory_space<vmem>>) dst(%dma_wait3A_301 : memref<72x16xf32, #tpu.memory_space<vmem_shared>>)
      tpu.yield
    }) : () -> ()
    %add3A_55 = arith.constant 576 : i32
    %add3A_56 = arith.addi %mul3A_0, %add3A_55 : i32
    "tpu.region"() ({
      %run_scoped3A = tpu.sem_alloc : memref<!tpu.dma_semaphore, #tpu.memory_space<semaphore_mem>>
      %dma_start3A_294 = arith.constant 0 : i32
      %dma_start3A_295 = tpu.memref_slice %arg14[%add3A_56, %dma_start3A_294] : memref<10368x64xf32, #tpu.memory_space<vmem_shared>> -> memref<72x64xf32, #tpu.memory_space<vmem_shared>>
      %dma_start3A_296 = arith.constant 0 : i32
      %dma_start3A_297 = tpu.memref_slice %arg14[%add3A_56, %dma_start3A_296] : memref<10368x64xf32, #tpu.memory_space<vmem_shared>> -> memref<72x64xf32, #tpu.memory_space<vmem_shared>>
      tpu.enqueue_dma source(%arg12 : memref<72x64xf32, #tpu.memory_space<vmem>>) target(%dma_start3A_297 : memref<72x64xf32, #tpu.memory_space<vmem_shared>>) target_semaphore(%run_scoped3A : memref<!tpu.dma_semaphore, #tpu.memory_space<semaphore_mem>>)
      %dma_wait3A_298 = arith.constant 0 : i32
      %dma_wait3A_299 = tpu.memref_slice %arg14[%add3A_56, %dma_wait3A_298] : memref<10368x64xf32, #tpu.memory_space<vmem_shared>> -> memref<72x64xf32, #tpu.memory_space<vmem_shared>>
      %dma_wait3A_300 = arith.constant 0 : i32
      %dma_wait3A_301 = tpu.memref_slice %arg14[%add3A_56, %dma_wait3A_300] : memref<10368x64xf32, #tpu.memory_space<vmem_shared>> -> memref<72x64xf32, #tpu.memory_space<vmem_shared>>
      tpu.wait_dma2 semaphore(%run_scoped3A : memref<!tpu.dma_semaphore, #tpu.memory_space<semaphore_mem>>) src(%arg12 : memref<72x64xf32, #tpu.memory_space<vmem>>) dst(%dma_wait3A_301 : memref<72x64xf32, #tpu.memory_space<vmem_shared>>)
      tpu.yield
    }) : () -> ()
    %add3A_57 = arith.constant 576 : i32
    %add3A_58 = arith.addi %mul3A_0, %add3A_57 : i32
    "tpu.region"() ({
      %run_scoped3A = tpu.sem_alloc : memref<!tpu.dma_semaphore, #tpu.memory_space<semaphore_mem>>
      %dma_start3A_294 = arith.constant 0 : i32
      %dma_start3A_295 = tpu.memref_slice %arg15[%add3A_58, %dma_start3A_294] : memref<10368x16xf32, #tpu.memory_space<vmem_shared>> -> memref<72x16xf32, #tpu.memory_space<vmem_shared>>
      %dma_start3A_296 = arith.constant 0 : i32
      %dma_start3A_297 = tpu.memref_slice %arg15[%add3A_58, %dma_start3A_296] : memref<10368x16xf32, #tpu.memory_space<vmem_shared>> -> memref<72x16xf32, #tpu.memory_space<vmem_shared>>
      tpu.enqueue_dma source(%arg13 : memref<72x16xf32, #tpu.memory_space<vmem>>) target(%dma_start3A_297 : memref<72x16xf32, #tpu.memory_space<vmem_shared>>) target_semaphore(%run_scoped3A : memref<!tpu.dma_semaphore, #tpu.memory_space<semaphore_mem>>)
      %dma_wait3A_298 = arith.constant 0 : i32
      %dma_wait3A_299 = tpu.memref_slice %arg15[%add3A_58, %dma_wait3A_298] : memref<10368x16xf32, #tpu.memory_space<vmem_shared>> -> memref<72x16xf32, #tpu.memory_space<vmem_shared>>
      %dma_wait3A_300 = arith.constant 0 : i32
      %dma_wait3A_301 = tpu.memref_slice %arg15[%add3A_58, %dma_wait3A_300] : memref<10368x16xf32, #tpu.memory_space<vmem_shared>> -> memref<72x16xf32, #tpu.memory_space<vmem_shared>>
      tpu.wait_dma2 semaphore(%run_scoped3A : memref<!tpu.dma_semaphore, #tpu.memory_space<semaphore_mem>>) src(%arg13 : memref<72x16xf32, #tpu.memory_space<vmem>>) dst(%dma_wait3A_301 : memref<72x16xf32, #tpu.memory_space<vmem_shared>>)
      tpu.yield
    }) : () -> ()
    %barrier3A = arith.constant 0 : index
    tpu.barrier barrier_id(%barrier3A)
    %mul3A_59 = arith.constant 20000 : i32
    %mul3A_60 = arith.muli %arg1, %mul3A_59 : i32
    %add3A_61 = arith.constant 0 : i32
    %add3A_62 = arith.addi %mul3A_60, %add3A_61 : i32
    %multiple_of3A = tpu.assume_multiple %add3A_62, 8 : i32
    %dma_start3A = arith.constant 0 : i32
    %dma_start3A_63 = arith.constant 0 : i32
    %dma_start3A_64 = tpu.memref_slice %arg7[%dma_start3A, %dma_start3A_63] : memref<2x80xi32, #tpu.memory_space<vmem>> -> memref<1x80xi32, #tpu.memory_space<vmem>>
    %dma_start3A_65 = tpu.memref_squeeze %dma_start3A_64 : memref<1x80xi32, #tpu.memory_space<vmem>> -> memref<80xi32, #tpu.memory_space<vmem>>
    %dma_start3A_66 = tpu.memref_slice %arg3[%multiple_of3A] : memref<320000xi32, #tpu.memory_space<hbm>> -> memref<80xi32, #tpu.memory_space<hbm>>
    %dma_start3A_67 = arith.constant 0 : i32
    %dma_start3A_68 = tpu.memref_slice %arg7[%dma_start3A, %dma_start3A_67] : memref<2x80xi32, #tpu.memory_space<vmem>> -> memref<1x80xi32, #tpu.memory_space<vmem>>
    %dma_start3A_69 = tpu.memref_squeeze %dma_start3A_68 : memref<1x80xi32, #tpu.memory_space<vmem>> -> memref<80xi32, #tpu.memory_space<vmem>>
    %dma_start3A_70 = tpu.memref_slice %arg3[%multiple_of3A] : memref<320000xi32, #tpu.memory_space<hbm>> -> memref<80xi32, #tpu.memory_space<hbm>>
    tpu.enqueue_dma source(%dma_start3A_70 : memref<80xi32, #tpu.memory_space<hbm>>) target(%dma_start3A_69 : memref<80xi32, #tpu.memory_space<vmem>>) target_semaphore(%arg16 : memref<!tpu.dma_semaphore, #tpu.memory_space<semaphore_mem>>)
    %dma_start3A_71 = arith.constant 0 : i32
    %dma_start3A_72 = arith.constant 0 : i32
    %dma_start3A_73 = tpu.memref_slice %arg8[%dma_start3A_71, %dma_start3A_72] : memref<2x80xi32, #tpu.memory_space<vmem>> -> memref<1x80xi32, #tpu.memory_space<vmem>>
    %dma_start3A_74 = tpu.memref_squeeze %dma_start3A_73 : memref<1x80xi32, #tpu.memory_space<vmem>> -> memref<80xi32, #tpu.memory_space<vmem>>
    %dma_start3A_75 = tpu.memref_slice %arg4[%multiple_of3A] : memref<320000xi32, #tpu.memory_space<hbm>> -> memref<80xi32, #tpu.memory_space<hbm>>
    %dma_start3A_76 = arith.constant 0 : i32
    %dma_start3A_77 = tpu.memref_slice %arg8[%dma_start3A_71, %dma_start3A_76] : memref<2x80xi32, #tpu.memory_space<vmem>> -> memref<1x80xi32, #tpu.memory_space<vmem>>
    %dma_start3A_78 = tpu.memref_squeeze %dma_start3A_77 : memref<1x80xi32, #tpu.memory_space<vmem>> -> memref<80xi32, #tpu.memory_space<vmem>>
    %dma_start3A_79 = tpu.memref_slice %arg4[%multiple_of3A] : memref<320000xi32, #tpu.memory_space<hbm>> -> memref<80xi32, #tpu.memory_space<hbm>>
    tpu.enqueue_dma source(%dma_start3A_79 : memref<80xi32, #tpu.memory_space<hbm>>) target(%dma_start3A_78 : memref<80xi32, #tpu.memory_space<vmem>>) target_semaphore(%arg16 : memref<!tpu.dma_semaphore, #tpu.memory_space<semaphore_mem>>)
    %add3A_80 = arith.constant 80 : i32
    %add3A_81 = arith.addi %mul3A_60, %add3A_80 : i32
    %multiple_of3A_82 = tpu.assume_multiple %add3A_81, 8 : i32
    %dma_start3A_83 = arith.constant 1 : i32
    %dma_start3A_84 = arith.constant 0 : i32
    %dma_start3A_85 = tpu.memref_slice %arg7[%dma_start3A_83, %dma_start3A_84] : memref<2x80xi32, #tpu.memory_space<vmem>> -> memref<1x80xi32, #tpu.memory_space<vmem>>
    %dma_start3A_86 = tpu.memref_squeeze %dma_start3A_85 : memref<1x80xi32, #tpu.memory_space<vmem>> -> memref<80xi32, #tpu.memory_space<vmem>>
    %dma_start3A_87 = tpu.memref_slice %arg3[%multiple_of3A_82] : memref<320000xi32, #tpu.memory_space<hbm>> -> memref<80xi32, #tpu.memory_space<hbm>>
    %dma_start3A_88 = arith.constant 0 : i32
    %dma_start3A_89 = tpu.memref_slice %arg7[%dma_start3A_83, %dma_start3A_88] : memref<2x80xi32, #tpu.memory_space<vmem>> -> memref<1x80xi32, #tpu.memory_space<vmem>>
    %dma_start3A_90 = tpu.memref_squeeze %dma_start3A_89 : memref<1x80xi32, #tpu.memory_space<vmem>> -> memref<80xi32, #tpu.memory_space<vmem>>
    %dma_start3A_91 = tpu.memref_slice %arg3[%multiple_of3A_82] : memref<320000xi32, #tpu.memory_space<hbm>> -> memref<80xi32, #tpu.memory_space<hbm>>
    tpu.enqueue_dma source(%dma_start3A_91 : memref<80xi32, #tpu.memory_space<hbm>>) target(%dma_start3A_90 : memref<80xi32, #tpu.memory_space<vmem>>) target_semaphore(%arg17 : memref<!tpu.dma_semaphore, #tpu.memory_space<semaphore_mem>>)
    %dma_start3A_92 = arith.constant 1 : i32
    %dma_start3A_93 = arith.constant 0 : i32
    %dma_start3A_94 = tpu.memref_slice %arg8[%dma_start3A_92, %dma_start3A_93] : memref<2x80xi32, #tpu.memory_space<vmem>> -> memref<1x80xi32, #tpu.memory_space<vmem>>
    %dma_start3A_95 = tpu.memref_squeeze %dma_start3A_94 : memref<1x80xi32, #tpu.memory_space<vmem>> -> memref<80xi32, #tpu.memory_space<vmem>>
    %dma_start3A_96 = tpu.memref_slice %arg4[%multiple_of3A_82] : memref<320000xi32, #tpu.memory_space<hbm>> -> memref<80xi32, #tpu.memory_space<hbm>>
    %dma_start3A_97 = arith.constant 0 : i32
    %dma_start3A_98 = tpu.memref_slice %arg8[%dma_start3A_92, %dma_start3A_97] : memref<2x80xi32, #tpu.memory_space<vmem>> -> memref<1x80xi32, #tpu.memory_space<vmem>>
    %dma_start3A_99 = tpu.memref_squeeze %dma_start3A_98 : memref<1x80xi32, #tpu.memory_space<vmem>> -> memref<80xi32, #tpu.memory_space<vmem>>
    %dma_start3A_100 = tpu.memref_slice %arg4[%multiple_of3A_82] : memref<320000xi32, #tpu.memory_space<hbm>> -> memref<80xi32, #tpu.memory_space<hbm>>
    tpu.enqueue_dma source(%dma_start3A_100 : memref<80xi32, #tpu.memory_space<hbm>>) target(%dma_start3A_99 : memref<80xi32, #tpu.memory_space<vmem>>) target_semaphore(%arg17 : memref<!tpu.dma_semaphore, #tpu.memory_space<semaphore_mem>>)
    %dma_wait3A = arith.constant 0 : i32
    %dma_wait3A_101 = arith.constant 0 : i32
    %dma_wait3A_102 = tpu.memref_slice %arg7[%dma_wait3A, %dma_wait3A_101] : memref<2x80xi32, #tpu.memory_space<vmem>> -> memref<1x80xi32, #tpu.memory_space<vmem>>
    %dma_wait3A_103 = tpu.memref_squeeze %dma_wait3A_102 : memref<1x80xi32, #tpu.memory_space<vmem>> -> memref<80xi32, #tpu.memory_space<vmem>>
    %dma_wait3A_104 = arith.constant 0 : i32
    %dma_wait3A_105 = tpu.memref_slice %arg3[%dma_wait3A_104] : memref<320000xi32, #tpu.memory_space<hbm>> -> memref<80xi32, #tpu.memory_space<hbm>>
    %dma_wait3A_106 = arith.constant 0 : i32
    %dma_wait3A_107 = tpu.memref_slice %arg7[%dma_wait3A, %dma_wait3A_106] : memref<2x80xi32, #tpu.memory_space<vmem>> -> memref<1x80xi32, #tpu.memory_space<vmem>>
    %dma_wait3A_108 = tpu.memref_squeeze %dma_wait3A_107 : memref<1x80xi32, #tpu.memory_space<vmem>> -> memref<80xi32, #tpu.memory_space<vmem>>
    %dma_wait3A_109 = arith.constant 0 : i32
    %dma_wait3A_110 = tpu.memref_slice %arg3[%dma_wait3A_109] : memref<320000xi32, #tpu.memory_space<hbm>> -> memref<80xi32, #tpu.memory_space<hbm>>
    tpu.wait_dma2 semaphore(%arg16 : memref<!tpu.dma_semaphore, #tpu.memory_space<semaphore_mem>>) src(%dma_wait3A_110 : memref<80xi32, #tpu.memory_space<hbm>>) dst(%dma_wait3A_108 : memref<80xi32, #tpu.memory_space<vmem>>)
    %dma_wait3A_111 = arith.constant 0 : i32
    %dma_wait3A_112 = arith.constant 0 : i32
    %dma_wait3A_113 = tpu.memref_slice %arg8[%dma_wait3A_111, %dma_wait3A_112] : memref<2x80xi32, #tpu.memory_space<vmem>> -> memref<1x80xi32, #tpu.memory_space<vmem>>
    %dma_wait3A_114 = tpu.memref_squeeze %dma_wait3A_113 : memref<1x80xi32, #tpu.memory_space<vmem>> -> memref<80xi32, #tpu.memory_space<vmem>>
    %dma_wait3A_115 = arith.constant 0 : i32
    %dma_wait3A_116 = tpu.memref_slice %arg4[%dma_wait3A_115] : memref<320000xi32, #tpu.memory_space<hbm>> -> memref<80xi32, #tpu.memory_space<hbm>>
    %dma_wait3A_117 = arith.constant 0 : i32
    %dma_wait3A_118 = tpu.memref_slice %arg8[%dma_wait3A_111, %dma_wait3A_117] : memref<2x80xi32, #tpu.memory_space<vmem>> -> memref<1x80xi32, #tpu.memory_space<vmem>>
    %dma_wait3A_119 = tpu.memref_squeeze %dma_wait3A_118 : memref<1x80xi32, #tpu.memory_space<vmem>> -> memref<80xi32, #tpu.memory_space<vmem>>
    %dma_wait3A_120 = arith.constant 0 : i32
    %dma_wait3A_121 = tpu.memref_slice %arg4[%dma_wait3A_120] : memref<320000xi32, #tpu.memory_space<hbm>> -> memref<80xi32, #tpu.memory_space<hbm>>
    tpu.wait_dma2 semaphore(%arg16 : memref<!tpu.dma_semaphore, #tpu.memory_space<semaphore_mem>>) src(%dma_wait3A_121 : memref<80xi32, #tpu.memory_space<hbm>>) dst(%dma_wait3A_119 : memref<80xi32, #tpu.memory_space<vmem>>)
    %get3A = arith.constant 0 : i32
    %get3A_122 = arith.index_cast %get3A : i32 to index
    %get3A_123 = arith.constant 0 : index
    %get3A_124 = tpu.vector_load %arg7[%get3A_122, %get3A_123] {strides = array<i32>} : memref<2x80xi32, #tpu.memory_space<vmem>>, vector<1x16xi32>,
    %get3A_125 = vector.shape_cast %get3A_124 : vector<1x16xi32> to vector<16xi32>
    %mul3A_126 = arith.constant 2 : i32
    %mul3A_127 = vector.broadcast %mul3A_126 : i32 to vector<16xi32>
    %mul3A_128 = arith.muli %get3A_125, %mul3A_127 : vector<16xi32>
    %add3A_129 = vector.broadcast %arg0 : i32 to vector<16xi32>
    %add3A_130 = arith.addi %mul3A_128, %add3A_129 : vector<16xi32>
    %swap3A = arith.constant 0 : i32
    %swap3A_131 = arith.index_cast %swap3A : i32 to index
    %swap3A_132 = arith.constant 0 : index
    %swap3A_133 = tpu.vector_load %arg9[%swap3A_131, %swap3A_132] {strides = array<i32>} : memref<2x80xi32, #tpu.memory_space<vmem>>, vector<1x16xi32>,
    %swap3A_134 = vector.shape_cast %swap3A_133 : vector<1x16xi32> to vector<16xi32>
    %swap3A_135 = vector.shape_cast %add3A_130 : vector<16xi32> to vector<1x16xi32>
    tpu.vector_store %arg9[%swap3A_131, %swap3A_132], %swap3A_135 {strides = array<i32>} : memref<2x80xi32, #tpu.memory_space<vmem>>, vector<1x16xi32>,
    %get3A_136 = arith.constant 0 : i32
    %get3A_137 = arith.index_cast %get3A_136 : i32 to index
    %get3A_138 = arith.constant 16 : index
    %get3A_139 = tpu.vector_load %arg7[%get3A_137, %get3A_138] {strides = array<i32>} : memref<2x80xi32, #tpu.memory_space<vmem>>, vector<1x16xi32>,
    %get3A_140 = vector.shape_cast %get3A_139 : vector<1x16xi32> to vector<16xi32>
    %mul3A_141 = arith.constant 2 : i32
    %mul3A_142 = vector.broadcast %mul3A_141 : i32 to vector<16xi32>
    %mul3A_143 = arith.muli %get3A_140, %mul3A_142 : vector<16xi32>
    %add3A_144 = vector.broadcast %arg0 : i32 to vector<16xi32>
    %add3A_145 = arith.addi %mul3A_143, %add3A_144 : vector<16xi32>
    %swap3A_146 = arith.constant 0 : i32
    %swap3A_147 = arith.index_cast %swap3A_146 : i32 to index
    %swap3A_148 = arith.constant 16 : index
    %swap3A_149 = tpu.vector_load %arg9[%swap3A_147, %swap3A_148] {strides = array<i32>} : memref<2x80xi32, #tpu.memory_space<vmem>>, vector<1x16xi32>,
    %swap3A_150 = vector.shape_cast %swap3A_149 : vector<1x16xi32> to vector<16xi32>
    %swap3A_151 = vector.shape_cast %add3A_145 : vector<16xi32> to vector<1x16xi32>
    tpu.vector_store %arg9[%swap3A_147, %swap3A_148], %swap3A_151 {strides = array<i32>} : memref<2x80xi32, #tpu.memory_space<vmem>>, vector<1x16xi32>,
    %get3A_152 = arith.constant 0 : i32
    %get3A_153 = arith.index_cast %get3A_152 : i32 to index
    %get3A_154 = arith.constant 32 : index
    %get3A_155 = tpu.vector_load %arg7[%get3A_153, %get3A_154] {strides = array<i32>} : memref<2x80xi32, #tpu.memory_space<vmem>>, vector<1x16xi32>,
    %get3A_156 = vector.shape_cast %get3A_155 : vector<1x16xi32> to vector<16xi32>
    %mul3A_157 = arith.constant 2 : i32
    %mul3A_158 = vector.broadcast %mul3A_157 : i32 to vector<16xi32>
    %mul3A_159 = arith.muli %get3A_156, %mul3A_158 : vector<16xi32>
    %add3A_160 = vector.broadcast %arg0 : i32 to vector<16xi32>
    %add3A_161 = arith.addi %mul3A_159, %add3A_160 : vector<16xi32>
    %swap3A_162 = arith.constant 0 : i32
    %swap3A_163 = arith.index_cast %swap3A_162 : i32 to index
    %swap3A_164 = arith.constant 32 : index
    %swap3A_165 = tpu.vector_load %arg9[%swap3A_163, %swap3A_164] {strides = array<i32>} : memref<2x80xi32, #tpu.memory_space<vmem>>, vector<1x16xi32>,
    %swap3A_166 = vector.shape_cast %swap3A_165 : vector<1x16xi32> to vector<16xi32>
    %swap3A_167 = vector.shape_cast %add3A_161 : vector<16xi32> to vector<1x16xi32>
    tpu.vector_store %arg9[%swap3A_163, %swap3A_164], %swap3A_167 {strides = array<i32>} : memref<2x80xi32, #tpu.memory_space<vmem>>, vector<1x16xi32>,
    %get3A_168 = arith.constant 0 : i32
    %get3A_169 = arith.index_cast %get3A_168 : i32 to index
    %get3A_170 = arith.constant 48 : index
    %get3A_171 = tpu.vector_load %arg7[%get3A_169, %get3A_170] {strides = array<i32>} : memref<2x80xi32, #tpu.memory_space<vmem>>, vector<1x16xi32>,
    %get3A_172 = vector.shape_cast %get3A_171 : vector<1x16xi32> to vector<16xi32>
    %mul3A_173 = arith.constant 2 : i32
    %mul3A_174 = vector.broadcast %mul3A_173 : i32 to vector<16xi32>
    %mul3A_175 = arith.muli %get3A_172, %mul3A_174 : vector<16xi32>
    %add3A_176 = vector.broadcast %arg0 : i32 to vector<16xi32>
    %add3A_177 = arith.addi %mul3A_175, %add3A_176 : vector<16xi32>
    %swap3A_178 = arith.constant 0 : i32
    %swap3A_179 = arith.index_cast %swap3A_178 : i32 to index
    %swap3A_180 = arith.constant 48 : index
    %swap3A_181 = tpu.vector_load %arg9[%swap3A_179, %swap3A_180] {strides = array<i32>} : memref<2x80xi32, #tpu.memory_space<vmem>>, vector<1x16xi32>,
    %swap3A_182 = vector.shape_cast %swap3A_181 : vector<1x16xi32> to vector<16xi32>
    %swap3A_183 = vector.shape_cast %add3A_177 : vector<16xi32> to vector<1x16xi32>
    tpu.vector_store %arg9[%swap3A_179, %swap3A_180], %swap3A_183 {strides = array<i32>} : memref<2x80xi32, #tpu.memory_space<vmem>>, vector<1x16xi32>,
    %get3A_184 = arith.constant 0 : i32
    %get3A_185 = arith.index_cast %get3A_184 : i32 to index
    %get3A_186 = arith.constant 64 : index
    %get3A_187 = tpu.vector_load %arg7[%get3A_185, %get3A_186] {strides = array<i32>} : memref<2x80xi32, #tpu.memory_space<vmem>>, vector<1x16xi32>,
    %get3A_188 = vector.shape_cast %get3A_187 : vector<1x16xi32> to vector<16xi32>
    %mul3A_189 = arith.constant 2 : i32
    %mul3A_190 = vector.broadcast %mul3A_189 : i32 to vector<16xi32>
    %mul3A_191 = arith.muli %get3A_188, %mul3A_190 : vector<16xi32>
    %add3A_192 = vector.broadcast %arg0 : i32 to vector<16xi32>
    %add3A_193 = arith.addi %mul3A_191, %add3A_192 : vector<16xi32>
    %swap3A_194 = arith.constant 0 : i32
    %swap3A_195 = arith.index_cast %swap3A_194 : i32 to index
    %swap3A_196 = arith.constant 64 : index
    %swap3A_197 = tpu.vector_load %arg9[%swap3A_195, %swap3A_196] {strides = array<i32>} : memref<2x80xi32, #tpu.memory_space<vmem>>, vector<1x16xi32>,
    %swap3A_198 = vector.shape_cast %swap3A_197 : vector<1x16xi32> to vector<16xi32>
    %swap3A_199 = vector.shape_cast %add3A_193 : vector<16xi32> to vector<1x16xi32>
    tpu.vector_store %arg9[%swap3A_195, %swap3A_196], %swap3A_199 {strides = array<i32>} : memref<2x80xi32, #tpu.memory_space<vmem>>, vector<1x16xi32>,
    %dma_start3A_200 = arith.constant 0 : i32
    %dma_start3A_201 = arith.constant 0 : i32
    %dma_start3A_202 = arith.constant 0 : i32
    %dma_start3A_203 = arith.constant 0 : i32
    %dma_start3A_204 = tpu.memref_slice %arg10[%dma_start3A_201, %dma_start3A_202, %dma_start3A_203] : memref<2x80x64xf32, #tpu.memory_space<vmem>> -> memref<1x80x64xf32, #tpu.memory_space<vmem>>
    %dma_start3A_205 = tpu.memref_squeeze %dma_start3A_204 : memref<1x80x64xf32, #tpu.memory_space<vmem>> -> memref<80x64xf32, #tpu.memory_space<vmem>>
    %dma_start3A_206 = arith.constant 0 : i32
    %dma_start3A_207 = tpu.memref_slice %arg9[%dma_start3A_200, %dma_start3A_206] : memref<2x80xi32, #tpu.memory_space<vmem>> -> memref<1x80xi32, #tpu.memory_space<vmem>>
    %dma_start3A_208 = tpu.memref_squeeze %dma_start3A_207 : memref<1x80xi32, #tpu.memory_space<vmem>> -> memref<80xi32, #tpu.memory_space<vmem>>
    %dma_start3A_209 = arith.constant 0 : i32
    %dma_start3A_210 = arith.constant 0 : i32
    %dma_start3A_211 = tpu.memref_slice %arg2[%dma_start3A_209, %dma_start3A_210] : memref<200000x64xf32, #tpu.memory_space<hbm>> -> memref<200000x64xf32, #tpu.memory_space<hbm>>
    tpu.enqueue_indirect_dma source(%dma_start3A_211 : memref<200000x64xf32, #tpu.memory_space<hbm>>) target(%dma_start3A_205 : memref<80x64xf32, #tpu.memory_space<vmem>>) offsets(%dma_start3A_208 : memref<80xi32, #tpu.memory_space<vmem>>) semaphore(%arg18 : memref<!tpu.dma_semaphore, #tpu.memory_space<semaphore_mem>>)
    %scan3A_212 = arith.constant 0 : i32
    %scan3A_213 = arith.constant 0 : i32
    %scan3A_214 = arith.constant 125 : i32
    %scan3A_215 = arith.addi %scan3A_213, %scan3A_214 : i32
    %scan3A_216 = arith.constant 1 : i32
    scf.for %scan3A_294 = %scan3A_213 to %scan3A_215 step %scan3A_216  : i32 {
      %mul3A_295 = arith.constant 2 : i32
      %mul3A_296 = arith.muli %scan3A_294, %mul3A_295 : i32
      %add3A_297 = arith.constant 0 : i32
      %add3A_298 = arith.addi %mul3A_296, %add3A_297 : i32
      %dma_wait3A_299 = arith.constant 1 : i32
      %dma_wait3A_300 = arith.constant 0 : i32
      %dma_wait3A_301 = tpu.memref_slice %arg7[%dma_wait3A_299, %dma_wait3A_300] : memref<2x80xi32, #tpu.memory_space<vmem>> -> memref<1x80xi32, #tpu.memory_space<vmem>>
      %dma_wait3A_302 = tpu.memref_squeeze %dma_wait3A_301 : memref<1x80xi32, #tpu.memory_space<vmem>> -> memref<80xi32, #tpu.memory_space<vmem>>
      %dma_wait3A_303 = arith.constant 0 : i32
      %dma_wait3A_304 = tpu.memref_slice %arg3[%dma_wait3A_303] : memref<320000xi32, #tpu.memory_space<hbm>> -> memref<80xi32, #tpu.memory_space<hbm>>
      %dma_wait3A_305 = arith.constant 0 : i32
      %dma_wait3A_306 = tpu.memref_slice %arg7[%dma_wait3A_299, %dma_wait3A_305] : memref<2x80xi32, #tpu.memory_space<vmem>> -> memref<1x80xi32, #tpu.memory_space<vmem>>
      %dma_wait3A_307 = tpu.memref_squeeze %dma_wait3A_306 : memref<1x80xi32, #tpu.memory_space<vmem>> -> memref<80xi32, #tpu.memory_space<vmem>>
      %dma_wait3A_308 = arith.constant 0 : i32
      %dma_wait3A_309 = tpu.memref_slice %arg3[%dma_wait3A_308] : memref<320000xi32, #tpu.memory_space<hbm>> -> memref<80xi32, #tpu.memory_space<hbm>>
      tpu.wait_dma2 semaphore(%arg17 : memref<!tpu.dma_semaphore, #tpu.memory_space<semaphore_mem>>) src(%dma_wait3A_309 : memref<80xi32, #tpu.memory_space<hbm>>) dst(%dma_wait3A_307 : memref<80xi32, #tpu.memory_space<vmem>>)
      %dma_wait3A_310 = arith.constant 1 : i32
      %dma_wait3A_311 = arith.constant 0 : i32
      %dma_wait3A_312 = tpu.memref_slice %arg8[%dma_wait3A_310, %dma_wait3A_311] : memref<2x80xi32, #tpu.memory_space<vmem>> -> memref<1x80xi32, #tpu.memory_space<vmem>>
      %dma_wait3A_313 = tpu.memref_squeeze %dma_wait3A_312 : memref<1x80xi32, #tpu.memory_space<vmem>> -> memref<80xi32, #tpu.memory_space<vmem>>
      %dma_wait3A_314 = arith.constant 0 : i32
      %dma_wait3A_315 = tpu.memref_slice %arg4[%dma_wait3A_314] : memref<320000xi32, #tpu.memory_space<hbm>> -> memref<80xi32, #tpu.memory_space<hbm>>
      %dma_wait3A_316 = arith.constant 0 : i32
      %dma_wait3A_317 = tpu.memref_slice %arg8[%dma_wait3A_310, %dma_wait3A_316] : memref<2x80xi32, #tpu.memory_space<vmem>> -> memref<1x80xi32, #tpu.memory_space<vmem>>
      %dma_wait3A_318 = tpu.memref_squeeze %dma_wait3A_317 : memref<1x80xi32, #tpu.memory_space<vmem>> -> memref<80xi32, #tpu.memory_space<vmem>>
      %dma_wait3A_319 = arith.constant 0 : i32
      %dma_wait3A_320 = tpu.memref_slice %arg4[%dma_wait3A_319] : memref<320000xi32, #tpu.memory_space<hbm>> -> memref<80xi32, #tpu.memory_space<hbm>>
      tpu.wait_dma2 semaphore(%arg17 : memref<!tpu.dma_semaphore, #tpu.memory_space<semaphore_mem>>) src(%dma_wait3A_320 : memref<80xi32, #tpu.memory_space<hbm>>) dst(%dma_wait3A_318 : memref<80xi32, #tpu.memory_space<vmem>>)
      %get3A_321 = arith.constant 1 : i32
      %get3A_322 = arith.index_cast %get3A_321 : i32 to index
      %get3A_323 = arith.constant 0 : index
      %get3A_324 = tpu.vector_load %arg7[%get3A_322, %get3A_323] {strides = array<i32>} : memref<2x80xi32, #tpu.memory_space<vmem>>, vector<1x16xi32>,
      %get3A_325 = vector.shape_cast %get3A_324 : vector<1x16xi32> to vector<16xi32>
      %mul3A_326 = arith.constant 2 : i32
      %mul3A_327 = vector.broadcast %mul3A_326 : i32 to vector<16xi32>
      %mul3A_328 = arith.muli %get3A_325, %mul3A_327 : vector<16xi32>
      %add3A_329 = vector.broadcast %arg0 : i32 to vector<16xi32>
      %add3A_330 = arith.addi %mul3A_328, %add3A_329 : vector<16xi32>
      %swap3A_331 = arith.constant 1 : i32
      %swap3A_332 = arith.index_cast %swap3A_331 : i32 to index
      %swap3A_333 = arith.constant 0 : index
      %swap3A_334 = tpu.vector_load %arg9[%swap3A_332, %swap3A_333] {strides = array<i32>} : memref<2x80xi32, #tpu.memory_space<vmem>>, vector<1x16xi32>,
      %swap3A_335 = vector.shape_cast %swap3A_334 : vector<1x16xi32> to vector<16xi32>
      %swap3A_336 = vector.shape_cast %add3A_330 : vector<16xi32> to vector<1x16xi32>
      tpu.vector_store %arg9[%swap3A_332, %swap3A_333], %swap3A_336 {strides = array<i32>} : memref<2x80xi32, #tpu.memory_space<vmem>>, vector<1x16xi32>,
      %get3A_337 = arith.constant 1 : i32
      %get3A_338 = arith.index_cast %get3A_337 : i32 to index
      %get3A_339 = arith.constant 16 : index
      %get3A_340 = tpu.vector_load %arg7[%get3A_338, %get3A_339] {strides = array<i32>} : memref<2x80xi32, #tpu.memory_space<vmem>>, vector<1x16xi32>,
      %get3A_341 = vector.shape_cast %get3A_340 : vector<1x16xi32> to vector<16xi32>
      %mul3A_342 = arith.constant 2 : i32
      %mul3A_343 = vector.broadcast %mul3A_342 : i32 to vector<16xi32>
      %mul3A_344 = arith.muli %get3A_341, %mul3A_343 : vector<16xi32>
      %add3A_345 = vector.broadcast %arg0 : i32 to vector<16xi32>
      %add3A_346 = arith.addi %mul3A_344, %add3A_345 : vector<16xi32>
      %swap3A_347 = arith.constant 1 : i32
      %swap3A_348 = arith.index_cast %swap3A_347 : i32 to index
      %swap3A_349 = arith.constant 16 : index
      %swap3A_350 = tpu.vector_load %arg9[%swap3A_348, %swap3A_349] {strides = array<i32>} : memref<2x80xi32, #tpu.memory_space<vmem>>, vector<1x16xi32>,
      %swap3A_351 = vector.shape_cast %swap3A_350 : vector<1x16xi32> to vector<16xi32>
      %swap3A_352 = vector.shape_cast %add3A_346 : vector<16xi32> to vector<1x16xi32>
      tpu.vector_store %arg9[%swap3A_348, %swap3A_349], %swap3A_352 {strides = array<i32>} : memref<2x80xi32, #tpu.memory_space<vmem>>, vector<1x16xi32>,
      %get3A_353 = arith.constant 1 : i32
      %get3A_354 = arith.index_cast %get3A_353 : i32 to index
      %get3A_355 = arith.constant 32 : index
      %get3A_356 = tpu.vector_load %arg7[%get3A_354, %get3A_355] {strides = array<i32>} : memref<2x80xi32, #tpu.memory_space<vmem>>, vector<1x16xi32>,
      %get3A_357 = vector.shape_cast %get3A_356 : vector<1x16xi32> to vector<16xi32>
      %mul3A_358 = arith.constant 2 : i32
      %mul3A_359 = vector.broadcast %mul3A_358 : i32 to vector<16xi32>
      %mul3A_360 = arith.muli %get3A_357, %mul3A_359 : vector<16xi32>
      %add3A_361 = vector.broadcast %arg0 : i32 to vector<16xi32>
      %add3A_362 = arith.addi %mul3A_360, %add3A_361 : vector<16xi32>
      %swap3A_363 = arith.constant 1 : i32
      %swap3A_364 = arith.index_cast %swap3A_363 : i32 to index
      %swap3A_365 = arith.constant 32 : index
      %swap3A_366 = tpu.vector_load %arg9[%swap3A_364, %swap3A_365] {strides = array<i32>} : memref<2x80xi32, #tpu.memory_space<vmem>>, vector<1x16xi32>,
      %swap3A_367 = vector.shape_cast %swap3A_366 : vector<1x16xi32> to vector<16xi32>
      %swap3A_368 = vector.shape_cast %add3A_362 : vector<16xi32> to vector<1x16xi32>
      tpu.vector_store %arg9[%swap3A_364, %swap3A_365], %swap3A_368 {strides = array<i32>} : memref<2x80xi32, #tpu.memory_space<vmem>>, vector<1x16xi32>,
      %get3A_369 = arith.constant 1 : i32
      %get3A_370 = arith.index_cast %get3A_369 : i32 to index
      %get3A_371 = arith.constant 48 : index
      %get3A_372 = tpu.vector_load %arg7[%get3A_370, %get3A_371] {strides = array<i32>} : memref<2x80xi32, #tpu.memory_space<vmem>>, vector<1x16xi32>,
      %get3A_373 = vector.shape_cast %get3A_372 : vector<1x16xi32> to vector<16xi32>
      %mul3A_374 = arith.constant 2 : i32
      %mul3A_375 = vector.broadcast %mul3A_374 : i32 to vector<16xi32>
      %mul3A_376 = arith.muli %get3A_373, %mul3A_375 : vector<16xi32>
      %add3A_377 = vector.broadcast %arg0 : i32 to vector<16xi32>
      %add3A_378 = arith.addi %mul3A_376, %add3A_377 : vector<16xi32>
      %swap3A_379 = arith.constant 1 : i32
      %swap3A_380 = arith.index_cast %swap3A_379 : i32 to index
      %swap3A_381 = arith.constant 48 : index
      %swap3A_382 = tpu.vector_load %arg9[%swap3A_380, %swap3A_381] {strides = array<i32>} : memref<2x80xi32, #tpu.memory_space<vmem>>, vector<1x16xi32>,
      %swap3A_383 = vector.shape_cast %swap3A_382 : vector<1x16xi32> to vector<16xi32>
      %swap3A_384 = vector.shape_cast %add3A_378 : vector<16xi32> to vector<1x16xi32>
      tpu.vector_store %arg9[%swap3A_380, %swap3A_381], %swap3A_384 {strides = array<i32>} : memref<2x80xi32, #tpu.memory_space<vmem>>, vector<1x16xi32>,
      %get3A_385 = arith.constant 1 : i32
      %get3A_386 = arith.index_cast %get3A_385 : i32 to index
      %get3A_387 = arith.constant 64 : index
      %get3A_388 = tpu.vector_load %arg7[%get3A_386, %get3A_387] {strides = array<i32>} : memref<2x80xi32, #tpu.memory_space<vmem>>, vector<1x16xi32>,
      %get3A_389 = vector.shape_cast %get3A_388 : vector<1x16xi32> to vector<16xi32>
      %mul3A_390 = arith.constant 2 : i32
      %mul3A_391 = vector.broadcast %mul3A_390 : i32 to vector<16xi32>
      %mul3A_392 = arith.muli %get3A_389, %mul3A_391 : vector<16xi32>
      %add3A_393 = vector.broadcast %arg0 : i32 to vector<16xi32>
      %add3A_394 = arith.addi %mul3A_392, %add3A_393 : vector<16xi32>
      %swap3A_395 = arith.constant 1 : i32
      %swap3A_396 = arith.index_cast %swap3A_395 : i32 to index
      %swap3A_397 = arith.constant 64 : index
      %swap3A_398 = tpu.vector_load %arg9[%swap3A_396, %swap3A_397] {strides = array<i32>} : memref<2x80xi32, #tpu.memory_space<vmem>>, vector<1x16xi32>,
      %swap3A_399 = vector.shape_cast %swap3A_398 : vector<1x16xi32> to vector<16xi32>
      %swap3A_400 = vector.shape_cast %add3A_394 : vector<16xi32> to vector<1x16xi32>
      tpu.vector_store %arg9[%swap3A_396, %swap3A_397], %swap3A_400 {strides = array<i32>} : memref<2x80xi32, #tpu.memory_space<vmem>>, vector<1x16xi32>,
      %dma_start3A_401 = arith.constant 1 : i32
      %dma_start3A_402 = arith.constant 1 : i32
      %dma_start3A_403 = arith.constant 0 : i32
      %dma_start3A_404 = arith.constant 0 : i32
      %dma_start3A_405 = tpu.memref_slice %arg10[%dma_start3A_402, %dma_start3A_403, %dma_start3A_404] : memref<2x80x64xf32, #tpu.memory_space<vmem>> -> memref<1x80x64xf32, #tpu.memory_space<vmem>>
      %dma_start3A_406 = tpu.memref_squeeze %dma_start3A_405 : memref<1x80x64xf32, #tpu.memory_space<vmem>> -> memref<80x64xf32, #tpu.memory_space<vmem>>
      %dma_start3A_407 = arith.constant 0 : i32
      %dma_start3A_408 = tpu.memref_slice %arg9[%dma_start3A_401, %dma_start3A_407] : memref<2x80xi32, #tpu.memory_space<vmem>> -> memref<1x80xi32, #tpu.memory_space<vmem>>
      %dma_start3A_409 = tpu.memref_squeeze %dma_start3A_408 : memref<1x80xi32, #tpu.memory_space<vmem>> -> memref<80xi32, #tpu.memory_space<vmem>>
      %dma_start3A_410 = arith.constant 0 : i32
      %dma_start3A_411 = arith.constant 0 : i32
      %dma_start3A_412 = tpu.memref_slice %arg2[%dma_start3A_410, %dma_start3A_411] : memref<200000x64xf32, #tpu.memory_space<hbm>> -> memref<200000x64xf32, #tpu.memory_space<hbm>>
      tpu.enqueue_indirect_dma source(%dma_start3A_412 : memref<200000x64xf32, #tpu.memory_space<hbm>>) target(%dma_start3A_406 : memref<80x64xf32, #tpu.memory_space<vmem>>) offsets(%dma_start3A_409 : memref<80xi32, #tpu.memory_space<vmem>>) semaphore(%arg19 : memref<!tpu.dma_semaphore, #tpu.memory_space<semaphore_mem>>)
      %dma_wait3A_413 = arith.constant 0 : i32
      %dma_wait3A_414 = arith.constant 0 : i32
      %dma_wait3A_415 = arith.constant 0 : i32
      %dma_wait3A_416 = arith.constant 0 : i32
      %dma_wait3A_417 = tpu.memref_slice %arg10[%dma_wait3A_414, %dma_wait3A_415, %dma_wait3A_416] : memref<2x80x64xf32, #tpu.memory_space<vmem>> -> memref<1x80x64xf32, #tpu.memory_space<vmem>>
      %dma_wait3A_418 = tpu.memref_squeeze %dma_wait3A_417 : memref<1x80x64xf32, #tpu.memory_space<vmem>> -> memref<80x64xf32, #tpu.memory_space<vmem>>
      %dma_wait3A_419 = arith.constant 0 : i32
      %dma_wait3A_420 = tpu.memref_slice %arg9[%dma_wait3A_413, %dma_wait3A_419] : memref<2x80xi32, #tpu.memory_space<vmem>> -> memref<1x80xi32, #tpu.memory_space<vmem>>
      %dma_wait3A_421 = tpu.memref_squeeze %dma_wait3A_420 : memref<1x80xi32, #tpu.memory_space<vmem>> -> memref<80xi32, #tpu.memory_space<vmem>>
      %dma_wait3A_422 = arith.constant 0 : i32
      %dma_wait3A_423 = arith.constant 0 : i32
      %dma_wait3A_424 = tpu.memref_slice %arg2[%dma_wait3A_422, %dma_wait3A_423] : memref<200000x64xf32, #tpu.memory_space<hbm>> -> memref<200000x64xf32, #tpu.memory_space<hbm>>
      tpu.wait_indirect_dma semaphore(%arg18 : memref<!tpu.dma_semaphore, #tpu.memory_space<semaphore_mem>>) src(%dma_wait3A_424 : memref<200000x64xf32, #tpu.memory_space<hbm>>) dst(%dma_wait3A_418 : memref<80x64xf32, #tpu.memory_space<vmem>>)
      %run_scoped3A = arith.constant 0 : i32
      %run_scoped3A_425 = arith.constant 0 : i32
      "tpu.region"() ({
        %run_scoped3A_462 = tpu.sem_alloc : memref<!tpu.dma_semaphore, #tpu.memory_space<semaphore_mem>>
        %dma_start3A_463 = arith.constant 0 : i32
        %dma_start3A_464 = arith.constant 0 : i32
        %dma_start3A_465 = tpu.memref_slice %arg10[%run_scoped3A, %dma_start3A_463, %dma_start3A_464] : memref<2x80x64xf32, #tpu.memory_space<vmem>> -> memref<1x80x64xf32, #tpu.memory_space<vmem>>
        %dma_start3A_466 = tpu.memref_squeeze %dma_start3A_465 : memref<1x80x64xf32, #tpu.memory_space<vmem>> -> memref<80x64xf32, #tpu.memory_space<vmem>>
        %dma_start3A_467 = arith.constant 0 : i32
        %dma_start3A_468 = tpu.memref_slice %arg8[%run_scoped3A_425, %dma_start3A_467] : memref<2x80xi32, #tpu.memory_space<vmem>> -> memref<1x80xi32, #tpu.memory_space<vmem>>
        %dma_start3A_469 = tpu.memref_squeeze %dma_start3A_468 : memref<1x80xi32, #tpu.memory_space<vmem>> -> memref<80xi32, #tpu.memory_space<vmem>>
        %dma_start3A_470 = arith.constant 0 : i32
        %dma_start3A_471 = arith.constant 0 : i32
        %dma_start3A_472 = tpu.memref_slice %arg14[%dma_start3A_470, %dma_start3A_471] : memref<10368x64xf32, #tpu.memory_space<vmem_shared>> -> memref<10368x64xf32, #tpu.memory_space<vmem_shared>>
        tpu.enqueue_indirect_dma source(%dma_start3A_466 : memref<80x64xf32, #tpu.memory_space<vmem>>) target(%dma_start3A_472 : memref<10368x64xf32, #tpu.memory_space<vmem_shared>>) offsets(%dma_start3A_469 : memref<80xi32, #tpu.memory_space<vmem>>) semaphore(%run_scoped3A_462 : memref<!tpu.dma_semaphore, #tpu.memory_space<semaphore_mem>>) {add = true}
        %dma_wait3A_473 = arith.constant 0 : i32
        %dma_wait3A_474 = arith.constant 0 : i32
        %dma_wait3A_475 = tpu.memref_slice %arg10[%run_scoped3A, %dma_wait3A_473, %dma_wait3A_474] : memref<2x80x64xf32, #tpu.memory_space<vmem>> -> memref<1x80x64xf32, #tpu.memory_space<vmem>>
        %dma_wait3A_476 = tpu.memref_squeeze %dma_wait3A_475 : memref<1x80x64xf32, #tpu.memory_space<vmem>> -> memref<80x64xf32, #tpu.memory_space<vmem>>
        %dma_wait3A_477 = arith.constant 0 : i32
        %dma_wait3A_478 = tpu.memref_slice %arg8[%run_scoped3A_425, %dma_wait3A_477] : memref<2x80xi32, #tpu.memory_space<vmem>> -> memref<1x80xi32, #tpu.memory_space<vmem>>
        %dma_wait3A_479 = tpu.memref_squeeze %dma_wait3A_478 : memref<1x80xi32, #tpu.memory_space<vmem>> -> memref<80xi32, #tpu.memory_space<vmem>>
        %dma_wait3A_480 = arith.constant 0 : i32
        %dma_wait3A_481 = arith.constant 0 : i32
        %dma_wait3A_482 = tpu.memref_slice %arg14[%dma_wait3A_480, %dma_wait3A_481] : memref<10368x64xf32, #tpu.memory_space<vmem_shared>> -> memref<10368x64xf32, #tpu.memory_space<vmem_shared>>
        tpu.wait_indirect_dma semaphore(%run_scoped3A_462 : memref<!tpu.dma_semaphore, #tpu.memory_space<semaphore_mem>>) src(%dma_wait3A_476 : memref<80x64xf32, #tpu.memory_space<vmem>>) dst(%dma_wait3A_482 : memref<10368x64xf32, #tpu.memory_space<vmem_shared>>)
        tpu.yield
      }) : () -> ()
      %convert_element_type3A = arith.extui %eq3A_1 : i1 to i32
      %cond3A = arith.constant 0 : i32
      %cond3A_426 = arith.cmpi ne, %convert_element_type3A, %cond3A : i32
      scf.if %cond3A_426 {
        %run_scoped3A_462 = arith.constant 0 : i32
        "tpu.region"() ({
          %run_scoped3A_463 = tpu.sem_alloc : memref<!tpu.dma_semaphore, #tpu.memory_space<semaphore_mem>>
          %dma_start3A_464 = arith.constant 0 : i32
          %dma_start3A_465 = tpu.memref_slice %arg8[%run_scoped3A_462, %dma_start3A_464] : memref<2x80xi32, #tpu.memory_space<vmem>> -> memref<1x80xi32, #tpu.memory_space<vmem>>
          %dma_start3A_466 = tpu.memref_squeeze %dma_start3A_465 : memref<1x80xi32, #tpu.memory_space<vmem>> -> memref<80xi32, #tpu.memory_space<vmem>>
          %dma_start3A_467 = arith.constant 0 : i32
          %dma_start3A_468 = arith.constant 0 : i32
          %dma_start3A_469 = tpu.memref_slice %arg15[%dma_start3A_467, %dma_start3A_468] : memref<10368x16xf32, #tpu.memory_space<vmem_shared>> -> memref<10368x16xf32, #tpu.memory_space<vmem_shared>>
          tpu.enqueue_indirect_dma source(%arg11 : memref<80x16xf32, #tpu.memory_space<vmem>>) target(%dma_start3A_469 : memref<10368x16xf32, #tpu.memory_space<vmem_shared>>) offsets(%dma_start3A_466 : memref<80xi32, #tpu.memory_space<vmem>>) semaphore(%run_scoped3A_463 : memref<!tpu.dma_semaphore, #tpu.memory_space<semaphore_mem>>) {add = true}
          %dma_wait3A_470 = arith.constant 0 : i32
          %dma_wait3A_471 = tpu.memref_slice %arg8[%run_scoped3A_462, %dma_wait3A_470] : memref<2x80xi32, #tpu.memory_space<vmem>> -> memref<1x80xi32, #tpu.memory_space<vmem>>
          %dma_wait3A_472 = tpu.memref_squeeze %dma_wait3A_471 : memref<1x80xi32, #tpu.memory_space<vmem>> -> memref<80xi32, #tpu.memory_space<vmem>>
          %dma_wait3A_473 = arith.constant 0 : i32
          %dma_wait3A_474 = arith.constant 0 : i32
          %dma_wait3A_475 = tpu.memref_slice %arg15[%dma_wait3A_473, %dma_wait3A_474] : memref<10368x16xf32, #tpu.memory_space<vmem_shared>> -> memref<10368x16xf32, #tpu.memory_space<vmem_shared>>
          tpu.wait_indirect_dma semaphore(%run_scoped3A_463 : memref<!tpu.dma_semaphore, #tpu.memory_space<semaphore_mem>>) src(%arg11 : memref<80x16xf32, #tpu.memory_space<vmem>>) dst(%dma_wait3A_475 : memref<10368x16xf32, #tpu.memory_space<vmem_shared>>)
          tpu.yield
        }) : () -> ()
      } else {
      }
      %lt3A = arith.constant 124 : i32
      %lt3A_427 = arith.cmpi slt, %scan3A_294, %lt3A : i32
      %convert_element_type3A_428 = arith.extui %lt3A_427 : i1 to i32
      %cond3A_429 = arith.constant 0 : i32
      %cond3A_430 = arith.cmpi ne, %convert_element_type3A_428, %cond3A_429 : i32
      scf.if %cond3A_430 {
        %add3A_462 = arith.constant 2 : i32
        %add3A_463 = arith.addi %add3A_298, %add3A_462 : i32
        %mul3A_464 = arith.constant 80 : i32
        %mul3A_465 = arith.muli %add3A_463, %mul3A_464 : i32
        %add3A_466 = arith.addi %mul3A_60, %mul3A_465 : i32
        %multiple_of3A_467 = tpu.assume_multiple %add3A_466, 8 : i32
        %dma_start3A_468 = arith.constant 0 : i32
        %dma_start3A_469 = arith.constant 0 : i32
        %dma_start3A_470 = tpu.memref_slice %arg7[%dma_start3A_468, %dma_start3A_469] : memref<2x80xi32, #tpu.memory_space<vmem>> -> memref<1x80xi32, #tpu.memory_space<vmem>>
        %dma_start3A_471 = tpu.memref_squeeze %dma_start3A_470 : memref<1x80xi32, #tpu.memory_space<vmem>> -> memref<80xi32, #tpu.memory_space<vmem>>
        %dma_start3A_472 = tpu.memref_slice %arg3[%multiple_of3A_467] : memref<320000xi32, #tpu.memory_space<hbm>> -> memref<80xi32, #tpu.memory_space<hbm>>
        %dma_start3A_473 = arith.constant 0 : i32
        %dma_start3A_474 = tpu.memref_slice %arg7[%dma_start3A_468, %dma_start3A_473] : memref<2x80xi32, #tpu.memory_space<vmem>> -> memref<1x80xi32, #tpu.memory_space<vmem>>
        %dma_start3A_475 = tpu.memref_squeeze %dma_start3A_474 : memref<1x80xi32, #tpu.memory_space<vmem>> -> memref<80xi32, #tpu.memory_space<vmem>>
        %dma_start3A_476 = tpu.memref_slice %arg3[%multiple_of3A_467] : memref<320000xi32, #tpu.memory_space<hbm>> -> memref<80xi32, #tpu.memory_space<hbm>>
        tpu.enqueue_dma source(%dma_start3A_476 : memref<80xi32, #tpu.memory_space<hbm>>) target(%dma_start3A_475 : memref<80xi32, #tpu.memory_space<vmem>>) target_semaphore(%arg16 : memref<!tpu.dma_semaphore, #tpu.memory_space<semaphore_mem>>)
        %dma_start3A_477 = arith.constant 0 : i32
        %dma_start3A_478 = arith.constant 0 : i32
        %dma_start3A_479 = tpu.memref_slice %arg8[%dma_start3A_477, %dma_start3A_478] : memref<2x80xi32, #tpu.memory_space<vmem>> -> memref<1x80xi32, #tpu.memory_space<vmem>>
        %dma_start3A_480 = tpu.memref_squeeze %dma_start3A_479 : memref<1x80xi32, #tpu.memory_space<vmem>> -> memref<80xi32, #tpu.memory_space<vmem>>
        %dma_start3A_481 = tpu.memref_slice %arg4[%multiple_of3A_467] : memref<320000xi32, #tpu.memory_space<hbm>> -> memref<80xi32, #tpu.memory_space<hbm>>
        %dma_start3A_482 = arith.constant 0 : i32
        %dma_start3A_483 = tpu.memref_slice %arg8[%dma_start3A_477, %dma_start3A_482] : memref<2x80xi32, #tpu.memory_space<vmem>> -> memref<1x80xi32, #tpu.memory_space<vmem>>
        %dma_start3A_484 = tpu.memref_squeeze %dma_start3A_483 : memref<1x80xi32, #tpu.memory_space<vmem>> -> memref<80xi32, #tpu.memory_space<vmem>>
        %dma_start3A_485 = tpu.memref_slice %arg4[%multiple_of3A_467] : memref<320000xi32, #tpu.memory_space<hbm>> -> memref<80xi32, #tpu.memory_space<hbm>>
        tpu.enqueue_dma source(%dma_start3A_485 : memref<80xi32, #tpu.memory_space<hbm>>) target(%dma_start3A_484 : memref<80xi32, #tpu.memory_space<vmem>>) target_semaphore(%arg16 : memref<!tpu.dma_semaphore, #tpu.memory_space<semaphore_mem>>)
      } else {
      }
      %mul3A_431 = arith.constant 2 : i32
      %mul3A_432 = arith.muli %scan3A_294, %mul3A_431 : i32
      %add3A_433 = arith.constant 1 : i32
      %add3A_434 = arith.addi %mul3A_432, %add3A_433 : i32
      %lt3A_435 = arith.constant 124 : i32
      %lt3A_436 = arith.cmpi slt, %scan3A_294, %lt3A_435 : i32
      %convert_element_type3A_437 = arith.extui %lt3A_436 : i1 to i32
      %cond3A_438 = arith.constant 0 : i32
      %cond3A_439 = arith.cmpi ne, %convert_element_type3A_437, %cond3A_438 : i32
      scf.if %cond3A_439 {
        %dma_wait3A_462 = arith.constant 0 : i32
        %dma_wait3A_463 = arith.constant 0 : i32
        %dma_wait3A_464 = tpu.memref_slice %arg7[%dma_wait3A_462, %dma_wait3A_463] : memref<2x80xi32, #tpu.memory_space<vmem>> -> memref<1x80xi32, #tpu.memory_space<vmem>>
        %dma_wait3A_465 = tpu.memref_squeeze %dma_wait3A_464 : memref<1x80xi32, #tpu.memory_space<vmem>> -> memref<80xi32, #tpu.memory_space<vmem>>
        %dma_wait3A_466 = arith.constant 0 : i32
        %dma_wait3A_467 = tpu.memref_slice %arg3[%dma_wait3A_466] : memref<320000xi32, #tpu.memory_space<hbm>> -> memref<80xi32, #tpu.memory_space<hbm>>
        %dma_wait3A_468 = arith.constant 0 : i32
        %dma_wait3A_469 = tpu.memref_slice %arg7[%dma_wait3A_462, %dma_wait3A_468] : memref<2x80xi32, #tpu.memory_space<vmem>> -> memref<1x80xi32, #tpu.memory_space<vmem>>
        %dma_wait3A_470 = tpu.memref_squeeze %dma_wait3A_469 : memref<1x80xi32, #tpu.memory_space<vmem>> -> memref<80xi32, #tpu.memory_space<vmem>>
        %dma_wait3A_471 = arith.constant 0 : i32
        %dma_wait3A_472 = tpu.memref_slice %arg3[%dma_wait3A_471] : memref<320000xi32, #tpu.memory_space<hbm>> -> memref<80xi32, #tpu.memory_space<hbm>>
        tpu.wait_dma2 semaphore(%arg16 : memref<!tpu.dma_semaphore, #tpu.memory_space<semaphore_mem>>) src(%dma_wait3A_472 : memref<80xi32, #tpu.memory_space<hbm>>) dst(%dma_wait3A_470 : memref<80xi32, #tpu.memory_space<vmem>>)
        %dma_wait3A_473 = arith.constant 0 : i32
        %dma_wait3A_474 = arith.constant 0 : i32
        %dma_wait3A_475 = tpu.memref_slice %arg8[%dma_wait3A_473, %dma_wait3A_474] : memref<2x80xi32, #tpu.memory_space<vmem>> -> memref<1x80xi32, #tpu.memory_space<vmem>>
        %dma_wait3A_476 = tpu.memref_squeeze %dma_wait3A_475 : memref<1x80xi32, #tpu.memory_space<vmem>> -> memref<80xi32, #tpu.memory_space<vmem>>
        %dma_wait3A_477 = arith.constant 0 : i32
        %dma_wait3A_478 = tpu.memref_slice %arg4[%dma_wait3A_477] : memref<320000xi32, #tpu.memory_space<hbm>> -> memref<80xi32, #tpu.memory_space<hbm>>
        %dma_wait3A_479 = arith.constant 0 : i32
        %dma_wait3A_480 = tpu.memref_slice %arg8[%dma_wait3A_473, %dma_wait3A_479] : memref<2x80xi32, #tpu.memory_space<vmem>> -> memref<1x80xi32, #tpu.memory_space<vmem>>
        %dma_wait3A_481 = tpu.memref_squeeze %dma_wait3A_480 : memref<1x80xi32, #tpu.memory_space<vmem>> -> memref<80xi32, #tpu.memory_space<vmem>>
        %dma_wait3A_482 = arith.constant 0 : i32
        %dma_wait3A_483 = tpu.memref_slice %arg4[%dma_wait3A_482] : memref<320000xi32, #tpu.memory_space<hbm>> -> memref<80xi32, #tpu.memory_space<hbm>>
        tpu.wait_dma2 semaphore(%arg16 : memref<!tpu.dma_semaphore, #tpu.memory_space<semaphore_mem>>) src(%dma_wait3A_483 : memref<80xi32, #tpu.memory_space<hbm>>) dst(%dma_wait3A_481 : memref<80xi32, #tpu.memory_space<vmem>>)
        %get3A_484 = arith.constant 0 : i32
        %get3A_485 = arith.index_cast %get3A_484 : i32 to index
        %get3A_486 = arith.constant 0 : index
        %get3A_487 = tpu.vector_load %arg7[%get3A_485, %get3A_486] {strides = array<i32>} : memref<2x80xi32, #tpu.memory_space<vmem>>, vector<1x16xi32>,
        %get3A_488 = vector.shape_cast %get3A_487 : vector<1x16xi32> to vector<16xi32>
        %mul3A_489 = arith.constant 2 : i32
        %mul3A_490 = vector.broadcast %mul3A_489 : i32 to vector<16xi32>
        %mul3A_491 = arith.muli %get3A_488, %mul3A_490 : vector<16xi32>
        %add3A_492 = vector.broadcast %arg0 : i32 to vector<16xi32>
        %add3A_493 = arith.addi %mul3A_491, %add3A_492 : vector<16xi32>
        %swap3A_494 = arith.constant 0 : i32
        %swap3A_495 = arith.index_cast %swap3A_494 : i32 to index
        %swap3A_496 = arith.constant 0 : index
        %swap3A_497 = tpu.vector_load %arg9[%swap3A_495, %swap3A_496] {strides = array<i32>} : memref<2x80xi32, #tpu.memory_space<vmem>>, vector<1x16xi32>,
        %swap3A_498 = vector.shape_cast %swap3A_497 : vector<1x16xi32> to vector<16xi32>
        %swap3A_499 = vector.shape_cast %add3A_493 : vector<16xi32> to vector<1x16xi32>
        tpu.vector_store %arg9[%swap3A_495, %swap3A_496], %swap3A_499 {strides = array<i32>} : memref<2x80xi32, #tpu.memory_space<vmem>>, vector<1x16xi32>,
        %get3A_500 = arith.constant 0 : i32
        %get3A_501 = arith.index_cast %get3A_500 : i32 to index
        %get3A_502 = arith.constant 16 : index
        %get3A_503 = tpu.vector_load %arg7[%get3A_501, %get3A_502] {strides = array<i32>} : memref<2x80xi32, #tpu.memory_space<vmem>>, vector<1x16xi32>,
        %get3A_504 = vector.shape_cast %get3A_503 : vector<1x16xi32> to vector<16xi32>
        %mul3A_505 = arith.constant 2 : i32
        %mul3A_506 = vector.broadcast %mul3A_505 : i32 to vector<16xi32>
        %mul3A_507 = arith.muli %get3A_504, %mul3A_506 : vector<16xi32>
        %add3A_508 = vector.broadcast %arg0 : i32 to vector<16xi32>
        %add3A_509 = arith.addi %mul3A_507, %add3A_508 : vector<16xi32>
        %swap3A_510 = arith.constant 0 : i32
        %swap3A_511 = arith.index_cast %swap3A_510 : i32 to index
        %swap3A_512 = arith.constant 16 : index
        %swap3A_513 = tpu.vector_load %arg9[%swap3A_511, %swap3A_512] {strides = array<i32>} : memref<2x80xi32, #tpu.memory_space<vmem>>, vector<1x16xi32>,
        %swap3A_514 = vector.shape_cast %swap3A_513 : vector<1x16xi32> to vector<16xi32>
        %swap3A_515 = vector.shape_cast %add3A_509 : vector<16xi32> to vector<1x16xi32>
        tpu.vector_store %arg9[%swap3A_511, %swap3A_512], %swap3A_515 {strides = array<i32>} : memref<2x80xi32, #tpu.memory_space<vmem>>, vector<1x16xi32>,
        %get3A_516 = arith.constant 0 : i32
        %get3A_517 = arith.index_cast %get3A_516 : i32 to index
        %get3A_518 = arith.constant 32 : index
        %get3A_519 = tpu.vector_load %arg7[%get3A_517, %get3A_518] {strides = array<i32>} : memref<2x80xi32, #tpu.memory_space<vmem>>, vector<1x16xi32>,
        %get3A_520 = vector.shape_cast %get3A_519 : vector<1x16xi32> to vector<16xi32>
        %mul3A_521 = arith.constant 2 : i32
        %mul3A_522 = vector.broadcast %mul3A_521 : i32 to vector<16xi32>
        %mul3A_523 = arith.muli %get3A_520, %mul3A_522 : vector<16xi32>
        %add3A_524 = vector.broadcast %arg0 : i32 to vector<16xi32>
        %add3A_525 = arith.addi %mul3A_523, %add3A_524 : vector<16xi32>
        %swap3A_526 = arith.constant 0 : i32
        %swap3A_527 = arith.index_cast %swap3A_526 : i32 to index
        %swap3A_528 = arith.constant 32 : index
        %swap3A_529 = tpu.vector_load %arg9[%swap3A_527, %swap3A_528] {strides = array<i32>} : memref<2x80xi32, #tpu.memory_space<vmem>>, vector<1x16xi32>,
        %swap3A_530 = vector.shape_cast %swap3A_529 : vector<1x16xi32> to vector<16xi32>
        %swap3A_531 = vector.shape_cast %add3A_525 : vector<16xi32> to vector<1x16xi32>
        tpu.vector_store %arg9[%swap3A_527, %swap3A_528], %swap3A_531 {strides = array<i32>} : memref<2x80xi32, #tpu.memory_space<vmem>>, vector<1x16xi32>,
        %get3A_532 = arith.constant 0 : i32
        %get3A_533 = arith.index_cast %get3A_532 : i32 to index
        %get3A_534 = arith.constant 48 : index
        %get3A_535 = tpu.vector_load %arg7[%get3A_533, %get3A_534] {strides = array<i32>} : memref<2x80xi32, #tpu.memory_space<vmem>>, vector<1x16xi32>,
        %get3A_536 = vector.shape_cast %get3A_535 : vector<1x16xi32> to vector<16xi32>
        %mul3A_537 = arith.constant 2 : i32
        %mul3A_538 = vector.broadcast %mul3A_537 : i32 to vector<16xi32>
        %mul3A_539 = arith.muli %get3A_536, %mul3A_538 : vector<16xi32>
        %add3A_540 = vector.broadcast %arg0 : i32 to vector<16xi32>
        %add3A_541 = arith.addi %mul3A_539, %add3A_540 : vector<16xi32>
        %swap3A_542 = arith.constant 0 : i32
        %swap3A_543 = arith.index_cast %swap3A_542 : i32 to index
        %swap3A_544 = arith.constant 48 : index
        %swap3A_545 = tpu.vector_load %arg9[%swap3A_543, %swap3A_544] {strides = array<i32>} : memref<2x80xi32, #tpu.memory_space<vmem>>, vector<1x16xi32>,
        %swap3A_546 = vector.shape_cast %swap3A_545 : vector<1x16xi32> to vector<16xi32>
        %swap3A_547 = vector.shape_cast %add3A_541 : vector<16xi32> to vector<1x16xi32>
        tpu.vector_store %arg9[%swap3A_543, %swap3A_544], %swap3A_547 {strides = array<i32>} : memref<2x80xi32, #tpu.memory_space<vmem>>, vector<1x16xi32>,
        %get3A_548 = arith.constant 0 : i32
        %get3A_549 = arith.index_cast %get3A_548 : i32 to index
        %get3A_550 = arith.constant 64 : index
        %get3A_551 = tpu.vector_load %arg7[%get3A_549, %get3A_550] {strides = array<i32>} : memref<2x80xi32, #tpu.memory_space<vmem>>, vector<1x16xi32>,
        %get3A_552 = vector.shape_cast %get3A_551 : vector<1x16xi32> to vector<16xi32>
        %mul3A_553 = arith.constant 2 : i32
        %mul3A_554 = vector.broadcast %mul3A_553 : i32 to vector<16xi32>
        %mul3A_555 = arith.muli %get3A_552, %mul3A_554 : vector<16xi32>
        %add3A_556 = vector.broadcast %arg0 : i32 to vector<16xi32>
        %add3A_557 = arith.addi %mul3A_555, %add3A_556 : vector<16xi32>
        %swap3A_558 = arith.constant 0 : i32
        %swap3A_559 = arith.index_cast %swap3A_558 : i32 to index
        %swap3A_560 = arith.constant 64 : index
        %swap3A_561 = tpu.vector_load %arg9[%swap3A_559, %swap3A_560] {strides = array<i32>} : memref<2x80xi32, #tpu.memory_space<vmem>>, vector<1x16xi32>,
        %swap3A_562 = vector.shape_cast %swap3A_561 : vector<1x16xi32> to vector<16xi32>
        %swap3A_563 = vector.shape_cast %add3A_557 : vector<16xi32> to vector<1x16xi32>
        tpu.vector_store %arg9[%swap3A_559, %swap3A_560], %swap3A_563 {strides = array<i32>} : memref<2x80xi32, #tpu.memory_space<vmem>>, vector<1x16xi32>,
        %dma_start3A_564 = arith.constant 0 : i32
        %dma_start3A_565 = arith.constant 0 : i32
        %dma_start3A_566 = arith.constant 0 : i32
        %dma_start3A_567 = arith.constant 0 : i32
        %dma_start3A_568 = tpu.memref_slice %arg10[%dma_start3A_565, %dma_start3A_566, %dma_start3A_567] : memref<2x80x64xf32, #tpu.memory_space<vmem>> -> memref<1x80x64xf32, #tpu.memory_space<vmem>>
        %dma_start3A_569 = tpu.memref_squeeze %dma_start3A_568 : memref<1x80x64xf32, #tpu.memory_space<vmem>> -> memref<80x64xf32, #tpu.memory_space<vmem>>
        %dma_start3A_570 = arith.constant 0 : i32
        %dma_start3A_571 = tpu.memref_slice %arg9[%dma_start3A_564, %dma_start3A_570] : memref<2x80xi32, #tpu.memory_space<vmem>> -> memref<1x80xi32, #tpu.memory_space<vmem>>
        %dma_start3A_572 = tpu.memref_squeeze %dma_start3A_571 : memref<1x80xi32, #tpu.memory_space<vmem>> -> memref<80xi32, #tpu.memory_space<vmem>>
        %dma_start3A_573 = arith.constant 0 : i32
        %dma_start3A_574 = arith.constant 0 : i32
        %dma_start3A_575 = tpu.memref_slice %arg2[%dma_start3A_573, %dma_start3A_574] : memref<200000x64xf32, #tpu.memory_space<hbm>> -> memref<200000x64xf32, #tpu.memory_space<hbm>>
        tpu.enqueue_indirect_dma source(%dma_start3A_575 : memref<200000x64xf32, #tpu.memory_space<hbm>>) target(%dma_start3A_569 : memref<80x64xf32, #tpu.memory_space<vmem>>) offsets(%dma_start3A_572 : memref<80xi32, #tpu.memory_space<vmem>>) semaphore(%arg18 : memref<!tpu.dma_semaphore, #tpu.memory_space<semaphore_mem>>)
      } else {
      }
      %dma_wait3A_440 = arith.constant 1 : i32
      %dma_wait3A_441 = arith.constant 1 : i32
      %dma_wait3A_442 = arith.constant 0 : i32
      %dma_wait3A_443 = arith.constant 0 : i32
      %dma_wait3A_444 = tpu.memref_slice %arg10[%dma_wait3A_441, %dma_wait3A_442, %dma_wait3A_443] : memref<2x80x64xf32, #tpu.memory_space<vmem>> -> memref<1x80x64xf32, #tpu.memory_space<vmem>>
      %dma_wait3A_445 = tpu.memref_squeeze %dma_wait3A_444 : memref<1x80x64xf32, #tpu.memory_space<vmem>> -> memref<80x64xf32, #tpu.memory_space<vmem>>
      %dma_wait3A_446 = arith.constant 0 : i32
      %dma_wait3A_447 = tpu.memref_slice %arg9[%dma_wait3A_440, %dma_wait3A_446] : memref<2x80xi32, #tpu.memory_space<vmem>> -> memref<1x80xi32, #tpu.memory_space<vmem>>
      %dma_wait3A_448 = tpu.memref_squeeze %dma_wait3A_447 : memref<1x80xi32, #tpu.memory_space<vmem>> -> memref<80xi32, #tpu.memory_space<vmem>>
      %dma_wait3A_449 = arith.constant 0 : i32
      %dma_wait3A_450 = arith.constant 0 : i32
      %dma_wait3A_451 = tpu.memref_slice %arg2[%dma_wait3A_449, %dma_wait3A_450] : memref<200000x64xf32, #tpu.memory_space<hbm>> -> memref<200000x64xf32, #tpu.memory_space<hbm>>
      tpu.wait_indirect_dma semaphore(%arg19 : memref<!tpu.dma_semaphore, #tpu.memory_space<semaphore_mem>>) src(%dma_wait3A_451 : memref<200000x64xf32, #tpu.memory_space<hbm>>) dst(%dma_wait3A_445 : memref<80x64xf32, #tpu.memory_space<vmem>>)
      %run_scoped3A_452 = arith.constant 1 : i32
      %run_scoped3A_453 = arith.constant 1 : i32
      "tpu.region"() ({
        %run_scoped3A_462 = tpu.sem_alloc : memref<!tpu.dma_semaphore, #tpu.memory_space<semaphore_mem>>
        %dma_start3A_463 = arith.constant 0 : i32
        %dma_start3A_464 = arith.constant 0 : i32
        %dma_start3A_465 = tpu.memref_slice %arg10[%run_scoped3A_452, %dma_start3A_463, %dma_start3A_464] : memref<2x80x64xf32, #tpu.memory_space<vmem>> -> memref<1x80x64xf32, #tpu.memory_space<vmem>>
        %dma_start3A_466 = tpu.memref_squeeze %dma_start3A_465 : memref<1x80x64xf32, #tpu.memory_space<vmem>> -> memref<80x64xf32, #tpu.memory_space<vmem>>
        %dma_start3A_467 = arith.constant 0 : i32
        %dma_start3A_468 = tpu.memref_slice %arg8[%run_scoped3A_453, %dma_start3A_467] : memref<2x80xi32, #tpu.memory_space<vmem>> -> memref<1x80xi32, #tpu.memory_space<vmem>>
        %dma_start3A_469 = tpu.memref_squeeze %dma_start3A_468 : memref<1x80xi32, #tpu.memory_space<vmem>> -> memref<80xi32, #tpu.memory_space<vmem>>
        %dma_start3A_470 = arith.constant 0 : i32
        %dma_start3A_471 = arith.constant 0 : i32
        %dma_start3A_472 = tpu.memref_slice %arg14[%dma_start3A_470, %dma_start3A_471] : memref<10368x64xf32, #tpu.memory_space<vmem_shared>> -> memref<10368x64xf32, #tpu.memory_space<vmem_shared>>
        tpu.enqueue_indirect_dma source(%dma_start3A_466 : memref<80x64xf32, #tpu.memory_space<vmem>>) target(%dma_start3A_472 : memref<10368x64xf32, #tpu.memory_space<vmem_shared>>) offsets(%dma_start3A_469 : memref<80xi32, #tpu.memory_space<vmem>>) semaphore(%run_scoped3A_462 : memref<!tpu.dma_semaphore, #tpu.memory_space<semaphore_mem>>) {add = true}
        %dma_wait3A_473 = arith.constant 0 : i32
        %dma_wait3A_474 = arith.constant 0 : i32
        %dma_wait3A_475 = tpu.memref_slice %arg10[%run_scoped3A_452, %dma_wait3A_473, %dma_wait3A_474] : memref<2x80x64xf32, #tpu.memory_space<vmem>> -> memref<1x80x64xf32, #tpu.memory_space<vmem>>
        %dma_wait3A_476 = tpu.memref_squeeze %dma_wait3A_475 : memref<1x80x64xf32, #tpu.memory_space<vmem>> -> memref<80x64xf32, #tpu.memory_space<vmem>>
        %dma_wait3A_477 = arith.constant 0 : i32
        %dma_wait3A_478 = tpu.memref_slice %arg8[%run_scoped3A_453, %dma_wait3A_477] : memref<2x80xi32, #tpu.memory_space<vmem>> -> memref<1x80xi32, #tpu.memory_space<vmem>>
        %dma_wait3A_479 = tpu.memref_squeeze %dma_wait3A_478 : memref<1x80xi32, #tpu.memory_space<vmem>> -> memref<80xi32, #tpu.memory_space<vmem>>
        %dma_wait3A_480 = arith.constant 0 : i32
        %dma_wait3A_481 = arith.constant 0 : i32
        %dma_wait3A_482 = tpu.memref_slice %arg14[%dma_wait3A_480, %dma_wait3A_481] : memref<10368x64xf32, #tpu.memory_space<vmem_shared>> -> memref<10368x64xf32, #tpu.memory_space<vmem_shared>>
        tpu.wait_indirect_dma semaphore(%run_scoped3A_462 : memref<!tpu.dma_semaphore, #tpu.memory_space<semaphore_mem>>) src(%dma_wait3A_476 : memref<80x64xf32, #tpu.memory_space<vmem>>) dst(%dma_wait3A_482 : memref<10368x64xf32, #tpu.memory_space<vmem_shared>>)
        tpu.yield
      }) : () -> ()
      %convert_element_type3A_454 = arith.extui %eq3A_3 : i1 to i32
      %cond3A_455 = arith.constant 0 : i32
      %cond3A_456 = arith.cmpi ne, %convert_element_type3A_454, %cond3A_455 : i32
      scf.if %cond3A_456 {
        %run_scoped3A_462 = arith.constant 1 : i32
        "tpu.region"() ({
          %run_scoped3A_463 = tpu.sem_alloc : memref<!tpu.dma_semaphore, #tpu.memory_space<semaphore_mem>>
          %dma_start3A_464 = arith.constant 0 : i32
          %dma_start3A_465 = tpu.memref_slice %arg8[%run_scoped3A_462, %dma_start3A_464] : memref<2x80xi32, #tpu.memory_space<vmem>> -> memref<1x80xi32, #tpu.memory_space<vmem>>
          %dma_start3A_466 = tpu.memref_squeeze %dma_start3A_465 : memref<1x80xi32, #tpu.memory_space<vmem>> -> memref<80xi32, #tpu.memory_space<vmem>>
          %dma_start3A_467 = arith.constant 0 : i32
          %dma_start3A_468 = arith.constant 0 : i32
          %dma_start3A_469 = tpu.memref_slice %arg15[%dma_start3A_467, %dma_start3A_468] : memref<10368x16xf32, #tpu.memory_space<vmem_shared>> -> memref<10368x16xf32, #tpu.memory_space<vmem_shared>>
          tpu.enqueue_indirect_dma source(%arg11 : memref<80x16xf32, #tpu.memory_space<vmem>>) target(%dma_start3A_469 : memref<10368x16xf32, #tpu.memory_space<vmem_shared>>) offsets(%dma_start3A_466 : memref<80xi32, #tpu.memory_space<vmem>>) semaphore(%run_scoped3A_463 : memref<!tpu.dma_semaphore, #tpu.memory_space<semaphore_mem>>) {add = true}
          %dma_wait3A_470 = arith.constant 0 : i32
          %dma_wait3A_471 = tpu.memref_slice %arg8[%run_scoped3A_462, %dma_wait3A_470] : memref<2x80xi32, #tpu.memory_space<vmem>> -> memref<1x80xi32, #tpu.memory_space<vmem>>
          %dma_wait3A_472 = tpu.memref_squeeze %dma_wait3A_471 : memref<1x80xi32, #tpu.memory_space<vmem>> -> memref<80xi32, #tpu.memory_space<vmem>>
          %dma_wait3A_473 = arith.constant 0 : i32
          %dma_wait3A_474 = arith.constant 0 : i32
          %dma_wait3A_475 = tpu.memref_slice %arg15[%dma_wait3A_473, %dma_wait3A_474] : memref<10368x16xf32, #tpu.memory_space<vmem_shared>> -> memref<10368x16xf32, #tpu.memory_space<vmem_shared>>
          tpu.wait_indirect_dma semaphore(%run_scoped3A_463 : memref<!tpu.dma_semaphore, #tpu.memory_space<semaphore_mem>>) src(%arg11 : memref<80x16xf32, #tpu.memory_space<vmem>>) dst(%dma_wait3A_475 : memref<10368x16xf32, #tpu.memory_space<vmem_shared>>)
          tpu.yield
        }) : () -> ()
      } else {
      }
      %lt3A_457 = arith.constant 124 : i32
      %lt3A_458 = arith.cmpi slt, %scan3A_294, %lt3A_457 : i32
      %convert_element_type3A_459 = arith.extui %lt3A_458 : i1 to i32
      %cond3A_460 = arith.constant 0 : i32
      %cond3A_461 = arith.cmpi ne, %convert_element_type3A_459, %cond3A_460 : i32
      scf.if %cond3A_461 {
        %add3A_462 = arith.constant 2 : i32
        %add3A_463 = arith.addi %add3A_434, %add3A_462 : i32
        %mul3A_464 = arith.constant 80 : i32
        %mul3A_465 = arith.muli %add3A_463, %mul3A_464 : i32
        %add3A_466 = arith.addi %mul3A_60, %mul3A_465 : i32
        %multiple_of3A_467 = tpu.assume_multiple %add3A_466, 8 : i32
        %dma_start3A_468 = arith.constant 1 : i32
        %dma_start3A_469 = arith.constant 0 : i32
        %dma_start3A_470 = tpu.memref_slice %arg7[%dma_start3A_468, %dma_start3A_469] : memref<2x80xi32, #tpu.memory_space<vmem>> -> memref<1x80xi32, #tpu.memory_space<vmem>>
        %dma_start3A_471 = tpu.memref_squeeze %dma_start3A_470 : memref<1x80xi32, #tpu.memory_space<vmem>> -> memref<80xi32, #tpu.memory_space<vmem>>
        %dma_start3A_472 = tpu.memref_slice %arg3[%multiple_of3A_467] : memref<320000xi32, #tpu.memory_space<hbm>> -> memref<80xi32, #tpu.memory_space<hbm>>
        %dma_start3A_473 = arith.constant 0 : i32
        %dma_start3A_474 = tpu.memref_slice %arg7[%dma_start3A_468, %dma_start3A_473] : memref<2x80xi32, #tpu.memory_space<vmem>> -> memref<1x80xi32, #tpu.memory_space<vmem>>
        %dma_start3A_475 = tpu.memref_squeeze %dma_start3A_474 : memref<1x80xi32, #tpu.memory_space<vmem>> -> memref<80xi32, #tpu.memory_space<vmem>>
        %dma_start3A_476 = tpu.memref_slice %arg3[%multiple_of3A_467] : memref<320000xi32, #tpu.memory_space<hbm>> -> memref<80xi32, #tpu.memory_space<hbm>>
        tpu.enqueue_dma source(%dma_start3A_476 : memref<80xi32, #tpu.memory_space<hbm>>) target(%dma_start3A_475 : memref<80xi32, #tpu.memory_space<vmem>>) target_semaphore(%arg17 : memref<!tpu.dma_semaphore, #tpu.memory_space<semaphore_mem>>)
        %dma_start3A_477 = arith.constant 1 : i32
        %dma_start3A_478 = arith.constant 0 : i32
        %dma_start3A_479 = tpu.memref_slice %arg8[%dma_start3A_477, %dma_start3A_478] : memref<2x80xi32, #tpu.memory_space<vmem>> -> memref<1x80xi32, #tpu.memory_space<vmem>>
        %dma_start3A_480 = tpu.memref_squeeze %dma_start3A_479 : memref<1x80xi32, #tpu.memory_space<vmem>> -> memref<80xi32, #tpu.memory_space<vmem>>
        %dma_start3A_481 = tpu.memref_slice %arg4[%multiple_of3A_467] : memref<320000xi32, #tpu.memory_space<hbm>> -> memref<80xi32, #tpu.memory_space<hbm>>
        %dma_start3A_482 = arith.constant 0 : i32
        %dma_start3A_483 = tpu.memref_slice %arg8[%dma_start3A_477, %dma_start3A_482] : memref<2x80xi32, #tpu.memory_space<vmem>> -> memref<1x80xi32, #tpu.memory_space<vmem>>
        %dma_start3A_484 = tpu.memref_squeeze %dma_start3A_483 : memref<1x80xi32, #tpu.memory_space<vmem>> -> memref<80xi32, #tpu.memory_space<vmem>>
        %dma_start3A_485 = tpu.memref_slice %arg4[%multiple_of3A_467] : memref<320000xi32, #tpu.memory_space<hbm>> -> memref<80xi32, #tpu.memory_space<hbm>>
        tpu.enqueue_dma source(%dma_start3A_485 : memref<80xi32, #tpu.memory_space<hbm>>) target(%dma_start3A_484 : memref<80xi32, #tpu.memory_space<vmem>>) target_semaphore(%arg17 : memref<!tpu.dma_semaphore, #tpu.memory_space<semaphore_mem>>)
      } else {
      }
    }
    %scan3A_217 = arith.constant 125 : i32
    %barrier3A_218 = arith.constant 0 : index
    tpu.barrier barrier_id(%barrier3A_218)
    %mul3A_219 = arith.constant 10368 : i32
    %mul3A_220 = arith.muli %arg0, %mul3A_219 : i32
    %add3A_221 = arith.addi %mul3A_220, %mul3A_0 : i32
    %add3A_222 = arith.constant 0 : i32
    %add3A_223 = arith.addi %mul3A_0, %add3A_222 : i32
    "tpu.region"() ({
      %run_scoped3A = tpu.sem_alloc : memref<!tpu.dma_semaphore, #tpu.memory_space<semaphore_mem>>
      %dma_start3A_294 = arith.constant 0 : i32
      %dma_start3A_295 = tpu.memref_slice %arg14[%add3A_223, %dma_start3A_294] : memref<10368x64xf32, #tpu.memory_space<vmem_shared>> -> memref<72x64xf32, #tpu.memory_space<vmem_shared>>
      %dma_start3A_296 = arith.constant 0 : i32
      %dma_start3A_297 = tpu.memref_slice %arg14[%add3A_223, %dma_start3A_296] : memref<10368x64xf32, #tpu.memory_space<vmem_shared>> -> memref<72x64xf32, #tpu.memory_space<vmem_shared>>
      tpu.enqueue_dma source(%dma_start3A_297 : memref<72x64xf32, #tpu.memory_space<vmem_shared>>) target(%arg12 : memref<72x64xf32, #tpu.memory_space<vmem>>) target_semaphore(%run_scoped3A : memref<!tpu.dma_semaphore, #tpu.memory_space<semaphore_mem>>)
      %dma_wait3A_298 = arith.constant 0 : i32
      %dma_wait3A_299 = tpu.memref_slice %arg14[%add3A_223, %dma_wait3A_298] : memref<10368x64xf32, #tpu.memory_space<vmem_shared>> -> memref<72x64xf32, #tpu.memory_space<vmem_shared>>
      %dma_wait3A_300 = arith.constant 0 : i32
      %dma_wait3A_301 = tpu.memref_slice %arg14[%add3A_223, %dma_wait3A_300] : memref<10368x64xf32, #tpu.memory_space<vmem_shared>> -> memref<72x64xf32, #tpu.memory_space<vmem_shared>>
      tpu.wait_dma2 semaphore(%run_scoped3A : memref<!tpu.dma_semaphore, #tpu.memory_space<semaphore_mem>>) src(%dma_wait3A_301 : memref<72x64xf32, #tpu.memory_space<vmem_shared>>) dst(%arg12 : memref<72x64xf32, #tpu.memory_space<vmem>>)
      tpu.yield
    }) : () -> ()
    %add3A_224 = arith.constant 0 : i32
    %add3A_225 = arith.addi %add3A_221, %add3A_224 : i32
    "tpu.region"() ({
      %run_scoped3A = tpu.sem_alloc : memref<!tpu.dma_semaphore, #tpu.memory_space<semaphore_mem>>
      %dma_start3A_294 = arith.constant 0 : i32
      %dma_start3A_295 = tpu.memref_slice %arg5[%add3A_225, %dma_start3A_294] : memref<20736x64xf32, #tpu.memory_space<hbm>> -> memref<72x64xf32, #tpu.memory_space<hbm>>
      %dma_start3A_296 = arith.constant 0 : i32
      %dma_start3A_297 = tpu.memref_slice %arg5[%add3A_225, %dma_start3A_296] : memref<20736x64xf32, #tpu.memory_space<hbm>> -> memref<72x64xf32, #tpu.memory_space<hbm>>
      tpu.enqueue_dma source(%arg12 : memref<72x64xf32, #tpu.memory_space<vmem>>) target(%dma_start3A_297 : memref<72x64xf32, #tpu.memory_space<hbm>>) target_semaphore(%run_scoped3A : memref<!tpu.dma_semaphore, #tpu.memory_space<semaphore_mem>>)
      %dma_wait3A_298 = arith.constant 0 : i32
      %dma_wait3A_299 = tpu.memref_slice %arg5[%add3A_225, %dma_wait3A_298] : memref<20736x64xf32, #tpu.memory_space<hbm>> -> memref<72x64xf32, #tpu.memory_space<hbm>>
      %dma_wait3A_300 = arith.constant 0 : i32
      %dma_wait3A_301 = tpu.memref_slice %arg5[%add3A_225, %dma_wait3A_300] : memref<20736x64xf32, #tpu.memory_space<hbm>> -> memref<72x64xf32, #tpu.memory_space<hbm>>
      tpu.wait_dma2 semaphore(%run_scoped3A : memref<!tpu.dma_semaphore, #tpu.memory_space<semaphore_mem>>) src(%arg12 : memref<72x64xf32, #tpu.memory_space<vmem>>) dst(%dma_wait3A_301 : memref<72x64xf32, #tpu.memory_space<hbm>>)
      tpu.yield
    }) : () -> ()
    %add3A_226 = arith.constant 0 : i32
    %add3A_227 = arith.addi %mul3A_0, %add3A_226 : i32
    "tpu.region"() ({
      %run_scoped3A = tpu.sem_alloc : memref<!tpu.dma_semaphore, #tpu.memory_space<semaphore_mem>>
      %dma_start3A_294 = arith.constant 0 : i32
      %dma_start3A_295 = tpu.memref_slice %arg15[%add3A_227, %dma_start3A_294] : memref<10368x16xf32, #tpu.memory_space<vmem_shared>> -> memref<72x16xf32, #tpu.memory_space<vmem_shared>>
      %dma_start3A_296 = arith.constant 0 : i32
      %dma_start3A_297 = tpu.memref_slice %arg15[%add3A_227, %dma_start3A_296] : memref<10368x16xf32, #tpu.memory_space<vmem_shared>> -> memref<72x16xf32, #tpu.memory_space<vmem_shared>>
      tpu.enqueue_dma source(%dma_start3A_297 : memref<72x16xf32, #tpu.memory_space<vmem_shared>>) target(%arg13 : memref<72x16xf32, #tpu.memory_space<vmem>>) target_semaphore(%run_scoped3A : memref<!tpu.dma_semaphore, #tpu.memory_space<semaphore_mem>>)
      %dma_wait3A_298 = arith.constant 0 : i32
      %dma_wait3A_299 = tpu.memref_slice %arg15[%add3A_227, %dma_wait3A_298] : memref<10368x16xf32, #tpu.memory_space<vmem_shared>> -> memref<72x16xf32, #tpu.memory_space<vmem_shared>>
      %dma_wait3A_300 = arith.constant 0 : i32
      %dma_wait3A_301 = tpu.memref_slice %arg15[%add3A_227, %dma_wait3A_300] : memref<10368x16xf32, #tpu.memory_space<vmem_shared>> -> memref<72x16xf32, #tpu.memory_space<vmem_shared>>
      tpu.wait_dma2 semaphore(%run_scoped3A : memref<!tpu.dma_semaphore, #tpu.memory_space<semaphore_mem>>) src(%dma_wait3A_301 : memref<72x16xf32, #tpu.memory_space<vmem_shared>>) dst(%arg13 : memref<72x16xf32, #tpu.memory_space<vmem>>)
      tpu.yield
    }) : () -> ()
    %add3A_228 = arith.constant 0 : i32
    %add3A_229 = arith.addi %add3A_221, %add3A_228 : i32
    "tpu.region"() ({
      %run_scoped3A = tpu.sem_alloc : memref<!tpu.dma_semaphore, #tpu.memory_space<semaphore_mem>>
      %dma_start3A_294 = arith.constant 0 : i32
      %dma_start3A_295 = tpu.memref_slice %arg6[%add3A_229, %dma_start3A_294] : memref<20736x16xf32, #tpu.memory_space<hbm>> -> memref<72x16xf32, #tpu.memory_space<hbm>>
      %dma_start3A_296 = arith.constant 0 : i32
      %dma_start3A_297 = tpu.memref_slice %arg6[%add3A_229, %dma_start3A_296] : memref<20736x16xf32, #tpu.memory_space<hbm>> -> memref<72x16xf32, #tpu.memory_space<hbm>>
      tpu.enqueue_dma source(%arg13 : memref<72x16xf32, #tpu.memory_space<vmem>>) target(%dma_start3A_297 : memref<72x16xf32, #tpu.memory_space<hbm>>) target_semaphore(%run_scoped3A : memref<!tpu.dma_semaphore, #tpu.memory_space<semaphore_mem>>)
      %dma_wait3A_298 = arith.constant 0 : i32
      %dma_wait3A_299 = tpu.memref_slice %arg6[%add3A_229, %dma_wait3A_298] : memref<20736x16xf32, #tpu.memory_space<hbm>> -> memref<72x16xf32, #tpu.memory_space<hbm>>
      %dma_wait3A_300 = arith.constant 0 : i32
      %dma_wait3A_301 = tpu.memref_slice %arg6[%add3A_229, %dma_wait3A_300] : memref<20736x16xf32, #tpu.memory_space<hbm>> -> memref<72x16xf32, #tpu.memory_space<hbm>>
      tpu.wait_dma2 semaphore(%run_scoped3A : memref<!tpu.dma_semaphore, #tpu.memory_space<semaphore_mem>>) src(%arg13 : memref<72x16xf32, #tpu.memory_space<vmem>>) dst(%dma_wait3A_301 : memref<72x16xf32, #tpu.memory_space<hbm>>)
      tpu.yield
    }) : () -> ()
    %add3A_230 = arith.constant 72 : i32
    %add3A_231 = arith.addi %mul3A_0, %add3A_230 : i32
    "tpu.region"() ({
      %run_scoped3A = tpu.sem_alloc : memref<!tpu.dma_semaphore, #tpu.memory_space<semaphore_mem>>
      %dma_start3A_294 = arith.constant 0 : i32
      %dma_start3A_295 = tpu.memref_slice %arg14[%add3A_231, %dma_start3A_294] : memref<10368x64xf32, #tpu.memory_space<vmem_shared>> -> memref<72x64xf32, #tpu.memory_space<vmem_shared>>
      %dma_start3A_296 = arith.constant 0 : i32
      %dma_start3A_297 = tpu.memref_slice %arg14[%add3A_231, %dma_start3A_296] : memref<10368x64xf32, #tpu.memory_space<vmem_shared>> -> memref<72x64xf32, #tpu.memory_space<vmem_shared>>
      tpu.enqueue_dma source(%dma_start3A_297 : memref<72x64xf32, #tpu.memory_space<vmem_shared>>) target(%arg12 : memref<72x64xf32, #tpu.memory_space<vmem>>) target_semaphore(%run_scoped3A : memref<!tpu.dma_semaphore, #tpu.memory_space<semaphore_mem>>)
      %dma_wait3A_298 = arith.constant 0 : i32
      %dma_wait3A_299 = tpu.memref_slice %arg14[%add3A_231, %dma_wait3A_298] : memref<10368x64xf32, #tpu.memory_space<vmem_shared>> -> memref<72x64xf32, #tpu.memory_space<vmem_shared>>
      %dma_wait3A_300 = arith.constant 0 : i32
      %dma_wait3A_301 = tpu.memref_slice %arg14[%add3A_231, %dma_wait3A_300] : memref<10368x64xf32, #tpu.memory_space<vmem_shared>> -> memref<72x64xf32, #tpu.memory_space<vmem_shared>>
      tpu.wait_dma2 semaphore(%run_scoped3A : memref<!tpu.dma_semaphore, #tpu.memory_space<semaphore_mem>>) src(%dma_wait3A_301 : memref<72x64xf32, #tpu.memory_space<vmem_shared>>) dst(%arg12 : memref<72x64xf32, #tpu.memory_space<vmem>>)
      tpu.yield
    }) : () -> ()
    %add3A_232 = arith.constant 72 : i32
    %add3A_233 = arith.addi %add3A_221, %add3A_232 : i32
    "tpu.region"() ({
      %run_scoped3A = tpu.sem_alloc : memref<!tpu.dma_semaphore, #tpu.memory_space<semaphore_mem>>
      %dma_start3A_294 = arith.constant 0 : i32
      %dma_start3A_295 = tpu.memref_slice %arg5[%add3A_233, %dma_start3A_294] : memref<20736x64xf32, #tpu.memory_space<hbm>> -> memref<72x64xf32, #tpu.memory_space<hbm>>
      %dma_start3A_296 = arith.constant 0 : i32
      %dma_start3A_297 = tpu.memref_slice %arg5[%add3A_233, %dma_start3A_296] : memref<20736x64xf32, #tpu.memory_space<hbm>> -> memref<72x64xf32, #tpu.memory_space<hbm>>
      tpu.enqueue_dma source(%arg12 : memref<72x64xf32, #tpu.memory_space<vmem>>) target(%dma_start3A_297 : memref<72x64xf32, #tpu.memory_space<hbm>>) target_semaphore(%run_scoped3A : memref<!tpu.dma_semaphore, #tpu.memory_space<semaphore_mem>>)
      %dma_wait3A_298 = arith.constant 0 : i32
      %dma_wait3A_299 = tpu.memref_slice %arg5[%add3A_233, %dma_wait3A_298] : memref<20736x64xf32, #tpu.memory_space<hbm>> -> memref<72x64xf32, #tpu.memory_space<hbm>>
      %dma_wait3A_300 = arith.constant 0 : i32
      %dma_wait3A_301 = tpu.memref_slice %arg5[%add3A_233, %dma_wait3A_300] : memref<20736x64xf32, #tpu.memory_space<hbm>> -> memref<72x64xf32, #tpu.memory_space<hbm>>
      tpu.wait_dma2 semaphore(%run_scoped3A : memref<!tpu.dma_semaphore, #tpu.memory_space<semaphore_mem>>) src(%arg12 : memref<72x64xf32, #tpu.memory_space<vmem>>) dst(%dma_wait3A_301 : memref<72x64xf32, #tpu.memory_space<hbm>>)
      tpu.yield
    }) : () -> ()
    %add3A_234 = arith.constant 72 : i32
    %add3A_235 = arith.addi %mul3A_0, %add3A_234 : i32
    "tpu.region"() ({
      %run_scoped3A = tpu.sem_alloc : memref<!tpu.dma_semaphore, #tpu.memory_space<semaphore_mem>>
      %dma_start3A_294 = arith.constant 0 : i32
      %dma_start3A_295 = tpu.memref_slice %arg15[%add3A_235, %dma_start3A_294] : memref<10368x16xf32, #tpu.memory_space<vmem_shared>> -> memref<72x16xf32, #tpu.memory_space<vmem_shared>>
      %dma_start3A_296 = arith.constant 0 : i32
      %dma_start3A_297 = tpu.memref_slice %arg15[%add3A_235, %dma_start3A_296] : memref<10368x16xf32, #tpu.memory_space<vmem_shared>> -> memref<72x16xf32, #tpu.memory_space<vmem_shared>>
      tpu.enqueue_dma source(%dma_start3A_297 : memref<72x16xf32, #tpu.memory_space<vmem_shared>>) target(%arg13 : memref<72x16xf32, #tpu.memory_space<vmem>>) target_semaphore(%run_scoped3A : memref<!tpu.dma_semaphore, #tpu.memory_space<semaphore_mem>>)
      %dma_wait3A_298 = arith.constant 0 : i32
      %dma_wait3A_299 = tpu.memref_slice %arg15[%add3A_235, %dma_wait3A_298] : memref<10368x16xf32, #tpu.memory_space<vmem_shared>> -> memref<72x16xf32, #tpu.memory_space<vmem_shared>>
      %dma_wait3A_300 = arith.constant 0 : i32
      %dma_wait3A_301 = tpu.memref_slice %arg15[%add3A_235, %dma_wait3A_300] : memref<10368x16xf32, #tpu.memory_space<vmem_shared>> -> memref<72x16xf32, #tpu.memory_space<vmem_shared>>
      tpu.wait_dma2 semaphore(%run_scoped3A : memref<!tpu.dma_semaphore, #tpu.memory_space<semaphore_mem>>) src(%dma_wait3A_301 : memref<72x16xf32, #tpu.memory_space<vmem_shared>>) dst(%arg13 : memref<72x16xf32, #tpu.memory_space<vmem>>)
      tpu.yield
    }) : () -> ()
    %add3A_236 = arith.constant 72 : i32
    %add3A_237 = arith.addi %add3A_221, %add3A_236 : i32
    "tpu.region"() ({
      %run_scoped3A = tpu.sem_alloc : memref<!tpu.dma_semaphore, #tpu.memory_space<semaphore_mem>>
      %dma_start3A_294 = arith.constant 0 : i32
      %dma_start3A_295 = tpu.memref_slice %arg6[%add3A_237, %dma_start3A_294] : memref<20736x16xf32, #tpu.memory_space<hbm>> -> memref<72x16xf32, #tpu.memory_space<hbm>>
      %dma_start3A_296 = arith.constant 0 : i32
      %dma_start3A_297 = tpu.memref_slice %arg6[%add3A_237, %dma_start3A_296] : memref<20736x16xf32, #tpu.memory_space<hbm>> -> memref<72x16xf32, #tpu.memory_space<hbm>>
      tpu.enqueue_dma source(%arg13 : memref<72x16xf32, #tpu.memory_space<vmem>>) target(%dma_start3A_297 : memref<72x16xf32, #tpu.memory_space<hbm>>) target_semaphore(%run_scoped3A : memref<!tpu.dma_semaphore, #tpu.memory_space<semaphore_mem>>)
      %dma_wait3A_298 = arith.constant 0 : i32
      %dma_wait3A_299 = tpu.memref_slice %arg6[%add3A_237, %dma_wait3A_298] : memref<20736x16xf32, #tpu.memory_space<hbm>> -> memref<72x16xf32, #tpu.memory_space<hbm>>
      %dma_wait3A_300 = arith.constant 0 : i32
      %dma_wait3A_301 = tpu.memref_slice %arg6[%add3A_237, %dma_wait3A_300] : memref<20736x16xf32, #tpu.memory_space<hbm>> -> memref<72x16xf32, #tpu.memory_space<hbm>>
      tpu.wait_dma2 semaphore(%run_scoped3A : memref<!tpu.dma_semaphore, #tpu.memory_space<semaphore_mem>>) src(%arg13 : memref<72x16xf32, #tpu.memory_space<vmem>>) dst(%dma_wait3A_301 : memref<72x16xf32, #tpu.memory_space<hbm>>)
      tpu.yield
    }) : () -> ()
    %add3A_238 = arith.constant 144 : i32
    %add3A_239 = arith.addi %mul3A_0, %add3A_238 : i32
    "tpu.region"() ({
      %run_scoped3A = tpu.sem_alloc : memref<!tpu.dma_semaphore, #tpu.memory_space<semaphore_mem>>
      %dma_start3A_294 = arith.constant 0 : i32
      %dma_start3A_295 = tpu.memref_slice %arg14[%add3A_239, %dma_start3A_294] : memref<10368x64xf32, #tpu.memory_space<vmem_shared>> -> memref<72x64xf32, #tpu.memory_space<vmem_shared>>
      %dma_start3A_296 = arith.constant 0 : i32
      %dma_start3A_297 = tpu.memref_slice %arg14[%add3A_239, %dma_start3A_296] : memref<10368x64xf32, #tpu.memory_space<vmem_shared>> -> memref<72x64xf32, #tpu.memory_space<vmem_shared>>
      tpu.enqueue_dma source(%dma_start3A_297 : memref<72x64xf32, #tpu.memory_space<vmem_shared>>) target(%arg12 : memref<72x64xf32, #tpu.memory_space<vmem>>) target_semaphore(%run_scoped3A : memref<!tpu.dma_semaphore, #tpu.memory_space<semaphore_mem>>)
      %dma_wait3A_298 = arith.constant 0 : i32
      %dma_wait3A_299 = tpu.memref_slice %arg14[%add3A_239, %dma_wait3A_298] : memref<10368x64xf32, #tpu.memory_space<vmem_shared>> -> memref<72x64xf32, #tpu.memory_space<vmem_shared>>
      %dma_wait3A_300 = arith.constant 0 : i32
      %dma_wait3A_301 = tpu.memref_slice %arg14[%add3A_239, %dma_wait3A_300] : memref<10368x64xf32, #tpu.memory_space<vmem_shared>> -> memref<72x64xf32, #tpu.memory_space<vmem_shared>>
      tpu.wait_dma2 semaphore(%run_scoped3A : memref<!tpu.dma_semaphore, #tpu.memory_space<semaphore_mem>>) src(%dma_wait3A_301 : memref<72x64xf32, #tpu.memory_space<vmem_shared>>) dst(%arg12 : memref<72x64xf32, #tpu.memory_space<vmem>>)
      tpu.yield
    }) : () -> ()
    %add3A_240 = arith.constant 144 : i32
    %add3A_241 = arith.addi %add3A_221, %add3A_240 : i32
    "tpu.region"() ({
      %run_scoped3A = tpu.sem_alloc : memref<!tpu.dma_semaphore, #tpu.memory_space<semaphore_mem>>
      %dma_start3A_294 = arith.constant 0 : i32
      %dma_start3A_295 = tpu.memref_slice %arg5[%add3A_241, %dma_start3A_294] : memref<20736x64xf32, #tpu.memory_space<hbm>> -> memref<72x64xf32, #tpu.memory_space<hbm>>
      %dma_start3A_296 = arith.constant 0 : i32
      %dma_start3A_297 = tpu.memref_slice %arg5[%add3A_241, %dma_start3A_296] : memref<20736x64xf32, #tpu.memory_space<hbm>> -> memref<72x64xf32, #tpu.memory_space<hbm>>
      tpu.enqueue_dma source(%arg12 : memref<72x64xf32, #tpu.memory_space<vmem>>) target(%dma_start3A_297 : memref<72x64xf32, #tpu.memory_space<hbm>>) target_semaphore(%run_scoped3A : memref<!tpu.dma_semaphore, #tpu.memory_space<semaphore_mem>>)
      %dma_wait3A_298 = arith.constant 0 : i32
      %dma_wait3A_299 = tpu.memref_slice %arg5[%add3A_241, %dma_wait3A_298] : memref<20736x64xf32, #tpu.memory_space<hbm>> -> memref<72x64xf32, #tpu.memory_space<hbm>>
      %dma_wait3A_300 = arith.constant 0 : i32
      %dma_wait3A_301 = tpu.memref_slice %arg5[%add3A_241, %dma_wait3A_300] : memref<20736x64xf32, #tpu.memory_space<hbm>> -> memref<72x64xf32, #tpu.memory_space<hbm>>
      tpu.wait_dma2 semaphore(%run_scoped3A : memref<!tpu.dma_semaphore, #tpu.memory_space<semaphore_mem>>) src(%arg12 : memref<72x64xf32, #tpu.memory_space<vmem>>) dst(%dma_wait3A_301 : memref<72x64xf32, #tpu.memory_space<hbm>>)
      tpu.yield
    }) : () -> ()
    %add3A_242 = arith.constant 144 : i32
    %add3A_243 = arith.addi %mul3A_0, %add3A_242 : i32
    "tpu.region"() ({
      %run_scoped3A = tpu.sem_alloc : memref<!tpu.dma_semaphore, #tpu.memory_space<semaphore_mem>>
      %dma_start3A_294 = arith.constant 0 : i32
      %dma_start3A_295 = tpu.memref_slice %arg15[%add3A_243, %dma_start3A_294] : memref<10368x16xf32, #tpu.memory_space<vmem_shared>> -> memref<72x16xf32, #tpu.memory_space<vmem_shared>>
      %dma_start3A_296 = arith.constant 0 : i32
      %dma_start3A_297 = tpu.memref_slice %arg15[%add3A_243, %dma_start3A_296] : memref<10368x16xf32, #tpu.memory_space<vmem_shared>> -> memref<72x16xf32, #tpu.memory_space<vmem_shared>>
      tpu.enqueue_dma source(%dma_start3A_297 : memref<72x16xf32, #tpu.memory_space<vmem_shared>>) target(%arg13 : memref<72x16xf32, #tpu.memory_space<vmem>>) target_semaphore(%run_scoped3A : memref<!tpu.dma_semaphore, #tpu.memory_space<semaphore_mem>>)
      %dma_wait3A_298 = arith.constant 0 : i32
      %dma_wait3A_299 = tpu.memref_slice %arg15[%add3A_243, %dma_wait3A_298] : memref<10368x16xf32, #tpu.memory_space<vmem_shared>> -> memref<72x16xf32, #tpu.memory_space<vmem_shared>>
      %dma_wait3A_300 = arith.constant 0 : i32
      %dma_wait3A_301 = tpu.memref_slice %arg15[%add3A_243, %dma_wait3A_300] : memref<10368x16xf32, #tpu.memory_space<vmem_shared>> -> memref<72x16xf32, #tpu.memory_space<vmem_shared>>
      tpu.wait_dma2 semaphore(%run_scoped3A : memref<!tpu.dma_semaphore, #tpu.memory_space<semaphore_mem>>) src(%dma_wait3A_301 : memref<72x16xf32, #tpu.memory_space<vmem_shared>>) dst(%arg13 : memref<72x16xf32, #tpu.memory_space<vmem>>)
      tpu.yield
    }) : () -> ()
    %add3A_244 = arith.constant 144 : i32
    %add3A_245 = arith.addi %add3A_221, %add3A_244 : i32
    "tpu.region"() ({
      %run_scoped3A = tpu.sem_alloc : memref<!tpu.dma_semaphore, #tpu.memory_space<semaphore_mem>>
      %dma_start3A_294 = arith.constant 0 : i32
      %dma_start3A_295 = tpu.memref_slice %arg6[%add3A_245, %dma_start3A_294] : memref<20736x16xf32, #tpu.memory_space<hbm>> -> memref<72x16xf32, #tpu.memory_space<hbm>>
      %dma_start3A_296 = arith.constant 0 : i32
      %dma_start3A_297 = tpu.memref_slice %arg6[%add3A_245, %dma_start3A_296] : memref<20736x16xf32, #tpu.memory_space<hbm>> -> memref<72x16xf32, #tpu.memory_space<hbm>>
      tpu.enqueue_dma source(%arg13 : memref<72x16xf32, #tpu.memory_space<vmem>>) target(%dma_start3A_297 : memref<72x16xf32, #tpu.memory_space<hbm>>) target_semaphore(%run_scoped3A : memref<!tpu.dma_semaphore, #tpu.memory_space<semaphore_mem>>)
      %dma_wait3A_298 = arith.constant 0 : i32
      %dma_wait3A_299 = tpu.memref_slice %arg6[%add3A_245, %dma_wait3A_298] : memref<20736x16xf32, #tpu.memory_space<hbm>> -> memref<72x16xf32, #tpu.memory_space<hbm>>
      %dma_wait3A_300 = arith.constant 0 : i32
      %dma_wait3A_301 = tpu.memref_slice %arg6[%add3A_245, %dma_wait3A_300] : memref<20736x16xf32, #tpu.memory_space<hbm>> -> memref<72x16xf32, #tpu.memory_space<hbm>>
      tpu.wait_dma2 semaphore(%run_scoped3A : memref<!tpu.dma_semaphore, #tpu.memory_space<semaphore_mem>>) src(%arg13 : memref<72x16xf32, #tpu.memory_space<vmem>>) dst(%dma_wait3A_301 : memref<72x16xf32, #tpu.memory_space<hbm>>)
      tpu.yield
    }) : () -> ()
    %add3A_246 = arith.constant 216 : i32
    %add3A_247 = arith.addi %mul3A_0, %add3A_246 : i32
    "tpu.region"() ({
      %run_scoped3A = tpu.sem_alloc : memref<!tpu.dma_semaphore, #tpu.memory_space<semaphore_mem>>
      %dma_start3A_294 = arith.constant 0 : i32
      %dma_start3A_295 = tpu.memref_slice %arg14[%add3A_247, %dma_start3A_294] : memref<10368x64xf32, #tpu.memory_space<vmem_shared>> -> memref<72x64xf32, #tpu.memory_space<vmem_shared>>
      %dma_start3A_296 = arith.constant 0 : i32
      %dma_start3A_297 = tpu.memref_slice %arg14[%add3A_247, %dma_start3A_296] : memref<10368x64xf32, #tpu.memory_space<vmem_shared>> -> memref<72x64xf32, #tpu.memory_space<vmem_shared>>
      tpu.enqueue_dma source(%dma_start3A_297 : memref<72x64xf32, #tpu.memory_space<vmem_shared>>) target(%arg12 : memref<72x64xf32, #tpu.memory_space<vmem>>) target_semaphore(%run_scoped3A : memref<!tpu.dma_semaphore, #tpu.memory_space<semaphore_mem>>)
      %dma_wait3A_298 = arith.constant 0 : i32
      %dma_wait3A_299 = tpu.memref_slice %arg14[%add3A_247, %dma_wait3A_298] : memref<10368x64xf32, #tpu.memory_space<vmem_shared>> -> memref<72x64xf32, #tpu.memory_space<vmem_shared>>
      %dma_wait3A_300 = arith.constant 0 : i32
      %dma_wait3A_301 = tpu.memref_slice %arg14[%add3A_247, %dma_wait3A_300] : memref<10368x64xf32, #tpu.memory_space<vmem_shared>> -> memref<72x64xf32, #tpu.memory_space<vmem_shared>>
      tpu.wait_dma2 semaphore(%run_scoped3A : memref<!tpu.dma_semaphore, #tpu.memory_space<semaphore_mem>>) src(%dma_wait3A_301 : memref<72x64xf32, #tpu.memory_space<vmem_shared>>) dst(%arg12 : memref<72x64xf32, #tpu.memory_space<vmem>>)
      tpu.yield
    }) : () -> ()
    %add3A_248 = arith.constant 216 : i32
    %add3A_249 = arith.addi %add3A_221, %add3A_248 : i32
    "tpu.region"() ({
      %run_scoped3A = tpu.sem_alloc : memref<!tpu.dma_semaphore, #tpu.memory_space<semaphore_mem>>
      %dma_start3A_294 = arith.constant 0 : i32
      %dma_start3A_295 = tpu.memref_slice %arg5[%add3A_249, %dma_start3A_294] : memref<20736x64xf32, #tpu.memory_space<hbm>> -> memref<72x64xf32, #tpu.memory_space<hbm>>
      %dma_start3A_296 = arith.constant 0 : i32
      %dma_start3A_297 = tpu.memref_slice %arg5[%add3A_249, %dma_start3A_296] : memref<20736x64xf32, #tpu.memory_space<hbm>> -> memref<72x64xf32, #tpu.memory_space<hbm>>
      tpu.enqueue_dma source(%arg12 : memref<72x64xf32, #tpu.memory_space<vmem>>) target(%dma_start3A_297 : memref<72x64xf32, #tpu.memory_space<hbm>>) target_semaphore(%run_scoped3A : memref<!tpu.dma_semaphore, #tpu.memory_space<semaphore_mem>>)
      %dma_wait3A_298 = arith.constant 0 : i32
      %dma_wait3A_299 = tpu.memref_slice %arg5[%add3A_249, %dma_wait3A_298] : memref<20736x64xf32, #tpu.memory_space<hbm>> -> memref<72x64xf32, #tpu.memory_space<hbm>>
      %dma_wait3A_300 = arith.constant 0 : i32
      %dma_wait3A_301 = tpu.memref_slice %arg5[%add3A_249, %dma_wait3A_300] : memref<20736x64xf32, #tpu.memory_space<hbm>> -> memref<72x64xf32, #tpu.memory_space<hbm>>
      tpu.wait_dma2 semaphore(%run_scoped3A : memref<!tpu.dma_semaphore, #tpu.memory_space<semaphore_mem>>) src(%arg12 : memref<72x64xf32, #tpu.memory_space<vmem>>) dst(%dma_wait3A_301 : memref<72x64xf32, #tpu.memory_space<hbm>>)
      tpu.yield
    }) : () -> ()
    %add3A_250 = arith.constant 216 : i32
    %add3A_251 = arith.addi %mul3A_0, %add3A_250 : i32
    "tpu.region"() ({
      %run_scoped3A = tpu.sem_alloc : memref<!tpu.dma_semaphore, #tpu.memory_space<semaphore_mem>>
      %dma_start3A_294 = arith.constant 0 : i32
      %dma_start3A_295 = tpu.memref_slice %arg15[%add3A_251, %dma_start3A_294] : memref<10368x16xf32, #tpu.memory_space<vmem_shared>> -> memref<72x16xf32, #tpu.memory_space<vmem_shared>>
      %dma_start3A_296 = arith.constant 0 : i32
      %dma_start3A_297 = tpu.memref_slice %arg15[%add3A_251, %dma_start3A_296] : memref<10368x16xf32, #tpu.memory_space<vmem_shared>> -> memref<72x16xf32, #tpu.memory_space<vmem_shared>>
      tpu.enqueue_dma source(%dma_start3A_297 : memref<72x16xf32, #tpu.memory_space<vmem_shared>>) target(%arg13 : memref<72x16xf32, #tpu.memory_space<vmem>>) target_semaphore(%run_scoped3A : memref<!tpu.dma_semaphore, #tpu.memory_space<semaphore_mem>>)
      %dma_wait3A_298 = arith.constant 0 : i32
      %dma_wait3A_299 = tpu.memref_slice %arg15[%add3A_251, %dma_wait3A_298] : memref<10368x16xf32, #tpu.memory_space<vmem_shared>> -> memref<72x16xf32, #tpu.memory_space<vmem_shared>>
      %dma_wait3A_300 = arith.constant 0 : i32
      %dma_wait3A_301 = tpu.memref_slice %arg15[%add3A_251, %dma_wait3A_300] : memref<10368x16xf32, #tpu.memory_space<vmem_shared>> -> memref<72x16xf32, #tpu.memory_space<vmem_shared>>
      tpu.wait_dma2 semaphore(%run_scoped3A : memref<!tpu.dma_semaphore, #tpu.memory_space<semaphore_mem>>) src(%dma_wait3A_301 : memref<72x16xf32, #tpu.memory_space<vmem_shared>>) dst(%arg13 : memref<72x16xf32, #tpu.memory_space<vmem>>)
      tpu.yield
    }) : () -> ()
    %add3A_252 = arith.constant 216 : i32
    %add3A_253 = arith.addi %add3A_221, %add3A_252 : i32
    "tpu.region"() ({
      %run_scoped3A = tpu.sem_alloc : memref<!tpu.dma_semaphore, #tpu.memory_space<semaphore_mem>>
      %dma_start3A_294 = arith.constant 0 : i32
      %dma_start3A_295 = tpu.memref_slice %arg6[%add3A_253, %dma_start3A_294] : memref<20736x16xf32, #tpu.memory_space<hbm>> -> memref<72x16xf32, #tpu.memory_space<hbm>>
      %dma_start3A_296 = arith.constant 0 : i32
      %dma_start3A_297 = tpu.memref_slice %arg6[%add3A_253, %dma_start3A_296] : memref<20736x16xf32, #tpu.memory_space<hbm>> -> memref<72x16xf32, #tpu.memory_space<hbm>>
      tpu.enqueue_dma source(%arg13 : memref<72x16xf32, #tpu.memory_space<vmem>>) target(%dma_start3A_297 : memref<72x16xf32, #tpu.memory_space<hbm>>) target_semaphore(%run_scoped3A : memref<!tpu.dma_semaphore, #tpu.memory_space<semaphore_mem>>)
      %dma_wait3A_298 = arith.constant 0 : i32
      %dma_wait3A_299 = tpu.memref_slice %arg6[%add3A_253, %dma_wait3A_298] : memref<20736x16xf32, #tpu.memory_space<hbm>> -> memref<72x16xf32, #tpu.memory_space<hbm>>
      %dma_wait3A_300 = arith.constant 0 : i32
      %dma_wait3A_301 = tpu.memref_slice %arg6[%add3A_253, %dma_wait3A_300] : memref<20736x16xf32, #tpu.memory_space<hbm>> -> memref<72x16xf32, #tpu.memory_space<hbm>>
      tpu.wait_dma2 semaphore(%run_scoped3A : memref<!tpu.dma_semaphore, #tpu.memory_space<semaphore_mem>>) src(%arg13 : memref<72x16xf32, #tpu.memory_space<vmem>>) dst(%dma_wait3A_301 : memref<72x16xf32, #tpu.memory_space<hbm>>)
      tpu.yield
    }) : () -> ()
    %add3A_254 = arith.constant 288 : i32
    %add3A_255 = arith.addi %mul3A_0, %add3A_254 : i32
    "tpu.region"() ({
      %run_scoped3A = tpu.sem_alloc : memref<!tpu.dma_semaphore, #tpu.memory_space<semaphore_mem>>
      %dma_start3A_294 = arith.constant 0 : i32
      %dma_start3A_295 = tpu.memref_slice %arg14[%add3A_255, %dma_start3A_294] : memref<10368x64xf32, #tpu.memory_space<vmem_shared>> -> memref<72x64xf32, #tpu.memory_space<vmem_shared>>
      %dma_start3A_296 = arith.constant 0 : i32
      %dma_start3A_297 = tpu.memref_slice %arg14[%add3A_255, %dma_start3A_296] : memref<10368x64xf32, #tpu.memory_space<vmem_shared>> -> memref<72x64xf32, #tpu.memory_space<vmem_shared>>
      tpu.enqueue_dma source(%dma_start3A_297 : memref<72x64xf32, #tpu.memory_space<vmem_shared>>) target(%arg12 : memref<72x64xf32, #tpu.memory_space<vmem>>) target_semaphore(%run_scoped3A : memref<!tpu.dma_semaphore, #tpu.memory_space<semaphore_mem>>)
      %dma_wait3A_298 = arith.constant 0 : i32
      %dma_wait3A_299 = tpu.memref_slice %arg14[%add3A_255, %dma_wait3A_298] : memref<10368x64xf32, #tpu.memory_space<vmem_shared>> -> memref<72x64xf32, #tpu.memory_space<vmem_shared>>
      %dma_wait3A_300 = arith.constant 0 : i32
      %dma_wait3A_301 = tpu.memref_slice %arg14[%add3A_255, %dma_wait3A_300] : memref<10368x64xf32, #tpu.memory_space<vmem_shared>> -> memref<72x64xf32, #tpu.memory_space<vmem_shared>>
      tpu.wait_dma2 semaphore(%run_scoped3A : memref<!tpu.dma_semaphore, #tpu.memory_space<semaphore_mem>>) src(%dma_wait3A_301 : memref<72x64xf32, #tpu.memory_space<vmem_shared>>) dst(%arg12 : memref<72x64xf32, #tpu.memory_space<vmem>>)
      tpu.yield
    }) : () -> ()
    %add3A_256 = arith.constant 288 : i32
    %add3A_257 = arith.addi %add3A_221, %add3A_256 : i32
    "tpu.region"() ({
      %run_scoped3A = tpu.sem_alloc : memref<!tpu.dma_semaphore, #tpu.memory_space<semaphore_mem>>
      %dma_start3A_294 = arith.constant 0 : i32
      %dma_start3A_295 = tpu.memref_slice %arg5[%add3A_257, %dma_start3A_294] : memref<20736x64xf32, #tpu.memory_space<hbm>> -> memref<72x64xf32, #tpu.memory_space<hbm>>
      %dma_start3A_296 = arith.constant 0 : i32
      %dma_start3A_297 = tpu.memref_slice %arg5[%add3A_257, %dma_start3A_296] : memref<20736x64xf32, #tpu.memory_space<hbm>> -> memref<72x64xf32, #tpu.memory_space<hbm>>
      tpu.enqueue_dma source(%arg12 : memref<72x64xf32, #tpu.memory_space<vmem>>) target(%dma_start3A_297 : memref<72x64xf32, #tpu.memory_space<hbm>>) target_semaphore(%run_scoped3A : memref<!tpu.dma_semaphore, #tpu.memory_space<semaphore_mem>>)
      %dma_wait3A_298 = arith.constant 0 : i32
      %dma_wait3A_299 = tpu.memref_slice %arg5[%add3A_257, %dma_wait3A_298] : memref<20736x64xf32, #tpu.memory_space<hbm>> -> memref<72x64xf32, #tpu.memory_space<hbm>>
      %dma_wait3A_300 = arith.constant 0 : i32
      %dma_wait3A_301 = tpu.memref_slice %arg5[%add3A_257, %dma_wait3A_300] : memref<20736x64xf32, #tpu.memory_space<hbm>> -> memref<72x64xf32, #tpu.memory_space<hbm>>
      tpu.wait_dma2 semaphore(%run_scoped3A : memref<!tpu.dma_semaphore, #tpu.memory_space<semaphore_mem>>) src(%arg12 : memref<72x64xf32, #tpu.memory_space<vmem>>) dst(%dma_wait3A_301 : memref<72x64xf32, #tpu.memory_space<hbm>>)
      tpu.yield
    }) : () -> ()
    %add3A_258 = arith.constant 288 : i32
    %add3A_259 = arith.addi %mul3A_0, %add3A_258 : i32
    "tpu.region"() ({
      %run_scoped3A = tpu.sem_alloc : memref<!tpu.dma_semaphore, #tpu.memory_space<semaphore_mem>>
      %dma_start3A_294 = arith.constant 0 : i32
      %dma_start3A_295 = tpu.memref_slice %arg15[%add3A_259, %dma_start3A_294] : memref<10368x16xf32, #tpu.memory_space<vmem_shared>> -> memref<72x16xf32, #tpu.memory_space<vmem_shared>>
      %dma_start3A_296 = arith.constant 0 : i32
      %dma_start3A_297 = tpu.memref_slice %arg15[%add3A_259, %dma_start3A_296] : memref<10368x16xf32, #tpu.memory_space<vmem_shared>> -> memref<72x16xf32, #tpu.memory_space<vmem_shared>>
      tpu.enqueue_dma source(%dma_start3A_297 : memref<72x16xf32, #tpu.memory_space<vmem_shared>>) target(%arg13 : memref<72x16xf32, #tpu.memory_space<vmem>>) target_semaphore(%run_scoped3A : memref<!tpu.dma_semaphore, #tpu.memory_space<semaphore_mem>>)
      %dma_wait3A_298 = arith.constant 0 : i32
      %dma_wait3A_299 = tpu.memref_slice %arg15[%add3A_259, %dma_wait3A_298] : memref<10368x16xf32, #tpu.memory_space<vmem_shared>> -> memref<72x16xf32, #tpu.memory_space<vmem_shared>>
      %dma_wait3A_300 = arith.constant 0 : i32
      %dma_wait3A_301 = tpu.memref_slice %arg15[%add3A_259, %dma_wait3A_300] : memref<10368x16xf32, #tpu.memory_space<vmem_shared>> -> memref<72x16xf32, #tpu.memory_space<vmem_shared>>
      tpu.wait_dma2 semaphore(%run_scoped3A : memref<!tpu.dma_semaphore, #tpu.memory_space<semaphore_mem>>) src(%dma_wait3A_301 : memref<72x16xf32, #tpu.memory_space<vmem_shared>>) dst(%arg13 : memref<72x16xf32, #tpu.memory_space<vmem>>)
      tpu.yield
    }) : () -> ()
    %add3A_260 = arith.constant 288 : i32
    %add3A_261 = arith.addi %add3A_221, %add3A_260 : i32
    "tpu.region"() ({
      %run_scoped3A = tpu.sem_alloc : memref<!tpu.dma_semaphore, #tpu.memory_space<semaphore_mem>>
      %dma_start3A_294 = arith.constant 0 : i32
      %dma_start3A_295 = tpu.memref_slice %arg6[%add3A_261, %dma_start3A_294] : memref<20736x16xf32, #tpu.memory_space<hbm>> -> memref<72x16xf32, #tpu.memory_space<hbm>>
      %dma_start3A_296 = arith.constant 0 : i32
      %dma_start3A_297 = tpu.memref_slice %arg6[%add3A_261, %dma_start3A_296] : memref<20736x16xf32, #tpu.memory_space<hbm>> -> memref<72x16xf32, #tpu.memory_space<hbm>>
      tpu.enqueue_dma source(%arg13 : memref<72x16xf32, #tpu.memory_space<vmem>>) target(%dma_start3A_297 : memref<72x16xf32, #tpu.memory_space<hbm>>) target_semaphore(%run_scoped3A : memref<!tpu.dma_semaphore, #tpu.memory_space<semaphore_mem>>)
      %dma_wait3A_298 = arith.constant 0 : i32
      %dma_wait3A_299 = tpu.memref_slice %arg6[%add3A_261, %dma_wait3A_298] : memref<20736x16xf32, #tpu.memory_space<hbm>> -> memref<72x16xf32, #tpu.memory_space<hbm>>
      %dma_wait3A_300 = arith.constant 0 : i32
      %dma_wait3A_301 = tpu.memref_slice %arg6[%add3A_261, %dma_wait3A_300] : memref<20736x16xf32, #tpu.memory_space<hbm>> -> memref<72x16xf32, #tpu.memory_space<hbm>>
      tpu.wait_dma2 semaphore(%run_scoped3A : memref<!tpu.dma_semaphore, #tpu.memory_space<semaphore_mem>>) src(%arg13 : memref<72x16xf32, #tpu.memory_space<vmem>>) dst(%dma_wait3A_301 : memref<72x16xf32, #tpu.memory_space<hbm>>)
      tpu.yield
    }) : () -> ()
    %add3A_262 = arith.constant 360 : i32
    %add3A_263 = arith.addi %mul3A_0, %add3A_262 : i32
    "tpu.region"() ({
      %run_scoped3A = tpu.sem_alloc : memref<!tpu.dma_semaphore, #tpu.memory_space<semaphore_mem>>
      %dma_start3A_294 = arith.constant 0 : i32
      %dma_start3A_295 = tpu.memref_slice %arg14[%add3A_263, %dma_start3A_294] : memref<10368x64xf32, #tpu.memory_space<vmem_shared>> -> memref<72x64xf32, #tpu.memory_space<vmem_shared>>
      %dma_start3A_296 = arith.constant 0 : i32
      %dma_start3A_297 = tpu.memref_slice %arg14[%add3A_263, %dma_start3A_296] : memref<10368x64xf32, #tpu.memory_space<vmem_shared>> -> memref<72x64xf32, #tpu.memory_space<vmem_shared>>
      tpu.enqueue_dma source(%dma_start3A_297 : memref<72x64xf32, #tpu.memory_space<vmem_shared>>) target(%arg12 : memref<72x64xf32, #tpu.memory_space<vmem>>) target_semaphore(%run_scoped3A : memref<!tpu.dma_semaphore, #tpu.memory_space<semaphore_mem>>)
      %dma_wait3A_298 = arith.constant 0 : i32
      %dma_wait3A_299 = tpu.memref_slice %arg14[%add3A_263, %dma_wait3A_298] : memref<10368x64xf32, #tpu.memory_space<vmem_shared>> -> memref<72x64xf32, #tpu.memory_space<vmem_shared>>
      %dma_wait3A_300 = arith.constant 0 : i32
      %dma_wait3A_301 = tpu.memref_slice %arg14[%add3A_263, %dma_wait3A_300] : memref<10368x64xf32, #tpu.memory_space<vmem_shared>> -> memref<72x64xf32, #tpu.memory_space<vmem_shared>>
      tpu.wait_dma2 semaphore(%run_scoped3A : memref<!tpu.dma_semaphore, #tpu.memory_space<semaphore_mem>>) src(%dma_wait3A_301 : memref<72x64xf32, #tpu.memory_space<vmem_shared>>) dst(%arg12 : memref<72x64xf32, #tpu.memory_space<vmem>>)
      tpu.yield
    }) : () -> ()
    %add3A_264 = arith.constant 360 : i32
    %add3A_265 = arith.addi %add3A_221, %add3A_264 : i32
    "tpu.region"() ({
      %run_scoped3A = tpu.sem_alloc : memref<!tpu.dma_semaphore, #tpu.memory_space<semaphore_mem>>
      %dma_start3A_294 = arith.constant 0 : i32
      %dma_start3A_295 = tpu.memref_slice %arg5[%add3A_265, %dma_start3A_294] : memref<20736x64xf32, #tpu.memory_space<hbm>> -> memref<72x64xf32, #tpu.memory_space<hbm>>
      %dma_start3A_296 = arith.constant 0 : i32
      %dma_start3A_297 = tpu.memref_slice %arg5[%add3A_265, %dma_start3A_296] : memref<20736x64xf32, #tpu.memory_space<hbm>> -> memref<72x64xf32, #tpu.memory_space<hbm>>
      tpu.enqueue_dma source(%arg12 : memref<72x64xf32, #tpu.memory_space<vmem>>) target(%dma_start3A_297 : memref<72x64xf32, #tpu.memory_space<hbm>>) target_semaphore(%run_scoped3A : memref<!tpu.dma_semaphore, #tpu.memory_space<semaphore_mem>>)
      %dma_wait3A_298 = arith.constant 0 : i32
      %dma_wait3A_299 = tpu.memref_slice %arg5[%add3A_265, %dma_wait3A_298] : memref<20736x64xf32, #tpu.memory_space<hbm>> -> memref<72x64xf32, #tpu.memory_space<hbm>>
      %dma_wait3A_300 = arith.constant 0 : i32
      %dma_wait3A_301 = tpu.memref_slice %arg5[%add3A_265, %dma_wait3A_300] : memref<20736x64xf32, #tpu.memory_space<hbm>> -> memref<72x64xf32, #tpu.memory_space<hbm>>
      tpu.wait_dma2 semaphore(%run_scoped3A : memref<!tpu.dma_semaphore, #tpu.memory_space<semaphore_mem>>) src(%arg12 : memref<72x64xf32, #tpu.memory_space<vmem>>) dst(%dma_wait3A_301 : memref<72x64xf32, #tpu.memory_space<hbm>>)
      tpu.yield
    }) : () -> ()
    %add3A_266 = arith.constant 360 : i32
    %add3A_267 = arith.addi %mul3A_0, %add3A_266 : i32
    "tpu.region"() ({
      %run_scoped3A = tpu.sem_alloc : memref<!tpu.dma_semaphore, #tpu.memory_space<semaphore_mem>>
      %dma_start3A_294 = arith.constant 0 : i32
      %dma_start3A_295 = tpu.memref_slice %arg15[%add3A_267, %dma_start3A_294] : memref<10368x16xf32, #tpu.memory_space<vmem_shared>> -> memref<72x16xf32, #tpu.memory_space<vmem_shared>>
      %dma_start3A_296 = arith.constant 0 : i32
      %dma_start3A_297 = tpu.memref_slice %arg15[%add3A_267, %dma_start3A_296] : memref<10368x16xf32, #tpu.memory_space<vmem_shared>> -> memref<72x16xf32, #tpu.memory_space<vmem_shared>>
      tpu.enqueue_dma source(%dma_start3A_297 : memref<72x16xf32, #tpu.memory_space<vmem_shared>>) target(%arg13 : memref<72x16xf32, #tpu.memory_space<vmem>>) target_semaphore(%run_scoped3A : memref<!tpu.dma_semaphore, #tpu.memory_space<semaphore_mem>>)
      %dma_wait3A_298 = arith.constant 0 : i32
      %dma_wait3A_299 = tpu.memref_slice %arg15[%add3A_267, %dma_wait3A_298] : memref<10368x16xf32, #tpu.memory_space<vmem_shared>> -> memref<72x16xf32, #tpu.memory_space<vmem_shared>>
      %dma_wait3A_300 = arith.constant 0 : i32
      %dma_wait3A_301 = tpu.memref_slice %arg15[%add3A_267, %dma_wait3A_300] : memref<10368x16xf32, #tpu.memory_space<vmem_shared>> -> memref<72x16xf32, #tpu.memory_space<vmem_shared>>
      tpu.wait_dma2 semaphore(%run_scoped3A : memref<!tpu.dma_semaphore, #tpu.memory_space<semaphore_mem>>) src(%dma_wait3A_301 : memref<72x16xf32, #tpu.memory_space<vmem_shared>>) dst(%arg13 : memref<72x16xf32, #tpu.memory_space<vmem>>)
      tpu.yield
    }) : () -> ()
    %add3A_268 = arith.constant 360 : i32
    %add3A_269 = arith.addi %add3A_221, %add3A_268 : i32
    "tpu.region"() ({
      %run_scoped3A = tpu.sem_alloc : memref<!tpu.dma_semaphore, #tpu.memory_space<semaphore_mem>>
      %dma_start3A_294 = arith.constant 0 : i32
      %dma_start3A_295 = tpu.memref_slice %arg6[%add3A_269, %dma_start3A_294] : memref<20736x16xf32, #tpu.memory_space<hbm>> -> memref<72x16xf32, #tpu.memory_space<hbm>>
      %dma_start3A_296 = arith.constant 0 : i32
      %dma_start3A_297 = tpu.memref_slice %arg6[%add3A_269, %dma_start3A_296] : memref<20736x16xf32, #tpu.memory_space<hbm>> -> memref<72x16xf32, #tpu.memory_space<hbm>>
      tpu.enqueue_dma source(%arg13 : memref<72x16xf32, #tpu.memory_space<vmem>>) target(%dma_start3A_297 : memref<72x16xf32, #tpu.memory_space<hbm>>) target_semaphore(%run_scoped3A : memref<!tpu.dma_semaphore, #tpu.memory_space<semaphore_mem>>)
      %dma_wait3A_298 = arith.constant 0 : i32
      %dma_wait3A_299 = tpu.memref_slice %arg6[%add3A_269, %dma_wait3A_298] : memref<20736x16xf32, #tpu.memory_space<hbm>> -> memref<72x16xf32, #tpu.memory_space<hbm>>
      %dma_wait3A_300 = arith.constant 0 : i32
      %dma_wait3A_301 = tpu.memref_slice %arg6[%add3A_269, %dma_wait3A_300] : memref<20736x16xf32, #tpu.memory_space<hbm>> -> memref<72x16xf32, #tpu.memory_space<hbm>>
      tpu.wait_dma2 semaphore(%run_scoped3A : memref<!tpu.dma_semaphore, #tpu.memory_space<semaphore_mem>>) src(%arg13 : memref<72x16xf32, #tpu.memory_space<vmem>>) dst(%dma_wait3A_301 : memref<72x16xf32, #tpu.memory_space<hbm>>)
      tpu.yield
    }) : () -> ()
    %add3A_270 = arith.constant 432 : i32
    %add3A_271 = arith.addi %mul3A_0, %add3A_270 : i32
    "tpu.region"() ({
      %run_scoped3A = tpu.sem_alloc : memref<!tpu.dma_semaphore, #tpu.memory_space<semaphore_mem>>
      %dma_start3A_294 = arith.constant 0 : i32
      %dma_start3A_295 = tpu.memref_slice %arg14[%add3A_271, %dma_start3A_294] : memref<10368x64xf32, #tpu.memory_space<vmem_shared>> -> memref<72x64xf32, #tpu.memory_space<vmem_shared>>
      %dma_start3A_296 = arith.constant 0 : i32
      %dma_start3A_297 = tpu.memref_slice %arg14[%add3A_271, %dma_start3A_296] : memref<10368x64xf32, #tpu.memory_space<vmem_shared>> -> memref<72x64xf32, #tpu.memory_space<vmem_shared>>
      tpu.enqueue_dma source(%dma_start3A_297 : memref<72x64xf32, #tpu.memory_space<vmem_shared>>) target(%arg12 : memref<72x64xf32, #tpu.memory_space<vmem>>) target_semaphore(%run_scoped3A : memref<!tpu.dma_semaphore, #tpu.memory_space<semaphore_mem>>)
      %dma_wait3A_298 = arith.constant 0 : i32
      %dma_wait3A_299 = tpu.memref_slice %arg14[%add3A_271, %dma_wait3A_298] : memref<10368x64xf32, #tpu.memory_space<vmem_shared>> -> memref<72x64xf32, #tpu.memory_space<vmem_shared>>
      %dma_wait3A_300 = arith.constant 0 : i32
      %dma_wait3A_301 = tpu.memref_slice %arg14[%add3A_271, %dma_wait3A_300] : memref<10368x64xf32, #tpu.memory_space<vmem_shared>> -> memref<72x64xf32, #tpu.memory_space<vmem_shared>>
      tpu.wait_dma2 semaphore(%run_scoped3A : memref<!tpu.dma_semaphore, #tpu.memory_space<semaphore_mem>>) src(%dma_wait3A_301 : memref<72x64xf32, #tpu.memory_space<vmem_shared>>) dst(%arg12 : memref<72x64xf32, #tpu.memory_space<vmem>>)
      tpu.yield
    }) : () -> ()
    %add3A_272 = arith.constant 432 : i32
    %add3A_273 = arith.addi %add3A_221, %add3A_272 : i32
    "tpu.region"() ({
      %run_scoped3A = tpu.sem_alloc : memref<!tpu.dma_semaphore, #tpu.memory_space<semaphore_mem>>
      %dma_start3A_294 = arith.constant 0 : i32
      %dma_start3A_295 = tpu.memref_slice %arg5[%add3A_273, %dma_start3A_294] : memref<20736x64xf32, #tpu.memory_space<hbm>> -> memref<72x64xf32, #tpu.memory_space<hbm>>
      %dma_start3A_296 = arith.constant 0 : i32
      %dma_start3A_297 = tpu.memref_slice %arg5[%add3A_273, %dma_start3A_296] : memref<20736x64xf32, #tpu.memory_space<hbm>> -> memref<72x64xf32, #tpu.memory_space<hbm>>
      tpu.enqueue_dma source(%arg12 : memref<72x64xf32, #tpu.memory_space<vmem>>) target(%dma_start3A_297 : memref<72x64xf32, #tpu.memory_space<hbm>>) target_semaphore(%run_scoped3A : memref<!tpu.dma_semaphore, #tpu.memory_space<semaphore_mem>>)
      %dma_wait3A_298 = arith.constant 0 : i32
      %dma_wait3A_299 = tpu.memref_slice %arg5[%add3A_273, %dma_wait3A_298] : memref<20736x64xf32, #tpu.memory_space<hbm>> -> memref<72x64xf32, #tpu.memory_space<hbm>>
      %dma_wait3A_300 = arith.constant 0 : i32
      %dma_wait3A_301 = tpu.memref_slice %arg5[%add3A_273, %dma_wait3A_300] : memref<20736x64xf32, #tpu.memory_space<hbm>> -> memref<72x64xf32, #tpu.memory_space<hbm>>
      tpu.wait_dma2 semaphore(%run_scoped3A : memref<!tpu.dma_semaphore, #tpu.memory_space<semaphore_mem>>) src(%arg12 : memref<72x64xf32, #tpu.memory_space<vmem>>) dst(%dma_wait3A_301 : memref<72x64xf32, #tpu.memory_space<hbm>>)
      tpu.yield
    }) : () -> ()
    %add3A_274 = arith.constant 432 : i32
    %add3A_275 = arith.addi %mul3A_0, %add3A_274 : i32
    "tpu.region"() ({
      %run_scoped3A = tpu.sem_alloc : memref<!tpu.dma_semaphore, #tpu.memory_space<semaphore_mem>>
      %dma_start3A_294 = arith.constant 0 : i32
      %dma_start3A_295 = tpu.memref_slice %arg15[%add3A_275, %dma_start3A_294] : memref<10368x16xf32, #tpu.memory_space<vmem_shared>> -> memref<72x16xf32, #tpu.memory_space<vmem_shared>>
      %dma_start3A_296 = arith.constant 0 : i32
      %dma_start3A_297 = tpu.memref_slice %arg15[%add3A_275, %dma_start3A_296] : memref<10368x16xf32, #tpu.memory_space<vmem_shared>> -> memref<72x16xf32, #tpu.memory_space<vmem_shared>>
      tpu.enqueue_dma source(%dma_start3A_297 : memref<72x16xf32, #tpu.memory_space<vmem_shared>>) target(%arg13 : memref<72x16xf32, #tpu.memory_space<vmem>>) target_semaphore(%run_scoped3A : memref<!tpu.dma_semaphore, #tpu.memory_space<semaphore_mem>>)
      %dma_wait3A_298 = arith.constant 0 : i32
      %dma_wait3A_299 = tpu.memref_slice %arg15[%add3A_275, %dma_wait3A_298] : memref<10368x16xf32, #tpu.memory_space<vmem_shared>> -> memref<72x16xf32, #tpu.memory_space<vmem_shared>>
      %dma_wait3A_300 = arith.constant 0 : i32
      %dma_wait3A_301 = tpu.memref_slice %arg15[%add3A_275, %dma_wait3A_300] : memref<10368x16xf32, #tpu.memory_space<vmem_shared>> -> memref<72x16xf32, #tpu.memory_space<vmem_shared>>
      tpu.wait_dma2 semaphore(%run_scoped3A : memref<!tpu.dma_semaphore, #tpu.memory_space<semaphore_mem>>) src(%dma_wait3A_301 : memref<72x16xf32, #tpu.memory_space<vmem_shared>>) dst(%arg13 : memref<72x16xf32, #tpu.memory_space<vmem>>)
      tpu.yield
    }) : () -> ()
    %add3A_276 = arith.constant 432 : i32
    %add3A_277 = arith.addi %add3A_221, %add3A_276 : i32
    "tpu.region"() ({
      %run_scoped3A = tpu.sem_alloc : memref<!tpu.dma_semaphore, #tpu.memory_space<semaphore_mem>>
      %dma_start3A_294 = arith.constant 0 : i32
      %dma_start3A_295 = tpu.memref_slice %arg6[%add3A_277, %dma_start3A_294] : memref<20736x16xf32, #tpu.memory_space<hbm>> -> memref<72x16xf32, #tpu.memory_space<hbm>>
      %dma_start3A_296 = arith.constant 0 : i32
      %dma_start3A_297 = tpu.memref_slice %arg6[%add3A_277, %dma_start3A_296] : memref<20736x16xf32, #tpu.memory_space<hbm>> -> memref<72x16xf32, #tpu.memory_space<hbm>>
      tpu.enqueue_dma source(%arg13 : memref<72x16xf32, #tpu.memory_space<vmem>>) target(%dma_start3A_297 : memref<72x16xf32, #tpu.memory_space<hbm>>) target_semaphore(%run_scoped3A : memref<!tpu.dma_semaphore, #tpu.memory_space<semaphore_mem>>)
      %dma_wait3A_298 = arith.constant 0 : i32
      %dma_wait3A_299 = tpu.memref_slice %arg6[%add3A_277, %dma_wait3A_298] : memref<20736x16xf32, #tpu.memory_space<hbm>> -> memref<72x16xf32, #tpu.memory_space<hbm>>
      %dma_wait3A_300 = arith.constant 0 : i32
      %dma_wait3A_301 = tpu.memref_slice %arg6[%add3A_277, %dma_wait3A_300] : memref<20736x16xf32, #tpu.memory_space<hbm>> -> memref<72x16xf32, #tpu.memory_space<hbm>>
      tpu.wait_dma2 semaphore(%run_scoped3A : memref<!tpu.dma_semaphore, #tpu.memory_space<semaphore_mem>>) src(%arg13 : memref<72x16xf32, #tpu.memory_space<vmem>>) dst(%dma_wait3A_301 : memref<72x16xf32, #tpu.memory_space<hbm>>)
      tpu.yield
    }) : () -> ()
    %add3A_278 = arith.constant 504 : i32
    %add3A_279 = arith.addi %mul3A_0, %add3A_278 : i32
    "tpu.region"() ({
      %run_scoped3A = tpu.sem_alloc : memref<!tpu.dma_semaphore, #tpu.memory_space<semaphore_mem>>
      %dma_start3A_294 = arith.constant 0 : i32
      %dma_start3A_295 = tpu.memref_slice %arg14[%add3A_279, %dma_start3A_294] : memref<10368x64xf32, #tpu.memory_space<vmem_shared>> -> memref<72x64xf32, #tpu.memory_space<vmem_shared>>
      %dma_start3A_296 = arith.constant 0 : i32
      %dma_start3A_297 = tpu.memref_slice %arg14[%add3A_279, %dma_start3A_296] : memref<10368x64xf32, #tpu.memory_space<vmem_shared>> -> memref<72x64xf32, #tpu.memory_space<vmem_shared>>
      tpu.enqueue_dma source(%dma_start3A_297 : memref<72x64xf32, #tpu.memory_space<vmem_shared>>) target(%arg12 : memref<72x64xf32, #tpu.memory_space<vmem>>) target_semaphore(%run_scoped3A : memref<!tpu.dma_semaphore, #tpu.memory_space<semaphore_mem>>)
      %dma_wait3A_298 = arith.constant 0 : i32
      %dma_wait3A_299 = tpu.memref_slice %arg14[%add3A_279, %dma_wait3A_298] : memref<10368x64xf32, #tpu.memory_space<vmem_shared>> -> memref<72x64xf32, #tpu.memory_space<vmem_shared>>
      %dma_wait3A_300 = arith.constant 0 : i32
      %dma_wait3A_301 = tpu.memref_slice %arg14[%add3A_279, %dma_wait3A_300] : memref<10368x64xf32, #tpu.memory_space<vmem_shared>> -> memref<72x64xf32, #tpu.memory_space<vmem_shared>>
      tpu.wait_dma2 semaphore(%run_scoped3A : memref<!tpu.dma_semaphore, #tpu.memory_space<semaphore_mem>>) src(%dma_wait3A_301 : memref<72x64xf32, #tpu.memory_space<vmem_shared>>) dst(%arg12 : memref<72x64xf32, #tpu.memory_space<vmem>>)
      tpu.yield
    }) : () -> ()
    %add3A_280 = arith.constant 504 : i32
    %add3A_281 = arith.addi %add3A_221, %add3A_280 : i32
    "tpu.region"() ({
      %run_scoped3A = tpu.sem_alloc : memref<!tpu.dma_semaphore, #tpu.memory_space<semaphore_mem>>
      %dma_start3A_294 = arith.constant 0 : i32
      %dma_start3A_295 = tpu.memref_slice %arg5[%add3A_281, %dma_start3A_294] : memref<20736x64xf32, #tpu.memory_space<hbm>> -> memref<72x64xf32, #tpu.memory_space<hbm>>
      %dma_start3A_296 = arith.constant 0 : i32
      %dma_start3A_297 = tpu.memref_slice %arg5[%add3A_281, %dma_start3A_296] : memref<20736x64xf32, #tpu.memory_space<hbm>> -> memref<72x64xf32, #tpu.memory_space<hbm>>
      tpu.enqueue_dma source(%arg12 : memref<72x64xf32, #tpu.memory_space<vmem>>) target(%dma_start3A_297 : memref<72x64xf32, #tpu.memory_space<hbm>>) target_semaphore(%run_scoped3A : memref<!tpu.dma_semaphore, #tpu.memory_space<semaphore_mem>>)
      %dma_wait3A_298 = arith.constant 0 : i32
      %dma_wait3A_299 = tpu.memref_slice %arg5[%add3A_281, %dma_wait3A_298] : memref<20736x64xf32, #tpu.memory_space<hbm>> -> memref<72x64xf32, #tpu.memory_space<hbm>>
      %dma_wait3A_300 = arith.constant 0 : i32
      %dma_wait3A_301 = tpu.memref_slice %arg5[%add3A_281, %dma_wait3A_300] : memref<20736x64xf32, #tpu.memory_space<hbm>> -> memref<72x64xf32, #tpu.memory_space<hbm>>
      tpu.wait_dma2 semaphore(%run_scoped3A : memref<!tpu.dma_semaphore, #tpu.memory_space<semaphore_mem>>) src(%arg12 : memref<72x64xf32, #tpu.memory_space<vmem>>) dst(%dma_wait3A_301 : memref<72x64xf32, #tpu.memory_space<hbm>>)
      tpu.yield
    }) : () -> ()
    %add3A_282 = arith.constant 504 : i32
    %add3A_283 = arith.addi %mul3A_0, %add3A_282 : i32
    "tpu.region"() ({
      %run_scoped3A = tpu.sem_alloc : memref<!tpu.dma_semaphore, #tpu.memory_space<semaphore_mem>>
      %dma_start3A_294 = arith.constant 0 : i32
      %dma_start3A_295 = tpu.memref_slice %arg15[%add3A_283, %dma_start3A_294] : memref<10368x16xf32, #tpu.memory_space<vmem_shared>> -> memref<72x16xf32, #tpu.memory_space<vmem_shared>>
      %dma_start3A_296 = arith.constant 0 : i32
      %dma_start3A_297 = tpu.memref_slice %arg15[%add3A_283, %dma_start3A_296] : memref<10368x16xf32, #tpu.memory_space<vmem_shared>> -> memref<72x16xf32, #tpu.memory_space<vmem_shared>>
      tpu.enqueue_dma source(%dma_start3A_297 : memref<72x16xf32, #tpu.memory_space<vmem_shared>>) target(%arg13 : memref<72x16xf32, #tpu.memory_space<vmem>>) target_semaphore(%run_scoped3A : memref<!tpu.dma_semaphore, #tpu.memory_space<semaphore_mem>>)
      %dma_wait3A_298 = arith.constant 0 : i32
      %dma_wait3A_299 = tpu.memref_slice %arg15[%add3A_283, %dma_wait3A_298] : memref<10368x16xf32, #tpu.memory_space<vmem_shared>> -> memref<72x16xf32, #tpu.memory_space<vmem_shared>>
      %dma_wait3A_300 = arith.constant 0 : i32
      %dma_wait3A_301 = tpu.memref_slice %arg15[%add3A_283, %dma_wait3A_300] : memref<10368x16xf32, #tpu.memory_space<vmem_shared>> -> memref<72x16xf32, #tpu.memory_space<vmem_shared>>
      tpu.wait_dma2 semaphore(%run_scoped3A : memref<!tpu.dma_semaphore, #tpu.memory_space<semaphore_mem>>) src(%dma_wait3A_301 : memref<72x16xf32, #tpu.memory_space<vmem_shared>>) dst(%arg13 : memref<72x16xf32, #tpu.memory_space<vmem>>)
      tpu.yield
    }) : () -> ()
    %add3A_284 = arith.constant 504 : i32
    %add3A_285 = arith.addi %add3A_221, %add3A_284 : i32
    "tpu.region"() ({
      %run_scoped3A = tpu.sem_alloc : memref<!tpu.dma_semaphore, #tpu.memory_space<semaphore_mem>>
      %dma_start3A_294 = arith.constant 0 : i32
      %dma_start3A_295 = tpu.memref_slice %arg6[%add3A_285, %dma_start3A_294] : memref<20736x16xf32, #tpu.memory_space<hbm>> -> memref<72x16xf32, #tpu.memory_space<hbm>>
      %dma_start3A_296 = arith.constant 0 : i32
      %dma_start3A_297 = tpu.memref_slice %arg6[%add3A_285, %dma_start3A_296] : memref<20736x16xf32, #tpu.memory_space<hbm>> -> memref<72x16xf32, #tpu.memory_space<hbm>>
      tpu.enqueue_dma source(%arg13 : memref<72x16xf32, #tpu.memory_space<vmem>>) target(%dma_start3A_297 : memref<72x16xf32, #tpu.memory_space<hbm>>) target_semaphore(%run_scoped3A : memref<!tpu.dma_semaphore, #tpu.memory_space<semaphore_mem>>)
      %dma_wait3A_298 = arith.constant 0 : i32
      %dma_wait3A_299 = tpu.memref_slice %arg6[%add3A_285, %dma_wait3A_298] : memref<20736x16xf32, #tpu.memory_space<hbm>> -> memref<72x16xf32, #tpu.memory_space<hbm>>
      %dma_wait3A_300 = arith.constant 0 : i32
      %dma_wait3A_301 = tpu.memref_slice %arg6[%add3A_285, %dma_wait3A_300] : memref<20736x16xf32, #tpu.memory_space<hbm>> -> memref<72x16xf32, #tpu.memory_space<hbm>>
      tpu.wait_dma2 semaphore(%run_scoped3A : memref<!tpu.dma_semaphore, #tpu.memory_space<semaphore_mem>>) src(%arg13 : memref<72x16xf32, #tpu.memory_space<vmem>>) dst(%dma_wait3A_301 : memref<72x16xf32, #tpu.memory_space<hbm>>)
      tpu.yield
    }) : () -> ()
    %add3A_286 = arith.constant 576 : i32
    %add3A_287 = arith.addi %mul3A_0, %add3A_286 : i32
    "tpu.region"() ({
      %run_scoped3A = tpu.sem_alloc : memref<!tpu.dma_semaphore, #tpu.memory_space<semaphore_mem>>
      %dma_start3A_294 = arith.constant 0 : i32
      %dma_start3A_295 = tpu.memref_slice %arg14[%add3A_287, %dma_start3A_294] : memref<10368x64xf32, #tpu.memory_space<vmem_shared>> -> memref<72x64xf32, #tpu.memory_space<vmem_shared>>
      %dma_start3A_296 = arith.constant 0 : i32
      %dma_start3A_297 = tpu.memref_slice %arg14[%add3A_287, %dma_start3A_296] : memref<10368x64xf32, #tpu.memory_space<vmem_shared>> -> memref<72x64xf32, #tpu.memory_space<vmem_shared>>
      tpu.enqueue_dma source(%dma_start3A_297 : memref<72x64xf32, #tpu.memory_space<vmem_shared>>) target(%arg12 : memref<72x64xf32, #tpu.memory_space<vmem>>) target_semaphore(%run_scoped3A : memref<!tpu.dma_semaphore, #tpu.memory_space<semaphore_mem>>)
      %dma_wait3A_298 = arith.constant 0 : i32
      %dma_wait3A_299 = tpu.memref_slice %arg14[%add3A_287, %dma_wait3A_298] : memref<10368x64xf32, #tpu.memory_space<vmem_shared>> -> memref<72x64xf32, #tpu.memory_space<vmem_shared>>
      %dma_wait3A_300 = arith.constant 0 : i32
      %dma_wait3A_301 = tpu.memref_slice %arg14[%add3A_287, %dma_wait3A_300] : memref<10368x64xf32, #tpu.memory_space<vmem_shared>> -> memref<72x64xf32, #tpu.memory_space<vmem_shared>>
      tpu.wait_dma2 semaphore(%run_scoped3A : memref<!tpu.dma_semaphore, #tpu.memory_space<semaphore_mem>>) src(%dma_wait3A_301 : memref<72x64xf32, #tpu.memory_space<vmem_shared>>) dst(%arg12 : memref<72x64xf32, #tpu.memory_space<vmem>>)
      tpu.yield
    }) : () -> ()
    %add3A_288 = arith.constant 576 : i32
    %add3A_289 = arith.addi %add3A_221, %add3A_288 : i32
    "tpu.region"() ({
      %run_scoped3A = tpu.sem_alloc : memref<!tpu.dma_semaphore, #tpu.memory_space<semaphore_mem>>
      %dma_start3A_294 = arith.constant 0 : i32
      %dma_start3A_295 = tpu.memref_slice %arg5[%add3A_289, %dma_start3A_294] : memref<20736x64xf32, #tpu.memory_space<hbm>> -> memref<72x64xf32, #tpu.memory_space<hbm>>
      %dma_start3A_296 = arith.constant 0 : i32
      %dma_start3A_297 = tpu.memref_slice %arg5[%add3A_289, %dma_start3A_296] : memref<20736x64xf32, #tpu.memory_space<hbm>> -> memref<72x64xf32, #tpu.memory_space<hbm>>
      tpu.enqueue_dma source(%arg12 : memref<72x64xf32, #tpu.memory_space<vmem>>) target(%dma_start3A_297 : memref<72x64xf32, #tpu.memory_space<hbm>>) target_semaphore(%run_scoped3A : memref<!tpu.dma_semaphore, #tpu.memory_space<semaphore_mem>>)
      %dma_wait3A_298 = arith.constant 0 : i32
      %dma_wait3A_299 = tpu.memref_slice %arg5[%add3A_289, %dma_wait3A_298] : memref<20736x64xf32, #tpu.memory_space<hbm>> -> memref<72x64xf32, #tpu.memory_space<hbm>>
      %dma_wait3A_300 = arith.constant 0 : i32
      %dma_wait3A_301 = tpu.memref_slice %arg5[%add3A_289, %dma_wait3A_300] : memref<20736x64xf32, #tpu.memory_space<hbm>> -> memref<72x64xf32, #tpu.memory_space<hbm>>
      tpu.wait_dma2 semaphore(%run_scoped3A : memref<!tpu.dma_semaphore, #tpu.memory_space<semaphore_mem>>) src(%arg12 : memref<72x64xf32, #tpu.memory_space<vmem>>) dst(%dma_wait3A_301 : memref<72x64xf32, #tpu.memory_space<hbm>>)
      tpu.yield
    }) : () -> ()
    %add3A_290 = arith.constant 576 : i32
    %add3A_291 = arith.addi %mul3A_0, %add3A_290 : i32
    "tpu.region"() ({
      %run_scoped3A = tpu.sem_alloc : memref<!tpu.dma_semaphore, #tpu.memory_space<semaphore_mem>>
      %dma_start3A_294 = arith.constant 0 : i32
      %dma_start3A_295 = tpu.memref_slice %arg15[%add3A_291, %dma_start3A_294] : memref<10368x16xf32, #tpu.memory_space<vmem_shared>> -> memref<72x16xf32, #tpu.memory_space<vmem_shared>>
      %dma_start3A_296 = arith.constant 0 : i32
      %dma_start3A_297 = tpu.memref_slice %arg15[%add3A_291, %dma_start3A_296] : memref<10368x16xf32, #tpu.memory_space<vmem_shared>> -> memref<72x16xf32, #tpu.memory_space<vmem_shared>>
      tpu.enqueue_dma source(%dma_start3A_297 : memref<72x16xf32, #tpu.memory_space<vmem_shared>>) target(%arg13 : memref<72x16xf32, #tpu.memory_space<vmem>>) target_semaphore(%run_scoped3A : memref<!tpu.dma_semaphore, #tpu.memory_space<semaphore_mem>>)
      %dma_wait3A_298 = arith.constant 0 : i32
      %dma_wait3A_299 = tpu.memref_slice %arg15[%add3A_291, %dma_wait3A_298] : memref<10368x16xf32, #tpu.memory_space<vmem_shared>> -> memref<72x16xf32, #tpu.memory_space<vmem_shared>>
      %dma_wait3A_300 = arith.constant 0 : i32
      %dma_wait3A_301 = tpu.memref_slice %arg15[%add3A_291, %dma_wait3A_300] : memref<10368x16xf32, #tpu.memory_space<vmem_shared>> -> memref<72x16xf32, #tpu.memory_space<vmem_shared>>
      tpu.wait_dma2 semaphore(%run_scoped3A : memref<!tpu.dma_semaphore, #tpu.memory_space<semaphore_mem>>) src(%dma_wait3A_301 : memref<72x16xf32, #tpu.memory_space<vmem_shared>>) dst(%arg13 : memref<72x16xf32, #tpu.memory_space<vmem>>)
      tpu.yield
    }) : () -> ()
    %add3A_292 = arith.constant 576 : i32
    %add3A_293 = arith.addi %add3A_221, %add3A_292 : i32
    "tpu.region"() ({
      %run_scoped3A = tpu.sem_alloc : memref<!tpu.dma_semaphore, #tpu.memory_space<semaphore_mem>>
      %dma_start3A_294 = arith.constant 0 : i32
      %dma_start3A_295 = tpu.memref_slice %arg6[%add3A_293, %dma_start3A_294] : memref<20736x16xf32, #tpu.memory_space<hbm>> -> memref<72x16xf32, #tpu.memory_space<hbm>>
      %dma_start3A_296 = arith.constant 0 : i32
      %dma_start3A_297 = tpu.memref_slice %arg6[%add3A_293, %dma_start3A_296] : memref<20736x16xf32, #tpu.memory_space<hbm>> -> memref<72x16xf32, #tpu.memory_space<hbm>>
      tpu.enqueue_dma source(%arg13 : memref<72x16xf32, #tpu.memory_space<vmem>>) target(%dma_start3A_297 : memref<72x16xf32, #tpu.memory_space<hbm>>) target_semaphore(%run_scoped3A : memref<!tpu.dma_semaphore, #tpu.memory_space<semaphore_mem>>)
      %dma_wait3A_298 = arith.constant 0 : i32
      %dma_wait3A_299 = tpu.memref_slice %arg6[%add3A_293, %dma_wait3A_298] : memref<20736x16xf32, #tpu.memory_space<hbm>> -> memref<72x16xf32, #tpu.memory_space<hbm>>
      %dma_wait3A_300 = arith.constant 0 : i32
      %dma_wait3A_301 = tpu.memref_slice %arg6[%add3A_293, %dma_wait3A_300] : memref<20736x16xf32, #tpu.memory_space<hbm>> -> memref<72x16xf32, #tpu.memory_space<hbm>>
      tpu.wait_dma2 semaphore(%run_scoped3A : memref<!tpu.dma_semaphore, #tpu.memory_space<semaphore_mem>>) src(%arg13 : memref<72x16xf32, #tpu.memory_space<vmem>>) dst(%dma_wait3A_301 : memref<72x16xf32, #tpu.memory_space<hbm>>)
      tpu.yield
    }) : () -> ()
    return
  }
}

module attributes {stable_mosaic.version = 14 : i64} {
  func.func @_combine_body(%arg0: i32, %arg1: memref<2x128x64xf32, #tpu.memory_space<vmem>>, %arg2: memref<2x128x16xf32, #tpu.memory_space<vmem>>, %arg3: memref<128x128xf32, #tpu.memory_space<vmem>>) attributes {dimension_semantics = [#tpu.dimension_semantics<arbitrary>], iteration_bounds = array<i64: 81>, scalar_prefetch = 0 : i64, scratch_operands = 0 : i64, tpu.core_type = #tpu.core_type<tc>, window_params = [{transform_indices = @transform_0, window_bounds = array<i64: 2, 128, 64>}, {transform_indices = @transform_1, window_bounds = array<i64: 2, 128, 16>}, {transform_indices = @transform_2, window_bounds = array<i64: 128, 128>}]} {
    %get3A = arith.constant 0 : index
    %get3A_0 = arith.constant 0 : index
    %get3A_1 = arith.constant 0 : index
    %get3A_2 = vector.load %arg1[%get3A, %get3A_0, %get3A_1] : memref<2x128x64xf32, #tpu.memory_space<vmem>>, vector<1x128x64xf32>
    %get3A_3 = vector.shape_cast %get3A_2 : vector<1x128x64xf32> to vector<128x64xf32>
    %get3A_4 = arith.constant 1 : index
    %get3A_5 = arith.constant 0 : index
    %get3A_6 = arith.constant 0 : index
    %get3A_7 = vector.load %arg1[%get3A_4, %get3A_5, %get3A_6] : memref<2x128x64xf32, #tpu.memory_space<vmem>>, vector<1x128x64xf32>
    %get3A_8 = vector.shape_cast %get3A_7 : vector<1x128x64xf32> to vector<128x64xf32>
    %concatenate3A = tpu.concatenate %get3A_3, %get3A_8 in 1 : vector<128x64xf32>, vector<128x64xf32> -> vector<128x128xf32>
    %get3A_9 = arith.constant 0 : index
    %get3A_10 = arith.constant 0 : index
    %get3A_11 = arith.constant 0 : index
    %get3A_12 = vector.load %arg2[%get3A_9, %get3A_10, %get3A_11] : memref<2x128x16xf32, #tpu.memory_space<vmem>>, vector<1x128x1xf32>
    %get3A_13 = vector.shape_cast %get3A_12 : vector<1x128x1xf32> to vector<128xf32>
    %get3A_14 = arith.constant 1 : index
    %get3A_15 = arith.constant 0 : index
    %get3A_16 = arith.constant 0 : index
    %get3A_17 = vector.load %arg2[%get3A_14, %get3A_15, %get3A_16] : memref<2x128x16xf32, #tpu.memory_space<vmem>>, vector<1x128x1xf32>
    %get3A_18 = vector.shape_cast %get3A_17 : vector<1x128x1xf32> to vector<128xf32>
    %add3A = arith.addf %get3A_13, %get3A_18 : vector<128xf32>
    %max3A = arith.constant 1.000000e+00 : f32
    %max3A_19 = vector.broadcast %max3A : f32 to vector<128xf32>
    %max3A_20 = arith.maximumf %add3A, %max3A_19 : vector<128xf32>
    %broadcast_in_dim3A = vector.shape_cast %max3A_20 : vector<128xf32> to vector<128x1xf32>
    %div3A = vector.broadcast %broadcast_in_dim3A : vector<128x1xf32> to vector<128x128xf32>
    %div3A_21 = arith.divf %concatenate3A, %div3A : vector<128x128xf32>
    %swap3A = arith.constant 0 : index
    %swap3A_22 = arith.constant 0 : index
    %swap3A_23 = vector.load %arg3[%swap3A, %swap3A_22] : memref<128x128xf32, #tpu.memory_space<vmem>>, vector<128x128xf32>
    tpu.vector_store %arg3[%swap3A, %swap3A_22], %div3A_21 {strides = array<i32>} : memref<128x128xf32, #tpu.memory_space<vmem>>, vector<128x128xf32>,
    return
  }
  func.func @transform_0(%arg0: i32) -> (i32, i32, i32) {
    %c0_i32 = arith.constant 0 : i32
    %c0_i32_0 = arith.constant 0 : i32
    %c0_i32_1 = arith.constant 0 : i32
    return %c0_i32, %arg0, %c0_i32_0 : i32, i32, i32
  }
  func.func @transform_1(%arg0: i32) -> (i32, i32, i32) {
    %c0_i32 = arith.constant 0 : i32
    %c0_i32_0 = arith.constant 0 : i32
    %c0_i32_1 = arith.constant 0 : i32
    return %c0_i32, %arg0, %c0_i32_0 : i32, i32, i32
  }
  func.func @transform_2(%arg0: i32) -> (i32, i32) {
    %c0_i32 = arith.constant 0 : i32
    %c0_i32_0 = arith.constant 0 : i32
    return %arg0, %c0_i32 : i32, i32
  }
}

</mosaic_0001>

<sc_bundles>
// kernel: kernel.4.cloned.1.call-start
scs
__scs_entry_jumppad:
0x0: {  	(pc) =	sbr.rel $0x88, $3  }
0x1: {  	(tag) =	ssettag $0x0;
	lr =	simm.s32 $0x1  }
0x2: {  	[smem:$0x3F9F] =	sst lr;
	_ =	strace $0xD0000000  }
0x3: {  	_ = 	snop  }
0x4: {  	_ = 	snop  }
0x5: {  	_ = 	snop  }
0x6: {  	_ = 	snop  }
0x7: {  	_ = 	snop  }
__scs_overlays_trampoline_lowered:
0x8: {  	[smem:$0x3FAE] =	sst s0  }
0x9: {  	[smem:$0x3FAF] =	sst s1  }
0xa: {  	[smem:$0x3FB0] =	sst s2  }
0xb: {  	[smem:$0x3FB1] =	sst s3  }
0xc: {  	[smem:$0x3FB2] =	sst s4  }
0xd: {  	[smem:$0x3FB3] =	sst s5  }
0xe: {  	[smem:$0x3FB4] =	sst s6  }
0xf: {  	[smem:$0x3FB5] =	sst s7  }
0x10: {  	[smem:$0x3FB6] =	sst s8  }
0x11: {  	[smem:$0x3FB7] =	sst s9;
	s0 =	simm.s32 @!p0 $0x0  }
0x12: {  	s1 =	sld [smem:$0x3F9D];
	s0 =	simm.s32 @p0 $0x1  }
0x13: {  	[smem:$0x3FB8] =	sst s0;
	s0 =	simm.s32 @!p1 $0x0  }
0x14: {  	s2 =	sld [smem:$0x3F9C];
	s0 =	simm.s32 @p1 $0x1  }
0x15: {  	[smem:$0x3FB9] =	sst s0;
	s0 =	simm.s32 @!p2 $0x0  }
0x16: {  	s3 =	sld [smem:$0x3FDB];
	s0 =	simm.s32 @p2 $0x1  }
0x17: {  	s4 =	simm.s32 $0x1BF5;
	[smem:$0x3FBB] =	sst s0  }
0x18: {  	s0 =	sld [smem:$0x3F9E];
	_ =	swait.ge [sflag:s4], $0x0  }
0x19: {  	s7 =	sld [smem:$0x3F9F]  }
0x1a: {  	s8 =	sadd.s32 $0xFFFFE003, lr  }
0x1b: {  	s9 =	sadd.s32 $0xFFFFFEF7, lr;
	s5 =	simm.s32 $0xFFFFFFFF;
	p2 =	slt.u32 s8, $0xFFFFF086  }
0x1c: {  	p1 =	slt.u32 s9, $0xF7A;
	s5 =	simm.s32 @!p2 $0x0  }
0x1d: {  	s5 =	simm.s32 @p1 $0x1;
	p0 =	seq.s32 s7, s2  }
0x1e: {  	s7 =	smul.u32 @!p0 $0xF7A, s2;
	p2 =	seq.s32 @!p0 s5, $0x0  }
0x1f: {  	s9 =	smul.u32 $0xF7A, s1;
	s8 =	simm.s32 @!p0 $0x1BF5;
	p2 =	por !p2, p0  }
0x20: {  	[sflag:s8] =	ssyncset.s32 @!p0 $0xFFFFF086;
	s6 =	sadd.s32 @!p0 s3, s7;
	s7 =	simm.s32 @!p0 $0x108  }
0x21: {  	s3 =	sadd.s32 s3, s9;
	s6 =	sadd.s32 @!p0 $0x88, s6;
	s7 =	simm.s32 @p2 $0x1082  }
0x22: {  	[simem:s7], [sflag:s8] =	dma.local @!p0 [hbm:s6], $0xF7A  }
0x23: {  	s9 =	sor.u32 $0xD0000000, s2;
	s6 =	simm.s32 $0x108;
	_ =	swait.ge @!p0 [sflag:s8], $0x0  }
0x24: {  	s3 =	sadd.s32 $0x88, s3;
	s6 =	simm.s32 @!p1 $0x1082;
	[sflag:s4] =	ssyncset.s32 $0xFFFFF086  }
0x25: {  	[simem:s6], [sflag:s4] =	dma.local [hbm:s3], $0xF7A  }
0x26: {  	[smem:$0x3F9F] =	sst s1;
	(tag) =	ssettag s2;
	_ =	strace s9  }
0x27: {  	s1 =	sld [smem:$0x3FAF]  }
0x28: {  	s2 =	sld [smem:$0x3FB0]  }
0x29: {  	s4 =	sld [smem:$0x3FB2]  }
0x2a: {  	p0 =	seq.s32 s5, $0x0;
	s5 =	sld [smem:$0x3FB3]  }
0x2b: {  	s6 =	sld [smem:$0x3FB4]  }
0x2c: {  	s7 =	sld [smem:$0x3FB5]  }
0x2d: {  	s3 =	simm.s32 $0x108;
	s8 =	sld [smem:$0x3FB6]  }
0x2e: {  	s3 =	simm.s32 @!p0 $0x1082;
	s9 =	sld [smem:$0x3FB7]  }
0x2f: {  	lr =	sadd.s32 s0, s3;
	s0 =	sld [smem:$0x3FAE]  }
0x30: {  	s3 =	sld [smem:$0x3FB1]  }
0x31: {  	[smem:$0x3FBA] =	sst s10  }
0x32: {  	s10 =	sld [smem:$0x3FB8];
	_ =	sdelay $0x3  }
0x33: {  	p0 =	seq.s32 s10, $0x1;
	s10 =	sld [smem:$0x3FBA];
	_ =	sdelay $0x3  }
0x34: {  	[smem:$0x3FBA] =	sst s10  }
0x35: {  	s10 =	sld [smem:$0x3FB9];
	_ =	sdelay $0x3  }
0x36: {  	p1 =	seq.s32 s10, $0x1;
	s10 =	sld [smem:$0x3FBA];
	_ =	sdelay $0x3  }
0x37: {  	[smem:$0x3FBA] =	sst s10  }
0x38: {  	s10 =	sld [smem:$0x3FBB]  }
0x39: {  	_ = 	snop;
	(pc) =	sbr.ind lr, $3  }
0x3a: {  	_ = 	snop  }
0x3b: {  	_ = 	snop  }
0x3c: {  	p2 =	seq.s32 s10, $0x1;
	s10 =	sld [smem:$0x3FBA]  }
0x3d: {  	_ =	shalt  }
0x3e: {  	_ =	shalt  }
0x3f: {  	_ =	shalt  }
0x40: {  	_ =	shalt  }
0x41: {  	_ =	shalt  }
0x42: {  	_ =	shalt  }
0x43: {  	_ =	shalt  }
0x44: {  	_ =	shalt  }
0x45: {  	_ =	shalt  }
0x46: {  	_ =	shalt  }
0x47: {  	_ =	shalt  }
0x48: {  	_ =	shalt  }
0x49: {  	_ =	shalt  }
0x4a: {  	_ =	shalt  }
0x4b: {  	_ =	shalt  }
0x4c: {  	_ =	shalt  }
0x4d: {  	_ =	shalt  }
0x4e: {  	_ =	shalt  }
0x4f: {  	_ =	shalt  }
0x50: {  	_ =	shalt  }
0x51: {  	_ =	shalt  }
0x52: {  	_ =	shalt  }
0x53: {  	_ =	shalt  }
0x54: {  	_ =	shalt  }
0x55: {  	_ =	shalt  }
0x56: {  	_ =	shalt  }
0x57: {  	_ =	shalt  }
0x58: {  	_ =	shalt  }
0x59: {  	_ =	shalt  }
0x5a: {  	_ =	shalt  }
0x5b: {  	_ =	shalt  }
0x5c: {  	_ =	shalt  }
0x5d: {  	_ =	shalt  }
0x5e: {  	_ =	shalt  }
0x5f: {  	_ =	shalt  }
0x60: {  	_ =	shalt  }
0x61: {  	_ =	shalt  }
0x62: {  	_ =	shalt  }
0x63: {  	_ =	shalt  }
0x64: {  	_ =	shalt  }
0x65: {  	_ =	shalt  }
0x66: {  	_ =	shalt  }
0x67: {  	_ =	shalt  }
0x68: {  	_ =	shalt  }
0x69: {  	_ =	shalt  }
0x6a: {  	_ =	shalt  }
0x6b: {  	_ =	shalt  }
0x6c: {  	_ =	shalt  }
0x6d: {  	_ =	shalt  }
0x6e: {  	_ =	shalt  }
0x6f: {  	_ =	shalt  }
0x70: {  	_ =	shalt  }
0x71: {  	_ =	shalt  }
0x72: {  	_ =	shalt  }
0x73: {  	_ =	shalt  }
0x74: {  	_ =	shalt  }
0x75: {  	_ =	shalt  }
0x76: {  	_ =	shalt  }
0x77: {  	_ =	shalt  }
0x78: {  	_ =	shalt  }
0x79: {  	_ =	shalt  }
0x7a: {  	_ =	shalt  }
0x7b: {  	_ =	shalt  }
0x7c: {  	_ =	shalt  }
0x7d: {  	_ =	shalt  }
0x7e: {  	_ =	shalt  }
0x7f: {  	_ =	shalt  }
0x80: {  	_ =	shalt  }
0x81: {  	_ =	shalt  }
0x82: {  	_ =	shalt  }
0x83: {  	_ =	shalt  }
0x84: {  	_ =	shalt  }
0x85: {  	_ =	shalt  }
0x86: {  	_ =	shalt  }
0x87: {  	_ =	shalt  }
.Lfunc_end0:
.L_simem_size_0:
called_computation_lowered:
.L_overlay_start_0:
0x88: {  	s2 =	sld [smem:$0x3FD9]  }
0x89: {  	s3 =	sld [smem:$0x3FFE];
	_ =	sdelay $0x1  }
0x8a: {  	s1 =	srdreg.scid  }
0x8b: {  	s0 =	sand.u32 $0x1, s1  }
0x8c: {  	s17 =	sshll.u32 s0, $0xA;
	s2 =	sadd.s32 s3, s2  }
0x8d: {  	s2 =	sadd.s32 s2, s17  }
0x8e: {  	[smem:$0x3FC6] =	sst s2  }
0x8f: {  	_ = 	snop  }
0x90: {  	s2 =	sld [smem:$0x3FC9]  }
0x91: {  	s18 =	sld [smem:$0x3FD0];
	(tm) =	ssettm $0x1  }
0x92: {  	s4 =	sld [smem:$0x3FFB];
	_ =	sdelay $0x3  }
0x93: {  	_ =	strace s4  }
0x94: {  	s4 =	sld [smem:$0x3FFC];
	_ =	sdelay $0x3  }
0x95: {  	_ =	strace s4  }
0x96: {  	s4 =	sld [smem:$0x3FFD];
	_ =	sdelay $0x3  }
0x97: {  	_ =	strace s4  }
0x98: {  	_ =	strace $0x8FFFFFFF  }
0x99: {  	s19 =	sld [smem:$0x3FDB];
	_ =	sdelay $0x1  }
0x9a: {  	s5 =	simm.s32 $_scs_section_size  }
0x9b: {  	s6 =	simm.s32 $_size__tile_overlayer_lowered;
	s7 =	simm.s32 $_tile_overlayer_lowered  }
0x9c: {  	s22 =	simm.s32 $0x1BFF;
	s21 =	sshll.u32 s7, $0x1;
	s4 =	sadd.s32 s5, s19  }
0x9d: {  	s8 =	simm.s32 $0x0;
	s20 =	sshll.u32 s6, $0x1;
	s6 =	sadd.s32 s21, s4  }
0x9e: {  	[timem:s8], [sflag:s22] =	dma.local [hbm:s6], s20  }
0x9f: {  	_ =	swait.ge [sflag:s22], s20  }
0xa0: {  	s5 =	ssub.s32 $0x0, s20;
	[sflag:s22] =	ssyncset.done $0x0  }
0xa1: {  	[sflag:s22] =	ssyncadd.s32 s5;
	_ =	sdelay $0x1  }
0xa2: {  	s23 =	simm.s32 $0x1B8B  }
0xa3: {  	_ =	swait.ge [sflag:s23], $0x1  }
0xa4: {  	[sflag:s23] =	ssyncset.done $0x0  }
0xa5: {  	s25 =	simm.s32 $0x1B8E;
	s24 =	sld [smem:$0x3FFE];
	[sflag:s23] =	ssyncadd.s32 $0xFFFFFFFF  }
0xa6: {  	s26 =	simm.s32 $execute0_lowered;
	[smem:$0x3FD2] =	sst s25  }
0xa7: {  	s6 =	sshll.u32 s26, $0x1;
	_ =	strace $0x80000046;
	[dreg:$0x1] =	wrdreg $0xFFFFFFFF  }
0xa8: {  	s28 =	simm.s32 $_size_execute0_lowered;
	s4 =	sadd.s32 s4, s6;
	[dreg:$0x0] =	wrdreg $0x0  }
0xa9: {  	s6 =	sshll.u32 s28, $0x1;
	[dreg:$0x2] =	wrdreg s4  }
0xaa: {  	[dreg:$0x3] =	wrdreg s6  }
0xab: {  	[dreg:$0x4] =	wrdreg $0xC0  }
0xac: {  	_ =	task [dreg:s8], $0x5FFFF  }
0xad: {  	[dreg:$0x1] =	wrdreg $0xFFFFFFFF  }
0xae: {  	[dreg:$0x0] =	wrdreg $0x60  }
0xaf: {  	[dreg:$0x2] =	wrdreg s2  }
0xb0: {  	[dreg:$0x3] =	wrdreg s24  }
0xb1: {  	[dreg:$0x4] =	wrdreg s18  }
0xb2: {  	[dreg:$0x5] =	wrdreg $0x45600  }
0xb3: {  	[dreg:$0x6] =	wrdreg $0xE7600  }
0xb4: {  	[dreg:$0x7] =	wrdreg $0x9  }
0xb5: {  	_ =	task.clear_ibuf [dreg:s8], $0x8FFFF;
	_ =	strace $0x90000046  }
0xb6: {  	s29 =	simm.s32 $0x9;
	_ =	strace $0x80000048  }
0xb7: {  	_ =	swait.ge [sflag:s29], $0x1  }
0xb8: {  	[sflag:s29] =	ssyncadd.s32 $0xFFFFFFFF  }
0xb9: {  	_ =	strace $0x90000048  }
0xba: {  	_ =	sfence  }
0xbb: {  	s30 =	sld [smem:$0x0];
	_ =	sdelay $0x2  }
0xbc: {  	s31 =	sshll.u32 s1, $0xD;
	s1 =	sshrl.u32 s1, $0x2  }
0xbd: {  	s3 =	sand.u32 $0x4000, s31;
	s1 =	sadd.s32 s1, s30  }
0xbe: {  	s0 =	sor.u32 s3, s0;
	s1 =	sshll.u32 s1, $0x11  }
0xbf: {  	s0 =	sor.u32 s1, s0  }
0xc0: {  	s0 =	sadd.s32 $0x8F2B, s0  }
0xc1: {  	[sflag:s0] =	ssyncadd.remote.s32 $0x1  }
0xc2: {  	_ =	sfence.sel $0xFFFF  }
0xc3: {  	[dreg:$0x0] =	wrdreg $0xFFFFFFFF;
	(pc) =	sbr.abs _section_cstart, $3  }
0xc4: {  	[dreg:$0x1] =	wrdreg $0xFFFFFFFF  }
0xc5: {  	_ =	task.clear_ibuf [dreg:s8], $0x2FFFF;
	_ =	strace $0x9FFFFFFF  }
0xc6: {  	(tm) =	ssettm $0x7FFFFFFF  }
0xc7: {  	_ =	shalt  }
tec
execute0_lowered:
.L_overlay_start_1:
0x0: {  	(tag) =	ssettag $0x1  }
0x1: {  	s0 =	srdreg.scid;
	s4 =	rddreg [dreg:$0x1]  }
0x2: {  	s18 =	stileid.u32;
	s6 =	rddreg [dreg:$0x2]  }
0x3: {  	s1 =	simm.s32 $0x0;
	s28 =	rddreg [dreg:$0x4];
	s31 =	simm.s32 $0x1E0  }
0x4: {  	s3 =	sand.u32 $0x1, s0;
	s0 =	smul.u32 $0x288, s18;
	s8 =	sadd.s32 $0x13E00, s4  }
0x5: {  	[smem:$0x7FF] =	sst s1;
	s2 =	ssub.s32 $0x2, s3;
	s5 =	smul.u32 $0x2880, s3  }
0x6: {  	p0 =	sne.s32 s3, $0x0;
	p1 =	seq.s32 s3, $0x0;
	s7 =	sshrl.u32 s2, $0x1  }
0x7: {  	v0 =	vmov s3;
	s3 =	simm.s32 $0x3;
	s2 =	ssub.s32 s2, s7;
	s5 =	sadd.s32 s0, s5  }
0x8: {  	s16 =	sshll.u32 s5, $0x3;
	s9 =	sadd.s32 $0x48, s5;
	s10 =	sadd.s32 $0x90, s5  }
0x9: {  	s20 =	sadd.s32 $0xD8, s5;
	s12 =	sadd.s32 $0x120, s5;
	s13 =	sadd.s32 $0x168, s5  }
0xa: {  	s24 =	sadd.s32 $0x1B0, s5;
	s15 =	sadd.s32 $0x1F8, s5;
	s7 =	sadd.s32 s8, s16  }
0xb: {  	s17 =	sshll.u32 s9, $0x3;
	s11 =	sshll.u32 s10, $0x3;
	s21 =	sshll.u32 s20, $0x3  }
0xc: {  	s22 =	sshll.u32 s12, $0x3;
	s14 =	sshll.u32 s13, $0x3;
	s25 =	sshll.u32 s24, $0x3  }
0xd: {  	s16 =	sadd.s32 $0x240, s5;
	[dreg:$0x6] =	wrdreg s7;
	s7 =	sadd.s32 s8, s17  }
0xe: {  	s26 =	sshll.u32 s15, $0x3;
	s19 =	sadd.s32 s8, s11;
	[dreg:$0x7] =	wrdreg s7  }
0xf: {  	s5 =	sshll.u32 s5, $0x1;
	s11 =	sadd.s32 s8, s21;
	[dreg:$0x8] =	wrdreg s19  }
0x10: {  	s9 =	sshll.u32 s9, $0x1;
	s23 =	sadd.s32 s8, s14;
	[dreg:$0x9] =	wrdreg s11  }
0x11: {  	s10 =	sshll.u32 s10, $0x1;
	s14 =	sadd.s32 s8, s25;
	[dreg:$0xb] =	wrdreg s23  }
0x12: {  	s24 =	sshll.u32 s24, $0x1;
	s5 =	sadd.s32 s6, s5;
	[dreg:$0xc] =	wrdreg s14  }
0x13: {  	s17 =	sshll.u32 s16, $0x3;
	s11 =	sadd.s32 s8, s22;
	[dreg:$0xf] =	wrdreg s5  }
0x14: {  	s21 =	sshll.u32 s13, $0x1;
	s14 =	sadd.s32 s8, s26;
	[dreg:$0xa] =	wrdreg s11  }
0x15: {  	s25 =	sshll.u32 s15, $0x1;
	s8 =	sadd.s32 s8, s17;
	[dreg:$0xd] =	wrdreg s14  }
0x16: {  	s15 =	smul.u32 $0x28800, s18;
	s17 =	sadd.s32 s6, s10;
	[dreg:$0xe] =	wrdreg s8  }
0x17: {  	s19 =	sshll.u32 s20, $0x1;
	s23 =	sadd.s32 s6, s21;
	[dreg:$0x11] =	wrdreg s17  }
0x18: {  	s20 =	sshll.u32 s12, $0x1;
	s7 =	sadd.s32 s6, s25;
	[dreg:$0x14] =	wrdreg s23  }
0x19: {  	s26 =	sshll.u32 s16, $0x1;
	s8 =	smul.u32 $0x4E20, s18;
	[dreg:$0x16] =	wrdreg s7  }
0x1a: {  	s14 =	sadd.s32 s6, s9;
	s5 =	sadd.s32 s6, s19;
	s23 =	rddreg [dreg:$0x3]  }
0x1b: {  	s22 =	sadd.s32 s6, s20;
	s10 =	sadd.s32 s6, s26;
	[dreg:$0x10] =	wrdreg s14  }
0x1c: {  	s11 =	sadd.s32 $0xA000, s4;
	s17 =	smul.u32 $0x9C4, s18;
	[dreg:$0x12] =	wrdreg s5  }
0x1d: {  	s4 =	sadd.s32 $0x200, s4;
	s18 =	smul.u32 $0xA200, s18;
	[dreg:$0x13] =	wrdreg s22  }
0x1e: {  	s19 =	sshrl.u32 s15, $0x2;
	s26 =	sadd.s32 $0x90, s0;
	[dreg:$0x17] =	wrdreg s10  }
0x1f: {  	s5 =	sadd.s32 s6, s24;
	s22 =	rddreg [dreg:$0x0];
	s9 =	sadd.s32 s19, s23  }
0x20: {  	s24 =	sadd.s32 $0x48, s0;
	s7 =	sshll.u32 s26, $0x4;
	s19 =	sadd.s32 $0x1F8, s0  }
0x21: {  	[dreg:$0x15] =	wrdreg s5;
	s12 =	sshrl.u32 s8, $0x3;
	s29 =	sadd.s32 s17, s4  }
0x22: {  	s30 =	sadd.s32 s17, s11;
	s20 =	sshrl.u32 s18, $0x2;
	s25 =	sshll.u32 s24, $0x6  }
0x23: {  	s8 =	sadd.s32 $0xD8, s0;
	s17 =	sadd.s32 $0x1B0, s0;
	s13 =	sadd.s32 s11, s12  }
0x24: {  	s14 =	sadd.s32 s4, s12;
	s6 =	sadd.s32 $0xA, s12;
	s21 =	sadd.s32 s20, s28  }
0x25: {  	s5 =	sadd.s32 s25, s23;
	s10 =	sshll.u32 s8, $0x6;
	s12 =	sadd.s32 $0x120, s0  }
0x26: {  	s18 =	sshll.u32 s17, $0x6;
	s20 =	sshll.u32 s17, $0x4;
	[dreg:$0x18] =	wrdreg s13  }
0x27: {  	s17 =	simm.s32 $0x1;
	[dreg:$0x19] =	wrdreg s14;
	s16 =	sadd.s32 s11, s6  }
0x28: {  	s6 =	sadd.s32 s4, s6;
	s4 =	sshll.u32 s24, $0x4;
	s13 =	sshll.u32 s12, $0x6  }
0x29: {  	s14 =	sadd.s32 $0x168, s0;
	s0 =	sadd.s32 $0x240, s0;
	[dreg:$0x1a] =	wrdreg s16  }
0x2a: {  	s24 =	sshll.u32 s19, $0x4;
	[dreg:$0x1b] =	wrdreg s6;
	s4 =	sadd.s32 s4, s28  }
0x2b: {  	s15 =	sshll.u32 s14, $0x6;
	s16 =	sshll.u32 s14, $0x4;
	s25 =	sshll.u32 s0, $0x6  }
0x2c: {  	s0 =	sshll.u32 s0, $0x4;
	_ =	strace $0x80000047;
	[dreg:$0x1c] =	wrdreg s21  }
0x2d: {  	s14 =	sadd.s32 s24, s28;
	s24 =	simm.s32 $0x50;
	[dreg:$0x1d] =	wrdreg s5  }
0x2e: {  	[dreg:$0x1e] =	wrdreg s4;
	s5 =	sshll.u32 s26, $0x6;
	s21 =	sshll.u32 s19, $0x6  }
0x2f: {  	s26 =	smax.u32 s2, $0x1;
	s19 =	simm.s32 $0x5;
	s2 =	simm.s32 $0x15E0  }
0x30: {  	s4 =	sadd.s32 s5, s23;
	s5 =	sshll.u32 s8, $0x4;
	[smem:$0x7FD] =	sst s26  }
0x31: {  	s26 =	simm.s32 $0xF0;
	[dreg:$0x1f] =	wrdreg s4;
	s4 =	sadd.s32 s7, s28  }
0x32: {  	s11 =	sadd.s32 s5, s28;
	s5 =	sadd.s32 s13, s23;
	[smem:$0x7F6] =	sst s4  }
0x33: {  	s13 =	sadd.s32 s21, s23;
	s21 =	simm.s32 $0xA0;
	[smem:$0x7F8] =	sst s11  }
0x34: {  	s4 =	sadd.s32 s10, s23;
	[smem:$0x7F9] =	sst s5;
	s11 =	sadd.s32 s18, s23  }
0x35: {  	s18 =	simm.s32 $0x2EE0;
	[smem:$0x7F7] =	sst s4;
	s4 =	sshll.u32 s12, $0x4  }
.Ltmp0:
0x36: {  	s5 =	simm.s32 $0x0;
	s4 =	sadd.s32 s4, s28;
	(pc) =	sbr.rel .LBB2_1-.Ltmp0, $4  }
0x37: {  	s12 =	sadd.s32 s20, s28;
	s20 =	simm.s32 $0x40E0;
	[smem:$0x7FA] =	sst s4  }
0x38: {  	s4 =	sadd.s32 s15, s23;
	s15 =	sadd.s32 s25, s23;
	s25 =	simm.s32 $0x2  }
0x39: {  	[smem:$0x7FB] =	sst s4;
	s4 =	sadd.s32 s16, s28;
	s16 =	sadd.s32 s0, s28  }
0x3a: {  	v1 =	vimm.f32 $0.0e+00;
	v2 =	vimm.f32 $1.000000000e+00;
	s0 =	simm.s32 $0x190;
	[smem:$0x7FC] =	sst s4;
	s4 =	simm.s32 $0x4  }
.LBB2_10:
0x3b: {  	[bflag:$0x0] =	sbarrier.arrive $0xFFFF  }
0x3c: {  	[tilespmem:s18], [sflag:$0x5] =	stream.linear.gather [spmem:s10], $0x1200, $0x38;
	[tilespmem:$0x10FE0] =	vst v63  }
0x3d: {  	_ =	swait.ge [sflag:s19], $0x1200  }
0x3e: {  	[sflag:s19] =	ssyncset.done $0x0  }
0x3f: {  	s6 =	rddreg [dreg:$0x6];
	[sflag:s19] =	ssyncadd.s32 $0xFFFFEE00  }
0x40: {  	[hbm4b:s6+s1] =	stream.linear.scatter [tilespmem:s18], [sflag:$0x5], $0x1200, $0x38;
	[tilespmem:$0x10FE0] =	vst v63  }
0x41: {  	_ =	swait.ge [sflag:s19], $0x1200  }
0x42: {  	[sflag:s19] =	ssyncset.done $0x0  }
0x43: {  	s8 =	rddreg [dreg:$0x1c];
	[sflag:s19] =	ssyncadd.s32 $0xFFFFEE00  }
0x44: {  	[tilespmem:s20], [sflag:$0x5] =	stream.linear.gather [spmem:s8], $0x480, $0x38;
	[tilespmem:$0x10FE0] =	vst v63  }
0x45: {  	_ =	swait.ge [sflag:s19], $0x480  }
0x46: {  	[sflag:s19] =	ssyncset.done $0x0  }
0x47: {  	s9 =	smov.u32 s10;
	s10 =	rddreg [dreg:$0xf];
	[sflag:s19] =	ssyncadd.s32 $0xFFFFFB80  }
0x48: {  	[hbm4b:s10+s1] =	stream.linear.scatter [tilespmem:s20], [sflag:$0x5], $0x480, $0x38;
	[tilespmem:$0x10FE0] =	vst v63  }
0x49: {  	_ =	swait.ge [sflag:s19], $0x480  }
0x4a: {  	[sflag:s19] =	ssyncset.done $0x0  }
0x4b: {  	s7 =	rddreg [dreg:$0x1d];
	[sflag:s19] =	ssyncadd.s32 $0xFFFFFB80  }
0x4c: {  	[tilespmem:s18], [sflag:$0x5] =	stream.linear.gather [spmem:s7], $0x1200, $0x38;
	[tilespmem:$0x10FE0] =	vst v63  }
0x4d: {  	_ =	swait.ge [sflag:s19], $0x1200  }
0x4e: {  	[sflag:s19] =	ssyncset.done $0x0  }
0x4f: {  	s8 =	rddreg [dreg:$0x7];
	[sflag:s19] =	ssyncadd.s32 $0xFFFFEE00  }
0x50: {  	[hbm4b:s8+s1] =	stream.linear.scatter [tilespmem:s18], [sflag:$0x5], $0x1200, $0x38;
	[tilespmem:$0x10FE0] =	vst v63  }
0x51: {  	_ =	swait.ge [sflag:s19], $0x1200  }
0x52: {  	[sflag:s19] =	ssyncset.done $0x0  }
0x53: {  	s10 =	rddreg [dreg:$0x1e];
	[sflag:s19] =	ssyncadd.s32 $0xFFFFEE00  }
0x54: {  	[tilespmem:s20], [sflag:$0x5] =	stream.linear.gather [spmem:s10], $0x480, $0x38;
	[tilespmem:$0x10FE0] =	vst v63  }
0x55: {  	_ =	swait.ge [sflag:s19], $0x480  }
0x56: {  	[sflag:s19] =	ssyncset.done $0x0  }
0x57: {  	s7 =	rddreg [dreg:$0x10];
	[sflag:s19] =	ssyncadd.s32 $0xFFFFFB80  }
0x58: {  	[hbm4b:s7+s1] =	stream.linear.scatter [tilespmem:s20], [sflag:$0x5], $0x480, $0x38;
	[tilespmem:$0x10FE0] =	vst v63  }
0x59: {  	_ =	swait.ge [sflag:s19], $0x480  }
0x5a: {  	[sflag:s19] =	ssyncset.done $0x0  }
0x5b: {  	s8 =	rddreg [dreg:$0x1f];
	[sflag:s19] =	ssyncadd.s32 $0xFFFFFB80  }
0x5c: {  	[tilespmem:s18], [sflag:$0x5] =	stream.linear.gather [spmem:s8], $0x1200, $0x38;
	[tilespmem:$0x10FE0] =	vst v63  }
0x5d: {  	_ =	swait.ge [sflag:s19], $0x1200  }
0x5e: {  	[sflag:s19] =	ssyncset.done $0x0  }
0x5f: {  	s10 =	rddreg [dreg:$0x8];
	[sflag:s19] =	ssyncadd.s32 $0xFFFFEE00  }
0x60: {  	[hbm4b:s10+s1] =	stream.linear.scatter [tilespmem:s18], [sflag:$0x5], $0x1200, $0x38;
	[tilespmem:$0x10FE0] =	vst v63  }
0x61: {  	_ =	swait.ge [sflag:s19], $0x1200  }
0x62: {  	s7 =	sld [smem:$0x7F6]  }
0x63: {  	[sflag:s19] =	ssyncset.done $0x0  }
0x64: {  	[sflag:s19] =	ssyncadd.s32 $0xFFFFEE00  }
0x65: {  	[tilespmem:s20], [sflag:$0x5] =	stream.linear.gather [spmem:s7], $0x480, $0x38;
	[tilespmem:$0x10FE0] =	vst v63  }
0x66: {  	_ =	swait.ge [sflag:s19], $0x480  }
0x67: {  	[sflag:s19] =	ssyncset.done $0x0  }
0x68: {  	s8 =	rddreg [dreg:$0x11];
	[sflag:s19] =	ssyncadd.s32 $0xFFFFFB80  }
0x69: {  	[hbm4b:s8+s1] =	stream.linear.scatter [tilespmem:s20], [sflag:$0x5], $0x480, $0x38;
	[tilespmem:$0x10FE0] =	vst v63  }
0x6a: {  	_ =	swait.ge [sflag:s19], $0x480  }
0x6b: {  	s10 =	sld [smem:$0x7F7]  }
0x6c: {  	[sflag:s19] =	ssyncset.done $0x0  }
0x6d: {  	[sflag:s19] =	ssyncadd.s32 $0xFFFFFB80  }
0x6e: {  	[tilespmem:s18], [sflag:$0x5] =	stream.linear.gather [spmem:s10], $0x1200, $0x38;
	[tilespmem:$0x10FE0] =	vst v63  }
0x6f: {  	_ =	swait.ge [sflag:s19], $0x1200  }
0x70: {  	[sflag:s19] =	ssyncset.done $0x0  }
0x71: {  	s7 =	rddreg [dreg:$0x9];
	[sflag:s19] =	ssyncadd.s32 $0xFFFFEE00  }
0x72: {  	[hbm4b:s7+s1] =	stream.linear.scatter [tilespmem:s18], [sflag:$0x5], $0x1200, $0x38;
	[tilespmem:$0x10FE0] =	vst v63  }
0x73: {  	_ =	swait.ge [sflag:s19], $0x1200  }
0x74: {  	s8 =	sld [smem:$0x7F8]  }
0x75: {  	[sflag:s19] =	ssyncset.done $0x0  }
0x76: {  	[sflag:s19] =	ssyncadd.s32 $0xFFFFEE00  }
0x77: {  	[tilespmem:s20], [sflag:$0x5] =	stream.linear.gather [spmem:s8], $0x480, $0x38;
	[tilespmem:$0x10FE0] =	vst v63  }
0x78: {  	_ =	swait.ge [sflag:s19], $0x480  }
0x79: {  	[sflag:s19] =	ssyncset.done $0x0  }
0x7a: {  	s10 =	rddreg [dreg:$0x12];
	[sflag:s19] =	ssyncadd.s32 $0xFFFFFB80  }
0x7b: {  	[hbm4b:s10+s1] =	stream.linear.scatter [tilespmem:s20], [sflag:$0x5], $0x480, $0x38;
	[tilespmem:$0x10FE0] =	vst v63  }
0x7c: {  	_ =	swait.ge [sflag:s19], $0x480  }
0x7d: {  	s7 =	sld [smem:$0x7F9]  }
0x7e: {  	[sflag:s19] =	ssyncset.done $0x0  }
0x7f: {  	[sflag:s19] =	ssyncadd.s32 $0xFFFFFB80  }
0x80: {  	[tilespmem:s18], [sflag:$0x5] =	stream.linear.gather [spmem:s7], $0x1200, $0x38;
	[tilespmem:$0x10FE0] =	vst v63  }
0x81: {  	_ =	swait.ge [sflag:s19], $0x1200  }
0x82: {  	[sflag:s19] =	ssyncset.done $0x0  }
0x83: {  	s8 =	rddreg [dreg:$0xa];
	[sflag:s19] =	ssyncadd.s32 $0xFFFFEE00  }
0x84: {  	[hbm4b:s8+s1] =	stream.linear.scatter [tilespmem:s18], [sflag:$0x5], $0x1200, $0x38;
	[tilespmem:$0x10FE0] =	vst v63  }
0x85: {  	_ =	swait.ge [sflag:s19], $0x1200  }
0x86: {  	s10 =	sld [smem:$0x7FA]  }
0x87: {  	[sflag:s19] =	ssyncset.done $0x0  }
0x88: {  	[sflag:s19] =	ssyncadd.s32 $0xFFFFEE00  }
0x89: {  	[tilespmem:s20], [sflag:$0x5] =	stream.linear.gather [spmem:s10], $0x480, $0x38;
	[tilespmem:$0x10FE0] =	vst v63  }
0x8a: {  	_ =	swait.ge [sflag:s19], $0x480  }
0x8b: {  	[sflag:s19] =	ssyncset.done $0x0  }
0x8c: {  	s7 =	rddreg [dreg:$0x13];
	[sflag:s19] =	ssyncadd.s32 $0xFFFFFB80  }
0x8d: {  	[hbm4b:s7+s1] =	stream.linear.scatter [tilespmem:s20], [sflag:$0x5], $0x480, $0x38;
	[tilespmem:$0x10FE0] =	vst v63  }
0x8e: {  	_ =	swait.ge [sflag:s19], $0x480  }
0x8f: {  	s8 =	sld [smem:$0x7FB]  }
0x90: {  	[sflag:s19] =	ssyncset.done $0x0  }
0x91: {  	[sflag:s19] =	ssyncadd.s32 $0xFFFFFB80  }
0x92: {  	[tilespmem:s18], [sflag:$0x5] =	stream.linear.gather [spmem:s8], $0x1200, $0x38;
	[tilespmem:$0x10FE0] =	vst v63  }
0x93: {  	_ =	swait.ge [sflag:s19], $0x1200  }
0x94: {  	[sflag:s19] =	ssyncset.done $0x0  }
0x95: {  	s10 =	rddreg [dreg:$0xb];
	[sflag:s19] =	ssyncadd.s32 $0xFFFFEE00  }
0x96: {  	[hbm4b:s10+s1] =	stream.linear.scatter [tilespmem:s18], [sflag:$0x5], $0x1200, $0x38;
	[tilespmem:$0x10FE0] =	vst v63  }
0x97: {  	_ =	swait.ge [sflag:s19], $0x1200  }
0x98: {  	s7 =	sld [smem:$0x7FC]  }
0x99: {  	[sflag:s19] =	ssyncset.done $0x0  }
0x9a: {  	[sflag:s19] =	ssyncadd.s32 $0xFFFFEE00  }
0x9b: {  	[tilespmem:s20], [sflag:$0x5] =	stream.linear.gather [spmem:s7], $0x480, $0x38;
	[tilespmem:$0x10FE0] =	vst v63  }
0x9c: {  	_ =	swait.ge [sflag:s19], $0x480  }
0x9d: {  	[sflag:s19] =	ssyncset.done $0x0  }
0x9e: {  	s8 =	rddreg [dreg:$0x14];
	[sflag:s19] =	ssyncadd.s32 $0xFFFFFB80  }
0x9f: {  	[hbm4b:s8+s1] =	stream.linear.scatter [tilespmem:s20], [sflag:$0x5], $0x480, $0x38;
	[tilespmem:$0x10FE0] =	vst v63  }
0xa0: {  	_ =	swait.ge [sflag:s19], $0x480  }
0xa1: {  	[sflag:s19] =	ssyncset.done $0x0  }
0xa2: {  	[sflag:s19] =	ssyncadd.s32 $0xFFFFFB80  }
0xa3: {  	[tilespmem:s18], [sflag:$0x5] =	stream.linear.gather [spmem:s11], $0x1200, $0x38;
	[tilespmem:$0x10FE0] =	vst v63  }
0xa4: {  	_ =	swait.ge [sflag:s19], $0x1200  }
0xa5: {  	[sflag:s19] =	ssyncset.done $0x0  }
0xa6: {  	s10 =	rddreg [dreg:$0xc];
	[sflag:s19] =	ssyncadd.s32 $0xFFFFEE00  }
0xa7: {  	[hbm4b:s10+s1] =	stream.linear.scatter [tilespmem:s18], [sflag:$0x5], $0x1200, $0x38;
	[tilespmem:$0x10FE0] =	vst v63  }
0xa8: {  	_ =	swait.ge [sflag:s19], $0x1200  }
0xa9: {  	[sflag:s19] =	ssyncset.done $0x0  }
0xaa: {  	[sflag:s19] =	ssyncadd.s32 $0xFFFFEE00  }
0xab: {  	[tilespmem:s20], [sflag:$0x5] =	stream.linear.gather [spmem:s12], $0x480, $0x38;
	[tilespmem:$0x10FE0] =	vst v63  }
0xac: {  	_ =	swait.ge [sflag:s19], $0x480  }
0xad: {  	[sflag:s19] =	ssyncset.done $0x0  }
0xae: {  	s7 =	rddreg [dreg:$0x15];
	[sflag:s19] =	ssyncadd.s32 $0xFFFFFB80  }
0xaf: {  	[hbm4b:s7+s1] =	stream.linear.scatter [tilespmem:s20], [sflag:$0x5], $0x480, $0x38;
	[tilespmem:$0x10FE0] =	vst v63  }
0xb0: {  	_ =	swait.ge [sflag:s19], $0x480  }
0xb1: {  	[sflag:s19] =	ssyncset.done $0x0  }
0xb2: {  	[sflag:s19] =	ssyncadd.s32 $0xFFFFFB80  }
0xb3: {  	[tilespmem:s18], [sflag:$0x5] =	stream.linear.gather [spmem:s13], $0x1200, $0x38;
	[tilespmem:$0x10FE0] =	vst v63  }
0xb4: {  	_ =	swait.ge [sflag:s19], $0x1200  }
0xb5: {  	[sflag:s19] =	ssyncset.done $0x0  }
0xb6: {  	s8 =	rddreg [dreg:$0xd];
	[sflag:s19] =	ssyncadd.s32 $0xFFFFEE00  }
0xb7: {  	[hbm4b:s8+s1] =	stream.linear.scatter [tilespmem:s18], [sflag:$0x5], $0x1200, $0x38;
	[tilespmem:$0x10FE0] =	vst v63  }
0xb8: {  	_ =	swait.ge [sflag:s19], $0x1200  }
0xb9: {  	[sflag:s19] =	ssyncset.done $0x0  }
0xba: {  	[sflag:s19] =	ssyncadd.s32 $0xFFFFEE00  }
0xbb: {  	[tilespmem:s20], [sflag:$0x5] =	stream.linear.gather [spmem:s14], $0x480, $0x38;
	[tilespmem:$0x10FE0] =	vst v63  }
0xbc: {  	_ =	swait.ge [sflag:s19], $0x480  }
0xbd: {  	[sflag:s19] =	ssyncset.done $0x0  }
0xbe: {  	s10 =	rddreg [dreg:$0x16];
	[sflag:s19] =	ssyncadd.s32 $0xFFFFFB80  }
0xbf: {  	[hbm4b:s10+s1] =	stream.linear.scatter [tilespmem:s20], [sflag:$0x5], $0x480, $0x38;
	[tilespmem:$0x10FE0] =	vst v63  }
0xc0: {  	_ =	swait.ge [sflag:s19], $0x480  }
0xc1: {  	[sflag:s19] =	ssyncset.done $0x0  }
0xc2: {  	[sflag:s19] =	ssyncadd.s32 $0xFFFFFB80  }
0xc3: {  	[tilespmem:s18], [sflag:$0x5] =	stream.linear.gather [spmem:s15], $0x1200, $0x38;
	[tilespmem:$0x10FE0] =	vst v63  }
0xc4: {  	_ =	swait.ge [sflag:s19], $0x1200  }
0xc5: {  	[sflag:s19] =	ssyncset.done $0x0  }
0xc6: {  	s7 =	rddreg [dreg:$0xe];
	[sflag:s19] =	ssyncadd.s32 $0xFFFFEE00  }
0xc7: {  	[hbm4b:s7+s1] =	stream.linear.scatter [tilespmem:s18], [sflag:$0x5], $0x1200, $0x38;
	[tilespmem:$0x10FE0] =	vst v63  }
0xc8: {  	_ =	swait.ge [sflag:s19], $0x1200  }
0xc9: {  	[sflag:s19] =	ssyncset.done $0x0  }
0xca: {  	[sflag:s19] =	ssyncadd.s32 $0xFFFFEE00  }
0xcb: {  	[tilespmem:s20], [sflag:$0x5] =	stream.linear.gather [spmem:s16], $0x480, $0x38;
	[tilespmem:$0x10FE0] =	vst v63  }
0xcc: {  	_ =	swait.ge [sflag:s19], $0x480  }
0xcd: {  	[sflag:s19] =	ssyncset.done $0x0  }
0xce: {  	s8 =	rddreg [dreg:$0x17];
	[sflag:s19] =	ssyncadd.s32 $0xFFFFFB80  }
0xcf: {  	[hbm4b:s8+s1] =	stream.linear.scatter [tilespmem:s20], [sflag:$0x5], $0x480, $0x38;
	[tilespmem:$0x10FE0] =	vst v63  }
0xd0: {  	_ =	swait.ge [sflag:s19], $0x480  }
0xd1: {  	s10 =	sld [smem:$0x7FD];
	_ =	sdelay $0x1  }
0xd2: {  	s5 =	sadd.s32 $0x1, s5  }
0xd3: {  	p2 =	sne.s32 s5, s10  }
.Ltmp1:
0xd4: {  	_ = 	snop;
	(pc) =	sbr.rel @!p2 .LBB2_11-.Ltmp1, $3  }
0xd5: {  	_ =	sdelay $0x1  }
0xd6: {  	[sflag:s19] =	ssyncset.done $0x0  }
0xd7: {  	[sflag:s19] =	ssyncadd.s32 $0xFFFFFB80  }
.LBB2_1:
0xd8: {  	s7 =	simm.s32 $0x100;
	s6 =	simm.s32 $0x0  }
.LBB2_2:
0xd9: {  	p2 =	sne.s32 s7, $0x4700;
	[tilespmem:s6+$0x2F10] =	vst v1;
	s8 =	smov.u32 s7;
	s7 =	sadd.s32 $0x100, s7  }
.Ltmp2:
0xda: {  	[tilespmem:s6+$0x2F00] =	vst v1;
	(pc) =	sbr.rel @p2 .LBB2_2-.Ltmp2, $3  }
0xdb: {  	[tilespmem:s6+$0x2EE0] =	vst v1  }
0xdc: {  	[tilespmem:s6+$0x2EF0] =	vst v1;
	_ =	sdelay $0x1  }
0xdd: {  	s6 =	sshra.s32 s8, $0x2  }
0xde: {  	[tilespmem:s6+$0x2F10] =	vst v1  }
0xdf: {  	[tilespmem:s6+$0x2F00] =	vst v1  }
0xe0: {  	[tilespmem:s6+$0x2EE0] =	vst v1  }
0xe1: {  	[tilespmem:s6+$0x2EF0] =	vst v1;
	s6 =	simm.s32 $0x40;
	s7 =	simm.s32 $0x0  }
.LBB2_4:
0xe2: {  	p2 =	sne.s32 s6, $0x11C0;
	[tilespmem:s7+$0x40E0] =	vst v1;
	s7 =	smov.u32 s6;
	s6 =	sadd.s32 $0x40, s6  }
.Ltmp3:
0xe3: {  	(pc) =	sbr.rel @p2 .LBB2_4-.Ltmp3, $2  }
0xe4: {  	_ =	sdelay $0x2  }
0xe5: {  	s7 =	sshra.s32 s7, $0x2  }
0xe6: {  	[tilespmem:s7+$0x40E0] =	vst v1;
	s6 =	simm.s32 $0x40;
	s7 =	simm.s32 $0x0  }
.LBB2_6:
0xe7: {  	p2 =	sne.s32 s6, $0x13C0;
	[tilespmem:s7+$0x29E0] =	vst v2;
	s7 =	smov.u32 s6;
	s6 =	sadd.s32 $0x40, s6  }
.Ltmp4:
0xe8: {  	(pc) =	sbr.rel @p2 .LBB2_6-.Ltmp4, $2  }
0xe9: {  	_ =	sdelay $0x2  }
0xea: {  	s7 =	sshra.s32 s7, $0x2  }
0xeb: {  	[tilespmem:s7+$0x29E0] =	vst v2  }
0xec: {  	[spmem:s9] =	stream.linear.scatter [tilespmem:s18], [sflag:$0x5], $0x1200, $0x38;
	[tilespmem:$0x10FE0] =	vst v63  }
0xed: {  	_ =	swait.ge [sflag:s19], $0x1200  }
0xee: {  	[sflag:s19] =	ssyncset.done $0x0  }
0xef: {  	s6 =	rddreg [dreg:$0x1c];
	[sflag:s19] =	ssyncadd.s32 $0xFFFFEE00  }
0xf0: {  	[spmem:s6] =	stream.linear.scatter [tilespmem:s20], [sflag:$0x5], $0x480, $0x38;
	[tilespmem:$0x10FE0] =	vst v63  }
0xf1: {  	_ =	swait.ge [sflag:s19], $0x480  }
0xf2: {  	[sflag:s19] =	ssyncset.done $0x0  }
0xf3: {  	s7 =	rddreg [dreg:$0x1d];
	[sflag:s19] =	ssyncadd.s32 $0xFFFFFB80  }
0xf4: {  	[spmem:s7] =	stream.linear.scatter [tilespmem:s18], [sflag:$0x5], $0x1200, $0x38;
	[tilespmem:$0x10FE0] =	vst v63  }
0xf5: {  	_ =	swait.ge [sflag:s19], $0x1200  }
0xf6: {  	[sflag:s19] =	ssyncset.done $0x0  }
0xf7: {  	s8 =	rddreg [dreg:$0x1e];
	[sflag:s19] =	ssyncadd.s32 $0xFFFFEE00  }
0xf8: {  	[spmem:s8] =	stream.linear.scatter [tilespmem:s20], [sflag:$0x5], $0x480, $0x38;
	[tilespmem:$0x10FE0] =	vst v63  }
0xf9: {  	_ =	swait.ge [sflag:s19], $0x480  }
0xfa: {  	[sflag:s19] =	ssyncset.done $0x0  }
0xfb: {  	s10 =	smov.u32 s9;
	s9 =	rddreg [dreg:$0x1f];
	[sflag:s19] =	ssyncadd.s32 $0xFFFFFB80  }
0xfc: {  	[spmem:s9] =	stream.linear.scatter [tilespmem:s18], [sflag:$0x5], $0x1200, $0x38;
	[tilespmem:$0x10FE0] =	vst v63  }
0xfd: {  	_ =	swait.ge [sflag:s19], $0x1200  }
0xfe: {  	s7 =	sld [smem:$0x7F6]  }
0xff: {  	[sflag:s19] =	ssyncset.done $0x0  }
0x100: {  	[sflag:s19] =	ssyncadd.s32 $0xFFFFEE00  }
0x101: {  	[spmem:s7] =	stream.linear.scatter [tilespmem:s20], [sflag:$0x5], $0x480, $0x38;
	[tilespmem:$0x10FE0] =	vst v63  }
0x102: {  	_ =	swait.ge [sflag:s19], $0x480  }
0x103: {  	s8 =	sld [smem:$0x7F7]  }
0x104: {  	[sflag:s19] =	ssyncset.done $0x0  }
0x105: {  	[sflag:s19] =	ssyncadd.s32 $0xFFFFFB80  }
0x106: {  	[spmem:s8] =	stream.linear.scatter [tilespmem:s18], [sflag:$0x5], $0x1200, $0x38;
	[tilespmem:$0x10FE0] =	vst v63  }
0x107: {  	_ =	swait.ge [sflag:s19], $0x1200  }
0x108: {  	s9 =	sld [smem:$0x7F8]  }
0x109: {  	[sflag:s19] =	ssyncset.done $0x0  }
0x10a: {  	[sflag:s19] =	ssyncadd.s32 $0xFFFFEE00  }
0x10b: {  	[spmem:s9] =	stream.linear.scatter [tilespmem:s20], [sflag:$0x5], $0x480, $0x38;
	[tilespmem:$0x10FE0] =	vst v63  }
0x10c: {  	_ =	swait.ge [sflag:s19], $0x480  }
0x10d: {  	s7 =	sld [smem:$0x7F9]  }
0x10e: {  	[sflag:s19] =	ssyncset.done $0x0  }
0x10f: {  	[sflag:s19] =	ssyncadd.s32 $0xFFFFFB80  }
0x110: {  	[spmem:s7] =	stream.linear.scatter [tilespmem:s18], [sflag:$0x5], $0x1200, $0x38;
	[tilespmem:$0x10FE0] =	vst v63  }
0x111: {  	_ =	swait.ge [sflag:s19], $0x1200  }
0x112: {  	s8 =	sld [smem:$0x7FA]  }
0x113: {  	[sflag:s19] =	ssyncset.done $0x0  }
0x114: {  	[sflag:s19] =	ssyncadd.s32 $0xFFFFEE00  }
0x115: {  	[spmem:s8] =	stream.linear.scatter [tilespmem:s20], [sflag:$0x5], $0x480, $0x38;
	[tilespmem:$0x10FE0] =	vst v63  }
0x116: {  	_ =	swait.ge [sflag:s19], $0x480  }
0x117: {  	s9 =	sld [smem:$0x7FB]  }
0x118: {  	[sflag:s19] =	ssyncset.done $0x0  }
0x119: {  	[sflag:s19] =	ssyncadd.s32 $0xFFFFFB80  }
0x11a: {  	[spmem:s9] =	stream.linear.scatter [tilespmem:s18], [sflag:$0x5], $0x1200, $0x38;
	[tilespmem:$0x10FE0] =	vst v63  }
0x11b: {  	_ =	swait.ge [sflag:s19], $0x1200  }
0x11c: {  	s7 =	sld [smem:$0x7FC]  }
0x11d: {  	[sflag:s19] =	ssyncset.done $0x0  }
0x11e: {  	[sflag:s19] =	ssyncadd.s32 $0xFFFFEE00  }
0x11f: {  	[spmem:s7] =	stream.linear.scatter [tilespmem:s20], [sflag:$0x5], $0x480, $0x38;
	[tilespmem:$0x10FE0] =	vst v63  }
0x120: {  	_ =	swait.ge [sflag:s19], $0x480  }
0x121: {  	[sflag:s19] =	ssyncset.done $0x0  }
0x122: {  	[sflag:s19] =	ssyncadd.s32 $0xFFFFFB80  }
0x123: {  	[spmem:s11] =	stream.linear.scatter [tilespmem:s18], [sflag:$0x5], $0x1200, $0x38;
	[tilespmem:$0x10FE0] =	vst v63  }
0x124: {  	_ =	swait.ge [sflag:s19], $0x1200  }
0x125: {  	[sflag:s19] =	ssyncset.done $0x0  }
0x126: {  	[sflag:s19] =	ssyncadd.s32 $0xFFFFEE00  }
0x127: {  	[spmem:s12] =	stream.linear.scatter [tilespmem:s20], [sflag:$0x5], $0x480, $0x38;
	[tilespmem:$0x10FE0] =	vst v63  }
0x128: {  	_ =	swait.ge [sflag:s19], $0x480  }
0x129: {  	[sflag:s19] =	ssyncset.done $0x0  }
0x12a: {  	[sflag:s19] =	ssyncadd.s32 $0xFFFFFB80  }
0x12b: {  	[spmem:s13] =	stream.linear.scatter [tilespmem:s18], [sflag:$0x5], $0x1200, $0x38;
	[tilespmem:$0x10FE0] =	vst v63  }
0x12c: {  	_ =	swait.ge [sflag:s19], $0x1200  }
0x12d: {  	[sflag:s19] =	ssyncset.done $0x0  }
0x12e: {  	[sflag:s19] =	ssyncadd.s32 $0xFFFFEE00  }
0x12f: {  	[spmem:s14] =	stream.linear.scatter [tilespmem:s20], [sflag:$0x5], $0x480, $0x38;
	[tilespmem:$0x10FE0] =	vst v63  }
0x130: {  	_ =	swait.ge [sflag:s19], $0x480  }
0x131: {  	[sflag:s19] =	ssyncset.done $0x0  }
0x132: {  	[sflag:s19] =	ssyncadd.s32 $0xFFFFFB80  }
0x133: {  	[spmem:s15] =	stream.linear.scatter [tilespmem:s18], [sflag:$0x5], $0x1200, $0x38;
	[tilespmem:$0x10FE0] =	vst v63  }
0x134: {  	_ =	swait.ge [sflag:s19], $0x1200  }
0x135: {  	[sflag:s19] =	ssyncset.done $0x0  }
0x136: {  	[sflag:s19] =	ssyncadd.s32 $0xFFFFEE00  }
0x137: {  	[spmem:s16] =	stream.linear.scatter [tilespmem:s20], [sflag:$0x5], $0x480, $0x38;
	[tilespmem:$0x10FE0] =	vst v63  }
0x138: {  	_ =	swait.ge [sflag:s19], $0x480  }
0x139: {  	[sflag:s19] =	ssyncset.done $0x0  }
0x13a: {  	[sflag:s19] =	ssyncadd.s32 $0xFFFFFB80  }
0x13b: {  	[bflag:$0x0] =	sbarrier.arrive $0xFFFF  }
0x13c: {  	s8 =	rddreg [dreg:$0x18]  }
0x13d: {  	[tilespmem:s1], [sflag:$0x1] =	stream.linear.gather [hbm4b:s8+s1], $0x50, $0x38;
	[tilespmem:$0x10FE0] =	vst v63  }
0x13e: {  	s9 =	rddreg [dreg:$0x19]  }
0x13f: {  	[tilespmem:s21], [sflag:$0x1] =	stream.linear.gather [hbm4b:s9+s1], $0x50, $0x38;
	[tilespmem:$0x10FE0] =	vst v63  }
0x140: {  	s7 =	rddreg [dreg:$0x1a]  }
0x141: {  	[tilespmem:s24], [sflag:$0x2] =	stream.linear.gather [hbm4b:s7+s1], $0x50, $0x38;
	[tilespmem:$0x10FE0] =	vst v63  }
0x142: {  	s8 =	rddreg [dreg:$0x1b]  }
0x143: {  	[tilespmem:s26], [sflag:$0x2] =	stream.linear.gather [hbm4b:s8+s1], $0x50, $0x38;
	[tilespmem:$0x10FE0] =	vst v63  }
0x144: {  	_ =	swait.ge [sflag:s17], $0x50  }
0x145: {  	[sflag:s17] =	ssyncset.done $0x0  }
0x146: {  	[sflag:s17] =	ssyncadd.s32 $0xFFFFFFB0  }
0x147: {  	_ =	swait.ge [sflag:s17], $0x50  }
0x148: {  	[sflag:s17] =	ssyncset.done $0x0  }
0x149: {  	[sflag:s17] =	ssyncadd.s32 $0xFFFFFFB0  }
0x14a: {  	v3 =	vld [tilespmem:$0x0]  }
0x14b: {  	v4 =	vld [tilespmem:$0x10]  }
0x14c: {  	v5 =	vld [tilespmem:$0x20]  }
0x14d: {  	v6 =	vld [tilespmem:$0x30]  }
0x14e: {  	v7 =	vld [tilespmem:$0x40]  }
0x14f: {  	v3 =	vshll.u32 v3, $0x1  }
0x150: {  	v4 =	vshll.u32 v4, $0x1;
	v3 =	vor.u32 v0, v3  }
0x151: {  	v61 =	vshll.u32 v5, $0x1;
	[tilespmem:$0x140] =	vst v3;
	v3 =	vor.u32 v0, v4  }
0x152: {  	v62 =	vshll.u32 v6, $0x1;
	[tilespmem:$0x150] =	vst v3;
	v3 =	vor.u32 v0, v61  }
0x153: {  	v63 =	vshll.u32 v7, $0x1;
	[tilespmem:$0x160] =	vst v3;
	v3 =	vor.u32 v0, v62  }
0x154: {  	[tilespmem:$0x170] =	vst v3;
	v3 =	vor.u32 v0, v63  }
0x155: {  	s6 =	simm.s32 $0xFFFFF650;
	s9 =	simm.s32 $0x140;
	[tilespmem:$0x180] =	vst v3  }
0x156: {  	[tilespmem:s31], [sflag:$0x3] =	stream.indirect.gather [hbm4b:s22+s24], $0x40, s9, s24, $0xb8;
	[tilespmem:$0x10FE0] =	vst v63  }
.LBB2_8:
0x157: {  	_ =	swait.ge [sflag:s25], $0x50  }
0x158: {  	[sflag:s25] =	ssyncset.done $0x0  }
0x159: {  	[sflag:s25] =	ssyncadd.s32 $0xFFFFFFB0  }
0x15a: {  	_ =	swait.ge [sflag:s25], $0x50  }
0x15b: {  	[sflag:s25] =	ssyncset.done $0x0  }
0x15c: {  	[sflag:s25] =	ssyncadd.s32 $0xFFFFFFB0  }
0x15d: {  	v3 =	vld [tilespmem:$0x50]  }
0x15e: {  	v4 =	vld [tilespmem:$0x60]  }
0x15f: {  	v5 =	vld [tilespmem:$0x70]  }
0x160: {  	v6 =	vld [tilespmem:$0x80]  }
0x161: {  	v7 =	vld [tilespmem:$0x90]  }
0x162: {  	v3 =	vshll.u32 v3, $0x1  }
0x163: {  	v4 =	vshll.u32 v4, $0x1;
	v3 =	vor.u32 v0, v3  }
0x164: {  	v61 =	vshll.u32 v5, $0x1;
	[tilespmem:$0x190] =	vst v3;
	v3 =	vor.u32 v0, v4  }
0x165: {  	v62 =	vshll.u32 v6, $0x1;
	[tilespmem:$0x1A0] =	vst v3;
	v3 =	vor.u32 v0, v61  }
0x166: {  	v63 =	vshll.u32 v7, $0x1;
	[tilespmem:$0x1B0] =	vst v3;
	v3 =	vor.u32 v0, v62  }
0x167: {  	[tilespmem:$0x1C0] =	vst v3;
	v3 =	vor.u32 v0, v63  }
0x168: {  	[tilespmem:$0x1D0] =	vst v3  }
0x169: {  	[tilespmem:s2], [sflag:$0x4] =	stream.indirect.gather [hbm4b:s22+s24], $0x40, s0, s24, $0xb8;
	[tilespmem:$0x10FE0] =	vst v63  }
0x16a: {  	_ =	swait.ge [sflag:s3], $0x1400  }
0x16b: {  	[sflag:s3] =	ssyncset.done $0x0  }
0x16c: {  	[sflag:s3] =	ssyncadd.s32 $0xFFFFEC00  }
0x16d: {  	[spmem:s23] =	stream.indirect.scatter.add.f32 [tilespmem:s31], [sflag:$0x5], $0x40, s21, s24, $0xb8;
	[tilespmem:$0x10FE0] =	vst v63  }
0x16e: {  	_ =	swait.ge [sflag:s19], $0x1400  }
0x16f: {  	s7 =	simm.s32 @!p0 $0x50;
	[sflag:s19] =	ssyncset.done $0x0  }
0x170: {  	s8 =	simm.s32 @!p0 $0xA0;
	s9 =	simm.s32 @!p0 $0x29E0;
	[sflag:s19] =	ssyncadd.s32 $0xFFFFEC00  }
0x171: {  	[spmem:s28] =	stream.indirect.scatter.add.f32 @!p0 [tilespmem:s9], [sflag:$0x5], $0x10, s8, s7, $0xb8;
	[tilespmem:$0x10FE0] =	vst v63  }
0x172: {  	s7 =	simm.s32 @!p0 $0x5  }
0x173: {  	p2 =	seq.s32 s6, $0x0;
	_ =	swait.ge @!p0 [sflag:s7], $0x500  }
0x174: {  	s8 =	sadd.s32 @!p2 s6, s30;
	[sflag:s7] =	ssyncset.done @!p0 $0x0  }
0x175: {  	[sflag:s7] =	ssyncadd.s32 @!p0 $0xFFFFFB00;
	s7 =	sadd.s32 @!p2 $0x9C4, s8;
	s8 =	simm.s32 @!p2 $0x0  }
0x176: {  	[tilespmem:s8], [sflag:$0x1] =	stream.linear.gather @!p2 [hbm4b:s7+s8], $0x50, $0x38;
	[tilespmem:$0x10FE0] =	vst v63  }
0x177: {  	s7 =	sadd.s32 @!p2 s6, s29  }
0x178: {  	s9 =	simm.s32 @!p2 $0xA0;
	s7 =	sadd.s32 @!p2 $0x9C4, s7  }
0x179: {  	[tilespmem:s9], [sflag:$0x1] =	stream.linear.gather @!p2 [hbm4b:s7+s8], $0x50, $0x38;
	[tilespmem:$0x10FE0] =	vst v63  }
0x17a: {  	s7 =	simm.s32 @!p2 $0x1  }
0x17b: {  	_ =	swait.ge @!p2 [sflag:s7], $0x50  }
0x17c: {  	[sflag:s7] =	ssyncset.done @!p2 $0x0  }
0x17d: {  	[sflag:s7] =	ssyncadd.s32 @!p2 $0xFFFFFFB0  }
0x17e: {  	_ =	swait.ge @!p2 [sflag:s7], $0x50  }
0x17f: {  	[sflag:s7] =	ssyncset.done @!p2 $0x0  }
0x180: {  	[sflag:s7] =	ssyncadd.s32 @!p2 $0xFFFFFFB0  }
0x181: {  	v3 =	vld @!p2 [tilespmem:$0x0]  }
0x182: {  	v4 =	vld @!p2 [tilespmem:$0x10]  }
0x183: {  	v5 =	vld @!p2 [tilespmem:$0x20]  }
0x184: {  	v6 =	vld @!p2 [tilespmem:$0x30]  }
0x185: {  	v7 =	vld @!p2 [tilespmem:$0x40]  }
0x186: {  	v3 =	vshll.u32 @!p2 v3, $0x1  }
0x187: {  	v4 =	vshll.u32 @!p2 v4, $0x1;
	v3 =	vor.u32 @!p2 v0, v3  }
0x188: {  	[tilespmem:$0x140] =	vst @!p2 v3;
	v3 =	vor.u32 @!p2 v0, v4;
	v4 =	vshll.u32 @!p2 v5, $0x1  }
0x189: {  	[tilespmem:$0x150] =	vst @!p2 v3;
	v3 =	vor.u32 @!p2 v0, v4;
	v4 =	vshll.u32 @!p2 v6, $0x1  }
0x18a: {  	[tilespmem:$0x160] =	vst @!p2 v3;
	v3 =	vor.u32 @!p2 v0, v4;
	v4 =	vshll.u32 @!p2 v7, $0x1  }
0x18b: {  	[tilespmem:$0x170] =	vst @!p2 v3;
	v3 =	vor.u32 @!p2 v0, v4  }
0x18c: {  	s8 =	simm.s32 @!p2 $0x140;
	s9 =	simm.s32 @!p2 $0x1E0;
	s7 =	simm.s32 @!p2 $0x50;
	[tilespmem:$0x180] =	vst @!p2 v3  }
0x18d: {  	[tilespmem:s9], [sflag:$0x3] =	stream.indirect.gather @!p2 [hbm4b:s22+s7], $0x40, s8, s7, $0xb8;
	[tilespmem:$0x10FE0] =	vst v63  }
0x18e: {  	_ =	swait.ge [sflag:s4], $0x1400  }
0x18f: {  	[sflag:s4] =	ssyncset.done $0x0  }
0x190: {  	[sflag:s4] =	ssyncadd.s32 $0xFFFFEC00  }
0x191: {  	[spmem:s23] =	stream.indirect.scatter.add.f32 [tilespmem:s2], [sflag:$0x5], $0x40, s26, s24, $0xb8;
	[tilespmem:$0x10FE0] =	vst v63  }
0x192: {  	_ =	swait.ge [sflag:s19], $0x1400  }
0x193: {  	s7 =	simm.s32 @!p1 $0x50;
	[sflag:s19] =	ssyncset.done $0x0  }
0x194: {  	s8 =	simm.s32 @!p1 $0xF0;
	s9 =	simm.s32 @!p1 $0x29E0;
	[sflag:s19] =	ssyncadd.s32 $0xFFFFEC00  }
0x195: {  	[spmem:s28] =	stream.indirect.scatter.add.f32 @!p1 [tilespmem:s9], [sflag:$0x5], $0x10, s8, s7, $0xb8;
	[tilespmem:$0x10FE0] =	vst v63  }
.Ltmp5:
0x196: {  	_ = 	snop;
	(pc) =	sbr.rel @p2 .LBB2_10-.Ltmp5, $4  }
0x197: {  	s7 =	simm.s32 @!p1 $0x5  }
0x198: {  	_ =	swait.ge @!p1 [sflag:s7], $0x500  }
0x199: {  	[sflag:s7] =	ssyncset.done @!p1 $0x0  }
0x19a: {  	[sflag:s7] =	ssyncadd.s32 @!p1 $0xFFFFFB00  }
.Ltmp6:
0x19b: {  	s7 =	sadd.s32 s6, s30;
	(pc) =	sbr.rel .LBB2_8-.Ltmp6, $4  }
0x19c: {  	s9 =	sadd.s32 s6, s29;
	s7 =	sadd.s32 $0x9CE, s7  }
0x19d: {  	[tilespmem:s24], [sflag:$0x2] =	stream.linear.gather [hbm4b:s7+s1], $0x50, $0x38;
	[tilespmem:$0x10FE0] =	vst v63  }
0x19e: {  	s6 =	sadd.s32 $0x14, s6;
	s7 =	sadd.s32 $0x9CE, s9  }
0x19f: {  	[tilespmem:s26], [sflag:$0x2] =	stream.linear.gather [hbm4b:s7+s1], $0x50, $0x38;
	[tilespmem:$0x10FE0] =	vst v63  }
.LBB2_11:
0x1a0: {  	_ =	sfence.sel $0x180000  }
0x1a1: {  	[bflag:$0x0] =	sbarrier.arrive $0xFFFF  }
0x1a2: {  	_ =	strace $0x90000047  }
0x1a3: {  	s0 =	stileid.u32;
	[bflag:$0x2] =	sbarrier.arrive $0xFFFF  }
0x1a4: {  	p0 =	sne.s32 s0, $0x0;
	s0 =	rddreg [dreg:$0x5]  }
0x1a5: {  	s0 =	sadd.s32 @!p0 $0x100000, s0  }
0x1a6: {  	[sflag:s0] =	ssyncadd.tile.s32 @!p0 $0x1;
	_ =	shalt  }
.Lfunc_end2:
_tile_overlayer_lowered:
.L_overlay_start_2:
0x1a7: {  	(tag) =	ssettag $0x2  }
0x1a8: {  	s0 =	rddreg [dreg:$0x0];
	s2 =	stileid.u32  }
0x1a9: {  	s1 =	rddreg [dreg:$0x1];
	p0 =	sne.s32 s2, $0x0  }
0x1aa: {  	s3 =	rddreg [dreg:$0x2];
	[bflag:$0x3] =	sbarrier.arrive $0xFFFF;
	s2 =	simm.s32 @!p0 $0x1C05  }
0x1ab: {  	[timem:s3], [sflag:s2] =	dma.local @!p0 [hbm:s0], s1  }
0x1ac: {  	s0 =	simm.s32 @!p0 $0x5  }
0x1ad: {  	_ =	swait.ge @!p0 [sflag:s0], s1  }
0x1ae: {  	s1 =	ssub.s32 @!p0 $0x0, s1;
	[sflag:s0] =	ssyncset.done @!p0 $0x0  }
0x1af: {  	[sflag:s0] =	ssyncadd.s32 @!p0 s1  }
0x1b0: {  	[bflag:$0x3] =	sbarrier.arrive $0xFFFF  }
0x1b1: {  	_ =	shalt  }

</sc_bundles>
